<compile_context>
chip_gen: v7x
topology: tpu7x:2x2x1
jax: 0.10.2.dev20260603
libtpu: 0.0.44.dev20260713+nightly
codegen_flags: <defaults>
</compile_context>

<pallas_src>
import jax
import jax.numpy as jnp
from jax import lax
from jax.experimental import pallas as pl
from jax.experimental.pallas import tpu as pltpu
from jax.experimental.pallas import tpu_sc as plsc

NN = 10000
EE = 320000
NGG = 100
DD = 128

NPC = 10240
NP = 2 * NPC
NTILE = 16
NCORE = 2
ECH = 128
CH = 160
SEG = 4
SCH = CH // SEG
RING = 4
TE = CH * ECH
RPT = NPC // NTILE
BLK = 1024
GRID = NP // BLK

_PREC = lax.Precision.HIGHEST
_PDEF = lax.Precision.DEFAULT


def _sc_mesh():
    return plsc.VectorSubcoreMesh(
        core_axis_name="c", subcore_axis_name="s",
        num_cores=NCORE, num_subcores=NTILE)


def _deg_body(dst_hbm, ones_hbm, zeros_hbm, out_hbm, dst_v, ones_v, shared):
    c = lax.axis_index("c")
    s = lax.axis_index("s")
    pltpu.sync_copy(dst_hbm.at[c, s], dst_v)
    pltpu.sync_copy(ones_hbm, ones_v)
    r0 = s * RPT
    pltpu.sync_copy(zeros_hbm.at[pl.ds(r0, RPT)], shared.at[pl.ds(r0, RPT)])
    plsc.subcore_barrier()

    def body(j, carry):
        pltpu.sync_copy(ones_v, shared.at[dst_v.at[j]], add=True)
        return carry

    lax.fori_loop(0, CH, body, 0)
    plsc.subcore_barrier()

    @pl.when(c == 0)
    def _():
        pltpu.sync_copy(shared.at[pl.ds(r0, RPT)], out_hbm.at[0, pl.ds(r0, RPT)])

    @pl.when(c == 1)
    def _():
        pltpu.sync_copy(shared.at[pl.ds(r0, RPT)], out_hbm.at[1, pl.ds(r0, RPT)])


_deg_call = pl.kernel(
    _deg_body,
    out_type=jax.ShapeDtypeStruct((NCORE, NPC, 16), jnp.float32),
    mesh=_sc_mesh(),
    scratch_types=[
        pltpu.VMEM((CH, ECH), jnp.int32),
        pltpu.VMEM((ECH, 16), jnp.float32),
        pltpu.VMEM_SHARED((NPC, 16), jnp.float32),
    ],
    compiler_params=pltpu.CompilerParams(use_tc_tiling_on_sc=False),
)


def _edge_body(u_hbm, src_hbm, dst_hbm, zeros_hbm, out_hbm,
               src_v, dst_v, rows0, rows1, rows2, rows3, shared, shared_u,
               sem0, sem1, sem2, sem3):
    c = lax.axis_index("c")
    s = lax.axis_index("s")
    r0 = s * RPT
    rows = (rows0, rows1, rows2, rows3)
    sems = (sem0, sem1, sem2, sem3)

    for h in range(2):
        pltpu.sync_copy(zeros_hbm.at[pl.ds(r0, RPT)],
                        shared.at[pl.ds(r0, RPT)])
        pltpu.sync_copy(u_hbm.at[h, c, pl.ds(r0, RPT)],
                        shared_u.at[pl.ds(r0, RPT)])
        plsc.subcore_barrier()

        def seg_body(g, carry):
            pltpu.sync_copy(src_hbm.at[c, s, pl.ds(g * SCH, SCH)], src_v)
            pltpu.sync_copy(dst_hbm.at[c, s, pl.ds(g * SCH, SCH)], dst_v)
            for k in range(RING):
                pltpu.async_copy(shared_u.at[src_v.at[k]], rows[k], sems[k])

            def quad(p, carry2):
                j0 = RING * p
                for k in range(RING):
                    pltpu.make_async_copy(
                        shared_u.at[pl.ds(0, ECH)], rows[k], sems[k]).wait()
                    pltpu.sync_copy(rows[k], shared.at[dst_v.at[j0 + k]],
                                    add=True)
                    pltpu.async_copy(
                        shared_u.at[
                            src_v.at[jnp.minimum(j0 + k + RING, SCH - 1)]],
                        rows[k], sems[k])
                return carry2

            lax.fori_loop(0, SCH // RING, quad, 0)
            for k in range(RING):
                pltpu.make_async_copy(
                    shared_u.at[pl.ds(0, ECH)], rows[k], sems[k]).wait()
            return carry

        lax.fori_loop(0, SEG, seg_body, 0)
        plsc.subcore_barrier()

        @pl.when(c == 0)
        def _():
            pltpu.sync_copy(shared.at[pl.ds(r0, RPT)],
                            out_hbm.at[h, 0, pl.ds(r0, RPT)])

        @pl.when(c == 1)
        def _():
            pltpu.sync_copy(shared.at[pl.ds(r0, RPT)],
                            out_hbm.at[h, 1, pl.ds(r0, RPT)])


def _mk_edge_call():
    return pl.kernel(
        _edge_body,
        out_type=jax.ShapeDtypeStruct((2, NCORE, NPC, 64), jnp.float32),
        mesh=_sc_mesh(),
        scratch_types=[
            pltpu.VMEM((SCH, ECH), jnp.int32),
            pltpu.VMEM((SCH, ECH), jnp.int32),
            pltpu.VMEM((ECH, 64), jnp.float32),
            pltpu.VMEM((ECH, 64), jnp.float32),
            pltpu.VMEM((ECH, 64), jnp.float32),
            pltpu.VMEM((ECH, 64), jnp.float32),
            pltpu.VMEM_SHARED((NPC, 64), jnp.float32),
            pltpu.VMEM_SHARED((NPC, 64), jnp.float32),
            pltpu.SemaphoreType.DMA,
            pltpu.SemaphoreType.DMA,
            pltpu.SemaphoreType.DMA,
            pltpu.SemaphoreType.DMA,
        ],
        compiler_params=pltpu.CompilerParams(use_tc_tiling_on_sc=False),
    )


_edge_call1 = _mk_edge_call()
_edge_call2 = _mk_edge_call()


def _tc1_body(x_ref, deg_ref, wl_ref, bl_ref, wr_ref, br_ref, w1_ref,
              u_ref, dinv_ref):
    i = pl.program_id(0)
    deg = deg_ref[:, 0:1] + 1.0
    rows = i * BLK + lax.broadcasted_iota(jnp.int32, (BLK, 1), 0)
    valid = (rows < NN) | ((rows >= NPC) & (rows < NPC + NN))
    dinv = jnp.where(valid, lax.rsqrt(deg), 0.0)
    x = x_ref[...]
    hl = jnp.dot(x, wl_ref[...], preferred_element_type=jnp.float32,
                 precision=_PDEF) + bl_ref[...]
    hr = jnp.dot(x, wr_ref[...], preferred_element_type=jnp.float32,
                 precision=_PDEF) + br_ref[...]
    h = jnp.where(rows < NPC, hl, hr)
    u = dinv * jnp.dot(h, w1_ref[...], preferred_element_type=jnp.float32,
                       precision=_PDEF)
    u_ref[...] = u
    dinv_ref[...] = dinv


def _tc1(x, deg, wl, bl, wr, br, w1):
    return pl.pallas_call(
        _tc1_body,
        grid=(GRID,),
        in_specs=[
            pl.BlockSpec((BLK, DD), lambda i: (i, 0)),
            pl.BlockSpec((BLK, 16), lambda i: (i, 0)),
            pl.BlockSpec((DD, DD), lambda i: (0, 0)),
            pl.BlockSpec((1, DD), lambda i: (0, 0)),
            pl.BlockSpec((DD, DD), lambda i: (0, 0)),
            pl.BlockSpec((1, DD), lambda i: (0, 0)),
            pl.BlockSpec((DD, DD), lambda i: (0, 0)),
        ],
        out_specs=[
            pl.BlockSpec((BLK, DD), lambda i: (i, 0)),
            pl.BlockSpec((BLK, 1), lambda i: (i, 0)),
        ],
        out_shape=[
            jax.ShapeDtypeStruct((NP, DD), jnp.float32),
            jax.ShapeDtypeStruct((NP, 1), jnp.float32),
        ],
    )(x, deg, wl, bl, wr, br, w1)


def _tc2_body(acc_ref, u_ref, dinv_ref, b1_ref, w2_ref, u2_ref):
    dinv = dinv_ref[...]
    o = jnp.maximum(dinv * (acc_ref[...] + u_ref[...]) + b1_ref[...], 0.0)
    u2_ref[...] = dinv * jnp.dot(o, w2_ref[...],
                                 preferred_element_type=jnp.float32,
                                 precision=_PDEF)


def _tc2(acc, u, dinv, b1, w2):
    return pl.pallas_call(
        _tc2_body,
        grid=(GRID,),
        in_specs=[
            pl.BlockSpec((BLK, DD), lambda i: (i, 0)),
            pl.BlockSpec((BLK, DD), lambda i: (i, 0)),
            pl.BlockSpec((BLK, 1), lambda i: (i, 0)),
            pl.BlockSpec((1, DD), lambda i: (0, 0)),
            pl.BlockSpec((DD, DD), lambda i: (0, 0)),
        ],
        out_specs=pl.BlockSpec((BLK, DD), lambda i: (i, 0)),
        out_shape=jax.ShapeDtypeStruct((NP, DD), jnp.float32),
    )(acc, u, dinv, b1, w2)


def _tc3_body(acc_ref, u2_ref, dinv_ref, b2_ref, seg_ref,
              wfc_ref, bfc_ref, out_ref, psum):
    i = pl.program_id(0)

    @pl.when(i == 0)
    def _():
        psum[...] = jnp.zeros_like(psum)

    dinv = dinv_ref[...]
    z = dinv * (acc_ref[...] + u2_ref[...]) + b2_ref[...]
    seg = seg_ref[...]
    segs = lax.broadcasted_iota(jnp.int32, (BLK, 256), 1)
    onehot = (seg == segs).astype(jnp.float32)
    zaug = jnp.concatenate([z, jnp.ones((BLK, DD), jnp.float32)], axis=1)
    psum[...] += lax.dot_general(
        onehot, zaug, (((0,), (0,)), ((), ())),
        preferred_element_type=jnp.float32, precision=_PREC)

    @pl.when(i == GRID - 1)
    def _():
        ps = psum[...]
        cnt = jnp.maximum(ps[:, DD:DD + 1], 1.0)
        p = ps[:, :DD] / cnt
        out = (jnp.dot(p[0:NGG], wfc_ref[0:DD],
                       preferred_element_type=jnp.float32, precision=_PDEF)
               + jnp.dot(p[NGG:2 * NGG], wfc_ref[DD:2 * DD],
                         preferred_element_type=jnp.float32, precision=_PDEF)
               + bfc_ref[...])
        out_ref[...] = out


def _tc3(acc, u2, dinv, b2, seg, wfc, bfc):
    return pl.pallas_call(
        _tc3_body,
        grid=(GRID,),
        in_specs=[
            pl.BlockSpec((BLK, DD), lambda i: (i, 0)),
            pl.BlockSpec((BLK, DD), lambda i: (i, 0)),
            pl.BlockSpec((BLK, 1), lambda i: (i, 0)),
            pl.BlockSpec((1, DD), lambda i: (0, 0)),
            pl.BlockSpec((BLK, 1), lambda i: (i, 0)),
            pl.BlockSpec((2 * DD, 2), lambda i: (0, 0)),
            pl.BlockSpec((1, 2), lambda i: (0, 0)),
        ],
        out_specs=pl.BlockSpec((NGG, 2), lambda i: (0, 0)),
        out_shape=jax.ShapeDtypeStruct((NGG, 2), jnp.float32),
        scratch_shapes=[pltpu.VMEM((256, 256), jnp.float32)],
    )(acc, u2, dinv, b2, seg, wfc, bfc)


def _pad_idx(a, fill):
    return (jnp.full((NTILE * TE,), fill, jnp.int32)
            .at[:EE].set(a).reshape(NTILE, CH, ECH))


def kernel(x1, edge_index1, batch1, x2, edge_index2, batch2,
           Wfcl, bfcl, Wfcr, bfcr, W1, b1, W2, b2, Wfc1, bfc1):
    f32 = jnp.float32
    x = (jnp.zeros((NP, DD), f32)
         .at[:NN].set(x1).at[NPC:NPC + NN].set(x2))
    srcs = jnp.stack([_pad_idx(edge_index1[0], 0),
                      _pad_idx(edge_index2[0], 0)])
    dsts = jnp.stack([_pad_idx(edge_index1[1], NPC - 1),
                      _pad_idx(edge_index2[1], NPC - 1)])
    seg = (jnp.full((NP, 1), 2 * NGG, jnp.int32)
           .at[:NN, 0].set(batch1)
           .at[NPC:NPC + NN, 0].set(batch2 + NGG))
    zeros_acc = jnp.zeros((NPC, 64), f32)
    zeros_deg = jnp.zeros((NPC, 16), f32)
    onescol = jnp.zeros((ECH, 16), f32).at[:, 0].set(1.0)

    degp = _deg_call(dsts, onescol, zeros_deg)
    deg = degp.reshape(NP, 16)
    u, dinv = _tc1(x, deg, Wfcl, bfcl.reshape(1, -1),
                   Wfcr, bfcr.reshape(1, -1), W1)
    uh = u.reshape(NCORE, NPC, 2, 64).transpose(2, 0, 1, 3)
    a1 = _edge_call1(uh, srcs, dsts, zeros_acc)
    acc1 = jnp.concatenate(
        [a1[0].reshape(NP, 64), a1[1].reshape(NP, 64)], axis=1)
    u2 = _tc2(acc1, u, dinv, b1.reshape(1, -1), W2)
    u2h = u2.reshape(NCORE, NPC, 2, 64).transpose(2, 0, 1, 3)
    a2 = _edge_call2(u2h, srcs, dsts, zeros_acc)
    acc2 = jnp.concatenate(
        [a2[0].reshape(NP, 64), a2[1].reshape(NP, 64)], axis=1)
    out = _tc3(acc2, u2, dinv, b2.reshape(1, -1), seg,
               Wfc1, bfc1.reshape(1, -1))
    return out

# --- scband reference (transcript-rebuilt; emitter-appended) ---
"""Pipeline reference for scband-gcn-9079560863942 (READ-ONLY COPY).

The authoritative reference and input builder live on the scoring server;
editing this copy changes nothing except your own understanding.
"""

import jax, jax.numpy as jnp
import numpy as np

N = 10000
E = 320000
NG = 100
D = 128
H = 128


def _gcn_conv(x, edge_index, W, b):
    n = x.shape[0]
    src = edge_index[0]
    dst = edge_index[1]
    loop = jnp.arange(n, dtype=src.dtype)
    src = jnp.concatenate([src, loop])
    dst = jnp.concatenate([dst, loop])
    deg = jnp.zeros((n,), dtype=x.dtype).at[dst].add(1.0)
    dinv = jax.lax.rsqrt(deg)
    norm = dinv[src] * dinv[dst]
    h = x @ W
    msg = h[src] * norm[:, None]
    out = jnp.zeros((n, h.shape[1]), dtype=x.dtype).at[dst].add(msg)
    return out + b


def _pool_mean(z, batch, ng):
    s = jax.ops.segment_sum(z, batch, num_segments=ng)
    cnt = jax.ops.segment_sum(jnp.ones((z.shape[0],), dtype=z.dtype), batch, num_segments=ng)
    return s / jnp.maximum(cnt, 1.0)[:, None]


def setup_inputs(seed: int = 0) -> dict:
    key = jax.random.key(seed)
    ks = jax.random.split(key, 16)
    x1 = jax.random.normal(ks[0], (N, D), dtype=jnp.float32)
    edge_index1 = jax.random.randint(ks[1], (2, E), 0, N, dtype=jnp.int32)
    batch1 = jnp.sort(jax.random.randint(ks[2], (N,), 0, NG, dtype=jnp.int32))
    x2 = jax.random.normal(ks[3], (N, D), dtype=jnp.float32)
    edge_index2 = jax.random.randint(ks[4], (2, E), 0, N, dtype=jnp.int32)
    batch2 = jnp.sort(jax.random.randint(ks[5], (N,), 0, NG, dtype=jnp.int32))
    s = 1.0 / np.sqrt(D)
    Wfcl = jax.random.normal(ks[6], (D, D), dtype=jnp.float32) * s
    bfcl = jnp.zeros((D,), dtype=jnp.float32)
    Wfcr = jax.random.normal(ks[7], (D, D), dtype=jnp.float32) * s
    bfcr = jnp.zeros((D,), dtype=jnp.float32)
    W1 = jax.random.normal(ks[8], (D, H), dtype=jnp.float32) * s
    b1 = jnp.zeros((H,), dtype=jnp.float32)
    W2 = jax.random.normal(ks[9], (H, H), dtype=jnp.float32) * (1.0 / np.sqrt(H))
    b2 = jnp.zeros((H,), dtype=jnp.float32)
    Wfc1 = jax.random.normal(ks[10], (2 * H, 2), dtype=jnp.float32) * (1.0 / np.sqrt(2 * H))
    bfc1 = jnp.zeros((2,), dtype=jnp.float32)
    return {
        'x1': x1, 'edge_index1': edge_index1, 'batch1': batch1,
        'x2': x2, 'edge_index2': edge_index2, 'batch2': batch2,
        'Wfcl': Wfcl, 'bfcl': bfcl, 'Wfcr': Wfcr, 'bfcr': bfcr,
        'W1': W1, 'b1': b1, 'W2': W2, 'b2': b2,
        'Wfc1': Wfc1, 'bfc1': bfc1,
    }


def reference(x1, edge_index1, batch1, x2, edge_index2, batch2, Wfcl, bfcl, Wfcr, bfcr, W1, b1, W2, b2, Wfc1, bfc1):
    h1 = x1 @ Wfcl + bfcl
    h2 = x2 @ Wfcr + bfcr
    o1 = jax.nn.relu(_gcn_conv(h1, edge_index1, W1, b1))
    o2 = jax.nn.relu(_gcn_conv(h2, edge_index2, W1, b1))
    z1 = _gcn_conv(o1, edge_index1, W2, b2)
    z2 = _gcn_conv(o2, edge_index2, W2, b2)
    p1 = _pool_mean(z1, batch1, NG)
    p2 = _pool_mean(z2, batch2, NG)
    xcat = jnp.concatenate([p1, p2], axis=1)
    out = xcat @ Wfc1 + bfc1
    return out

if __name__ == "__main__":
    import jax
    _d = setup_inputs()
    print(jax.jit(kernel)(*tuple(_d.values())))

</pallas_src>

<mosaic_0001>
#map = affine_map<(d0, d1) -> (0, 0, 0, 0)>
#map1 = affine_map<(d0, d1) -> (0, 0)>
module attributes {stable_mosaic.version = 14 : i64} {
  func.func @_edge_body(%arg0: i32, %arg1: i32, %arg2: memref<2x2x10240x64xf32, #tpu.memory_space<hbm>>, %arg3: memref<2x16x160x128xi32, #tpu.memory_space<hbm>>, %arg4: memref<2x16x160x128xi32, #tpu.memory_space<hbm>>, %arg5: memref<10240x64xf32, #tpu.memory_space<hbm>>, %arg6: memref<2x2x10240x64xf32, #tpu.memory_space<hbm>>, %arg7: memref<40x128xi32, #tpu.memory_space<vmem>>, %arg8: memref<40x128xi32, #tpu.memory_space<vmem>>, %arg9: memref<128x64xf32, #tpu.memory_space<vmem>>, %arg10: memref<128x64xf32, #tpu.memory_space<vmem>>, %arg11: memref<128x64xf32, #tpu.memory_space<vmem>>, %arg12: memref<128x64xf32, #tpu.memory_space<vmem>>, %arg13: memref<10240x64xf32, #tpu.memory_space<vmem_shared>>, %arg14: memref<10240x64xf32, #tpu.memory_space<vmem_shared>>, %arg15: memref<!tpu.dma_semaphore, #tpu.memory_space<semaphore_mem>>, %arg16: memref<!tpu.dma_semaphore, #tpu.memory_space<semaphore_mem>>, %arg17: memref<!tpu.dma_semaphore, #tpu.memory_space<semaphore_mem>>, %arg18: memref<!tpu.dma_semaphore, #tpu.memory_space<semaphore_mem>>) attributes {dimension_semantics = [#tpu.dimension_semantics<core_parallel>, #tpu.dimension_semantics<subcore_parallel>], iteration_bounds = array<i64: 2, 16>, scalar_prefetch = 0 : i64, scratch_operands = 12 : i64, tpu.core_type = #tpu.core_type<sc_vector_subcore>, window_params = [{transform_indices = #map}, {transform_indices = #map}, {transform_indices = #map}, {transform_indices = #map1}, {transform_indices = #map}]} {
    %mul3A = arith.constant 640 : i32
    %mul3A_0 = arith.muli %arg1, %mul3A : i32
    "tpu.region"() ({
      %run_scoped3A_33 = tpu.sem_alloc : memref<!tpu.dma_semaphore, #tpu.memory_space<semaphore_mem>>
      %dma_start3A = arith.constant 0 : i32
      %dma_start3A_34 = tpu.memref_slice %arg13[%mul3A_0, %dma_start3A] : memref<10240x64xf32, #tpu.memory_space<vmem_shared>> -> memref<640x64xf32, #tpu.memory_space<vmem_shared>>
      %dma_start3A_35 = arith.constant 0 : i32
      %dma_start3A_36 = tpu.memref_slice %arg5[%mul3A_0, %dma_start3A_35] : memref<10240x64xf32, #tpu.memory_space<hbm>> -> memref<640x64xf32, #tpu.memory_space<hbm>>
      tpu.enqueue_dma source(%dma_start3A_36 : memref<640x64xf32, #tpu.memory_space<hbm>>) target(%dma_start3A_34 : memref<640x64xf32, #tpu.memory_space<vmem_shared>>) target_semaphore(%run_scoped3A_33 : memref<!tpu.dma_semaphore, #tpu.memory_space<semaphore_mem>>)
      %dma_wait3A = arith.constant 0 : i32
      %dma_wait3A_37 = tpu.memref_slice %arg13[%mul3A_0, %dma_wait3A] : memref<10240x64xf32, #tpu.memory_space<vmem_shared>> -> memref<640x64xf32, #tpu.memory_space<vmem_shared>>
      %dma_wait3A_38 = arith.constant 0 : i32
      %dma_wait3A_39 = tpu.memref_slice %arg5[%mul3A_0, %dma_wait3A_38] : memref<10240x64xf32, #tpu.memory_space<hbm>> -> memref<640x64xf32, #tpu.memory_space<hbm>>
      tpu.wait_dma2 semaphore(%run_scoped3A_33 : memref<!tpu.dma_semaphore, #tpu.memory_space<semaphore_mem>>) src(%dma_wait3A_39 : memref<640x64xf32, #tpu.memory_space<hbm>>) dst(%dma_wait3A_37 : memref<640x64xf32, #tpu.memory_space<vmem_shared>>)
      tpu.yield
    }) : () -> ()
    %run_scoped3A = arith.constant 0 : i32
    "tpu.region"() ({
      %run_scoped3A_33 = tpu.sem_alloc : memref<!tpu.dma_semaphore, #tpu.memory_space<semaphore_mem>>
      %dma_start3A = arith.constant 0 : i32
      %dma_start3A_34 = tpu.memref_slice %arg14[%mul3A_0, %dma_start3A] : memref<10240x64xf32, #tpu.memory_space<vmem_shared>> -> memref<640x64xf32, #tpu.memory_space<vmem_shared>>
      %dma_start3A_35 = arith.constant 0 : i32
      %dma_start3A_36 = tpu.memref_slice %arg2[%run_scoped3A, %arg0, %mul3A_0, %dma_start3A_35] : memref<2x2x10240x64xf32, #tpu.memory_space<hbm>> -> memref<1x1x640x64xf32, #tpu.memory_space<hbm>>
      %dma_start3A_37 = tpu.memref_squeeze %dma_start3A_36 : memref<1x1x640x64xf32, #tpu.memory_space<hbm>> -> memref<640x64xf32, #tpu.memory_space<hbm>>
      tpu.enqueue_dma source(%dma_start3A_37 : memref<640x64xf32, #tpu.memory_space<hbm>>) target(%dma_start3A_34 : memref<640x64xf32, #tpu.memory_space<vmem_shared>>) target_semaphore(%run_scoped3A_33 : memref<!tpu.dma_semaphore, #tpu.memory_space<semaphore_mem>>)
      %dma_wait3A = arith.constant 0 : i32
      %dma_wait3A_38 = tpu.memref_slice %arg14[%mul3A_0, %dma_wait3A] : memref<10240x64xf32, #tpu.memory_space<vmem_shared>> -> memref<640x64xf32, #tpu.memory_space<vmem_shared>>
      %dma_wait3A_39 = arith.constant 0 : i32
      %dma_wait3A_40 = tpu.memref_slice %arg2[%run_scoped3A, %arg0, %mul3A_0, %dma_wait3A_39] : memref<2x2x10240x64xf32, #tpu.memory_space<hbm>> -> memref<1x1x640x64xf32, #tpu.memory_space<hbm>>
      %dma_wait3A_41 = tpu.memref_squeeze %dma_wait3A_40 : memref<1x1x640x64xf32, #tpu.memory_space<hbm>> -> memref<640x64xf32, #tpu.memory_space<hbm>>
      tpu.wait_dma2 semaphore(%run_scoped3A_33 : memref<!tpu.dma_semaphore, #tpu.memory_space<semaphore_mem>>) src(%dma_wait3A_41 : memref<640x64xf32, #tpu.memory_space<hbm>>) dst(%dma_wait3A_38 : memref<640x64xf32, #tpu.memory_space<vmem_shared>>)
      tpu.yield
    }) : () -> ()
    %barrier3A = arith.constant 0 : index
    tpu.barrier barrier_id(%barrier3A)
    %scan3A = arith.constant 0 : i32
    %scan3A_1 = arith.constant 0 : i32
    %scan3A_2 = arith.constant 4 : i32
    %scan3A_3 = arith.addi %scan3A_1, %scan3A_2 : i32
    %scan3A_4 = arith.constant 1 : i32
    scf.for %scan3A_33 = %scan3A_1 to %scan3A_3 step %scan3A_4  : i32 {
      %mul3A_34 = arith.constant 40 : i32
      %mul3A_35 = arith.muli %scan3A_33, %mul3A_34 : i32
      "tpu.region"() ({
        %run_scoped3A_94 = tpu.sem_alloc : memref<!tpu.dma_semaphore, #tpu.memory_space<semaphore_mem>>
        %dma_start3A_95 = arith.constant 0 : i32
        %dma_start3A_96 = tpu.memref_slice %arg3[%arg0, %arg1, %mul3A_35, %dma_start3A_95] : memref<2x16x160x128xi32, #tpu.memory_space<hbm>> -> memref<1x1x40x128xi32, #tpu.memory_space<hbm>>
        %dma_start3A_97 = tpu.memref_squeeze %dma_start3A_96 : memref<1x1x40x128xi32, #tpu.memory_space<hbm>> -> memref<40x128xi32, #tpu.memory_space<hbm>>
        %dma_start3A_98 = arith.constant 0 : i32
        %dma_start3A_99 = tpu.memref_slice %arg3[%arg0, %arg1, %mul3A_35, %dma_start3A_98] : memref<2x16x160x128xi32, #tpu.memory_space<hbm>> -> memref<1x1x40x128xi32, #tpu.memory_space<hbm>>
        %dma_start3A_100 = tpu.memref_squeeze %dma_start3A_99 : memref<1x1x40x128xi32, #tpu.memory_space<hbm>> -> memref<40x128xi32, #tpu.memory_space<hbm>>
        tpu.enqueue_dma source(%dma_start3A_100 : memref<40x128xi32, #tpu.memory_space<hbm>>) target(%arg7 : memref<40x128xi32, #tpu.memory_space<vmem>>) target_semaphore(%run_scoped3A_94 : memref<!tpu.dma_semaphore, #tpu.memory_space<semaphore_mem>>)
        %dma_wait3A_101 = arith.constant 0 : i32
        %dma_wait3A_102 = tpu.memref_slice %arg3[%arg0, %arg1, %mul3A_35, %dma_wait3A_101] : memref<2x16x160x128xi32, #tpu.memory_space<hbm>> -> memref<1x1x40x128xi32, #tpu.memory_space<hbm>>
        %dma_wait3A_103 = tpu.memref_squeeze %dma_wait3A_102 : memref<1x1x40x128xi32, #tpu.memory_space<hbm>> -> memref<40x128xi32, #tpu.memory_space<hbm>>
        %dma_wait3A_104 = arith.constant 0 : i32
        %dma_wait3A_105 = tpu.memref_slice %arg3[%arg0, %arg1, %mul3A_35, %dma_wait3A_104] : memref<2x16x160x128xi32, #tpu.memory_space<hbm>> -> memref<1x1x40x128xi32, #tpu.memory_space<hbm>>
        %dma_wait3A_106 = tpu.memref_squeeze %dma_wait3A_105 : memref<1x1x40x128xi32, #tpu.memory_space<hbm>> -> memref<40x128xi32, #tpu.memory_space<hbm>>
        tpu.wait_dma2 semaphore(%run_scoped3A_94 : memref<!tpu.dma_semaphore, #tpu.memory_space<semaphore_mem>>) src(%dma_wait3A_106 : memref<40x128xi32, #tpu.memory_space<hbm>>) dst(%arg7 : memref<40x128xi32, #tpu.memory_space<vmem>>)
        tpu.yield
      }) : () -> ()
      %mul3A_36 = arith.constant 40 : i32
      %mul3A_37 = arith.muli %scan3A_33, %mul3A_36 : i32
      "tpu.region"() ({
        %run_scoped3A_94 = tpu.sem_alloc : memref<!tpu.dma_semaphore, #tpu.memory_space<semaphore_mem>>
        %dma_start3A_95 = arith.constant 0 : i32
        %dma_start3A_96 = tpu.memref_slice %arg4[%arg0, %arg1, %mul3A_37, %dma_start3A_95] : memref<2x16x160x128xi32, #tpu.memory_space<hbm>> -> memref<1x1x40x128xi32, #tpu.memory_space<hbm>>
        %dma_start3A_97 = tpu.memref_squeeze %dma_start3A_96 : memref<1x1x40x128xi32, #tpu.memory_space<hbm>> -> memref<40x128xi32, #tpu.memory_space<hbm>>
        %dma_start3A_98 = arith.constant 0 : i32
        %dma_start3A_99 = tpu.memref_slice %arg4[%arg0, %arg1, %mul3A_37, %dma_start3A_98] : memref<2x16x160x128xi32, #tpu.memory_space<hbm>> -> memref<1x1x40x128xi32, #tpu.memory_space<hbm>>
        %dma_start3A_100 = tpu.memref_squeeze %dma_start3A_99 : memref<1x1x40x128xi32, #tpu.memory_space<hbm>> -> memref<40x128xi32, #tpu.memory_space<hbm>>
        tpu.enqueue_dma source(%dma_start3A_100 : memref<40x128xi32, #tpu.memory_space<hbm>>) target(%arg8 : memref<40x128xi32, #tpu.memory_space<vmem>>) target_semaphore(%run_scoped3A_94 : memref<!tpu.dma_semaphore, #tpu.memory_space<semaphore_mem>>)
        %dma_wait3A_101 = arith.constant 0 : i32
        %dma_wait3A_102 = tpu.memref_slice %arg4[%arg0, %arg1, %mul3A_37, %dma_wait3A_101] : memref<2x16x160x128xi32, #tpu.memory_space<hbm>> -> memref<1x1x40x128xi32, #tpu.memory_space<hbm>>
        %dma_wait3A_103 = tpu.memref_squeeze %dma_wait3A_102 : memref<1x1x40x128xi32, #tpu.memory_space<hbm>> -> memref<40x128xi32, #tpu.memory_space<hbm>>
        %dma_wait3A_104 = arith.constant 0 : i32
        %dma_wait3A_105 = tpu.memref_slice %arg4[%arg0, %arg1, %mul3A_37, %dma_wait3A_104] : memref<2x16x160x128xi32, #tpu.memory_space<hbm>> -> memref<1x1x40x128xi32, #tpu.memory_space<hbm>>
        %dma_wait3A_106 = tpu.memref_squeeze %dma_wait3A_105 : memref<1x1x40x128xi32, #tpu.memory_space<hbm>> -> memref<40x128xi32, #tpu.memory_space<hbm>>
        tpu.wait_dma2 semaphore(%run_scoped3A_94 : memref<!tpu.dma_semaphore, #tpu.memory_space<semaphore_mem>>) src(%dma_wait3A_106 : memref<40x128xi32, #tpu.memory_space<hbm>>) dst(%arg8 : memref<40x128xi32, #tpu.memory_space<vmem>>)
        tpu.yield
      }) : () -> ()
      %dma_start3A = arith.constant 0 : i32
      %dma_start3A_38 = arith.constant 0 : i32
      %dma_start3A_39 = tpu.memref_slice %arg7[%dma_start3A, %dma_start3A_38] : memref<40x128xi32, #tpu.memory_space<vmem>> -> memref<1x128xi32, #tpu.memory_space<vmem>>
      %dma_start3A_40 = tpu.memref_squeeze %dma_start3A_39 : memref<1x128xi32, #tpu.memory_space<vmem>> -> memref<128xi32, #tpu.memory_space<vmem>>
      %dma_start3A_41 = arith.constant 0 : i32
      %dma_start3A_42 = arith.constant 0 : i32
      %dma_start3A_43 = tpu.memref_slice %arg14[%dma_start3A_41, %dma_start3A_42] : memref<10240x64xf32, #tpu.memory_space<vmem_shared>> -> memref<10240x64xf32, #tpu.memory_space<vmem_shared>>
      tpu.enqueue_indirect_dma source(%dma_start3A_43 : memref<10240x64xf32, #tpu.memory_space<vmem_shared>>) target(%arg9 : memref<128x64xf32, #tpu.memory_space<vmem>>) offsets(%dma_start3A_40 : memref<128xi32, #tpu.memory_space<vmem>>) semaphore(%arg15 : memref<!tpu.dma_semaphore, #tpu.memory_space<semaphore_mem>>)
      %dma_start3A_44 = arith.constant 1 : i32
      %dma_start3A_45 = arith.constant 0 : i32
      %dma_start3A_46 = tpu.memref_slice %arg7[%dma_start3A_44, %dma_start3A_45] : memref<40x128xi32, #tpu.memory_space<vmem>> -> memref<1x128xi32, #tpu.memory_space<vmem>>
      %dma_start3A_47 = tpu.memref_squeeze %dma_start3A_46 : memref<1x128xi32, #tpu.memory_space<vmem>> -> memref<128xi32, #tpu.memory_space<vmem>>
      %dma_start3A_48 = arith.constant 0 : i32
      %dma_start3A_49 = arith.constant 0 : i32
      %dma_start3A_50 = tpu.memref_slice %arg14[%dma_start3A_48, %dma_start3A_49] : memref<10240x64xf32, #tpu.memory_space<vmem_shared>> -> memref<10240x64xf32, #tpu.memory_space<vmem_shared>>
      tpu.enqueue_indirect_dma source(%dma_start3A_50 : memref<10240x64xf32, #tpu.memory_space<vmem_shared>>) target(%arg10 : memref<128x64xf32, #tpu.memory_space<vmem>>) offsets(%dma_start3A_47 : memref<128xi32, #tpu.memory_space<vmem>>) semaphore(%arg16 : memref<!tpu.dma_semaphore, #tpu.memory_space<semaphore_mem>>)
      %dma_start3A_51 = arith.constant 2 : i32
      %dma_start3A_52 = arith.constant 0 : i32
      %dma_start3A_53 = tpu.memref_slice %arg7[%dma_start3A_51, %dma_start3A_52] : memref<40x128xi32, #tpu.memory_space<vmem>> -> memref<1x128xi32, #tpu.memory_space<vmem>>
      %dma_start3A_54 = tpu.memref_squeeze %dma_start3A_53 : memref<1x128xi32, #tpu.memory_space<vmem>> -> memref<128xi32, #tpu.memory_space<vmem>>
      %dma_start3A_55 = arith.constant 0 : i32
      %dma_start3A_56 = arith.constant 0 : i32
      %dma_start3A_57 = tpu.memref_slice %arg14[%dma_start3A_55, %dma_start3A_56] : memref<10240x64xf32, #tpu.memory_space<vmem_shared>> -> memref<10240x64xf32, #tpu.memory_space<vmem_shared>>
      tpu.enqueue_indirect_dma source(%dma_start3A_57 : memref<10240x64xf32, #tpu.memory_space<vmem_shared>>) target(%arg11 : memref<128x64xf32, #tpu.memory_space<vmem>>) offsets(%dma_start3A_54 : memref<128xi32, #tpu.memory_space<vmem>>) semaphore(%arg17 : memref<!tpu.dma_semaphore, #tpu.memory_space<semaphore_mem>>)
      %dma_start3A_58 = arith.constant 3 : i32
      %dma_start3A_59 = arith.constant 0 : i32
      %dma_start3A_60 = tpu.memref_slice %arg7[%dma_start3A_58, %dma_start3A_59] : memref<40x128xi32, #tpu.memory_space<vmem>> -> memref<1x128xi32, #tpu.memory_space<vmem>>
      %dma_start3A_61 = tpu.memref_squeeze %dma_start3A_60 : memref<1x128xi32, #tpu.memory_space<vmem>> -> memref<128xi32, #tpu.memory_space<vmem>>
      %dma_start3A_62 = arith.constant 0 : i32
      %dma_start3A_63 = arith.constant 0 : i32
      %dma_start3A_64 = tpu.memref_slice %arg14[%dma_start3A_62, %dma_start3A_63] : memref<10240x64xf32, #tpu.memory_space<vmem_shared>> -> memref<10240x64xf32, #tpu.memory_space<vmem_shared>>
      tpu.enqueue_indirect_dma source(%dma_start3A_64 : memref<10240x64xf32, #tpu.memory_space<vmem_shared>>) target(%arg12 : memref<128x64xf32, #tpu.memory_space<vmem>>) offsets(%dma_start3A_61 : memref<128xi32, #tpu.memory_space<vmem>>) semaphore(%arg18 : memref<!tpu.dma_semaphore, #tpu.memory_space<semaphore_mem>>)
      %scan3A_65 = arith.constant 0 : i32
      %scan3A_66 = arith.constant 0 : i32
      %scan3A_67 = arith.constant 10 : i32
      %scan3A_68 = arith.addi %scan3A_66, %scan3A_67 : i32
      %scan3A_69 = arith.constant 1 : i32
      scf.for %scan3A_94 = %scan3A_66 to %scan3A_68 step %scan3A_69  : i32 {
        %mul3A_95 = arith.constant 4 : i32
        %mul3A_96 = arith.muli %mul3A_95, %scan3A_94 : i32
        %dma_wait3A_97 = arith.constant 0 : i32
        %dma_wait3A_98 = arith.constant 0 : i32
        %dma_wait3A_99 = tpu.memref_slice %arg14[%dma_wait3A_97, %dma_wait3A_98] : memref<10240x64xf32, #tpu.memory_space<vmem_shared>> -> memref<128x64xf32, #tpu.memory_space<vmem_shared>>
        %dma_wait3A_100 = arith.constant 0 : i32
        %dma_wait3A_101 = arith.constant 0 : i32
        %dma_wait3A_102 = tpu.memref_slice %arg14[%dma_wait3A_100, %dma_wait3A_101] : memref<10240x64xf32, #tpu.memory_space<vmem_shared>> -> memref<128x64xf32, #tpu.memory_space<vmem_shared>>
        tpu.wait_dma2 semaphore(%arg15 : memref<!tpu.dma_semaphore, #tpu.memory_space<semaphore_mem>>) src(%dma_wait3A_102 : memref<128x64xf32, #tpu.memory_space<vmem_shared>>) dst(%arg9 : memref<128x64xf32, #tpu.memory_space<vmem>>)
        %add3A = arith.constant 0 : i32
        %add3A_103 = arith.addi %mul3A_96, %add3A : i32
        "tpu.region"() ({
          %run_scoped3A_175 = tpu.sem_alloc : memref<!tpu.dma_semaphore, #tpu.memory_space<semaphore_mem>>
          %dma_start3A_176 = arith.constant 0 : i32
          %dma_start3A_177 = tpu.memref_slice %arg8[%add3A_103, %dma_start3A_176] : memref<40x128xi32, #tpu.memory_space<vmem>> -> memref<1x128xi32, #tpu.memory_space<vmem>>
          %dma_start3A_178 = tpu.memref_squeeze %dma_start3A_177 : memref<1x128xi32, #tpu.memory_space<vmem>> -> memref<128xi32, #tpu.memory_space<vmem>>
          %dma_start3A_179 = arith.constant 0 : i32
          %dma_start3A_180 = arith.constant 0 : i32
          %dma_start3A_181 = tpu.memref_slice %arg13[%dma_start3A_179, %dma_start3A_180] : memref<10240x64xf32, #tpu.memory_space<vmem_shared>> -> memref<10240x64xf32, #tpu.memory_space<vmem_shared>>
          tpu.enqueue_indirect_dma source(%arg9 : memref<128x64xf32, #tpu.memory_space<vmem>>) target(%dma_start3A_181 : memref<10240x64xf32, #tpu.memory_space<vmem_shared>>) offsets(%dma_start3A_178 : memref<128xi32, #tpu.memory_space<vmem>>) semaphore(%run_scoped3A_175 : memref<!tpu.dma_semaphore, #tpu.memory_space<semaphore_mem>>) {add = true}
          %dma_wait3A_182 = arith.constant 0 : i32
          %dma_wait3A_183 = tpu.memref_slice %arg8[%add3A_103, %dma_wait3A_182] : memref<40x128xi32, #tpu.memory_space<vmem>> -> memref<1x128xi32, #tpu.memory_space<vmem>>
          %dma_wait3A_184 = tpu.memref_squeeze %dma_wait3A_183 : memref<1x128xi32, #tpu.memory_space<vmem>> -> memref<128xi32, #tpu.memory_space<vmem>>
          %dma_wait3A_185 = arith.constant 0 : i32
          %dma_wait3A_186 = arith.constant 0 : i32
          %dma_wait3A_187 = tpu.memref_slice %arg13[%dma_wait3A_185, %dma_wait3A_186] : memref<10240x64xf32, #tpu.memory_space<vmem_shared>> -> memref<10240x64xf32, #tpu.memory_space<vmem_shared>>
          tpu.wait_indirect_dma semaphore(%run_scoped3A_175 : memref<!tpu.dma_semaphore, #tpu.memory_space<semaphore_mem>>) src(%arg9 : memref<128x64xf32, #tpu.memory_space<vmem>>) dst(%dma_wait3A_187 : memref<10240x64xf32, #tpu.memory_space<vmem_shared>>)
          tpu.yield
        }) : () -> ()
        %add3A_104 = arith.constant 0 : i32
        %add3A_105 = arith.addi %mul3A_96, %add3A_104 : i32
        %add3A_106 = arith.constant 4 : i32
        %add3A_107 = arith.addi %add3A_105, %add3A_106 : i32
        %min3A = arith.constant 39 : i32
        %min3A_108 = arith.minsi %add3A_107, %min3A : i32
        %dma_start3A_109 = arith.constant 0 : i32
        %dma_start3A_110 = tpu.memref_slice %arg7[%min3A_108, %dma_start3A_109] : memref<40x128xi32, #tpu.memory_space<vmem>> -> memref<1x128xi32, #tpu.memory_space<vmem>>
        %dma_start3A_111 = tpu.memref_squeeze %dma_start3A_110 : memref<1x128xi32, #tpu.memory_space<vmem>> -> memref<128xi32, #tpu.memory_space<vmem>>
        %dma_start3A_112 = arith.constant 0 : i32
        %dma_start3A_113 = arith.constant 0 : i32
        %dma_start3A_114 = tpu.memref_slice %arg14[%dma_start3A_112, %dma_start3A_113] : memref<10240x64xf32, #tpu.memory_space<vmem_shared>> -> memref<10240x64xf32, #tpu.memory_space<vmem_shared>>
        tpu.enqueue_indirect_dma source(%dma_start3A_114 : memref<10240x64xf32, #tpu.memory_space<vmem_shared>>) target(%arg9 : memref<128x64xf32, #tpu.memory_space<vmem>>) offsets(%dma_start3A_111 : memref<128xi32, #tpu.memory_space<vmem>>) semaphore(%arg15 : memref<!tpu.dma_semaphore, #tpu.memory_space<semaphore_mem>>)
        %dma_wait3A_115 = arith.constant 0 : i32
        %dma_wait3A_116 = arith.constant 0 : i32
        %dma_wait3A_117 = tpu.memref_slice %arg14[%dma_wait3A_115, %dma_wait3A_116] : memref<10240x64xf32, #tpu.memory_space<vmem_shared>> -> memref<128x64xf32, #tpu.memory_space<vmem_shared>>
        %dma_wait3A_118 = arith.constant 0 : i32
        %dma_wait3A_119 = arith.constant 0 : i32
        %dma_wait3A_120 = tpu.memref_slice %arg14[%dma_wait3A_118, %dma_wait3A_119] : memref<10240x64xf32, #tpu.memory_space<vmem_shared>> -> memref<128x64xf32, #tpu.memory_space<vmem_shared>>
        tpu.wait_dma2 semaphore(%arg16 : memref<!tpu.dma_semaphore, #tpu.memory_space<semaphore_mem>>) src(%dma_wait3A_120 : memref<128x64xf32, #tpu.memory_space<vmem_shared>>) dst(%arg10 : memref<128x64xf32, #tpu.memory_space<vmem>>)
        %add3A_121 = arith.constant 1 : i32
        %add3A_122 = arith.addi %mul3A_96, %add3A_121 : i32
        "tpu.region"() ({
          %run_scoped3A_175 = tpu.sem_alloc : memref<!tpu.dma_semaphore, #tpu.memory_space<semaphore_mem>>
          %dma_start3A_176 = arith.constant 0 : i32
          %dma_start3A_177 = tpu.memref_slice %arg8[%add3A_122, %dma_start3A_176] : memref<40x128xi32, #tpu.memory_space<vmem>> -> memref<1x128xi32, #tpu.memory_space<vmem>>
          %dma_start3A_178 = tpu.memref_squeeze %dma_start3A_177 : memref<1x128xi32, #tpu.memory_space<vmem>> -> memref<128xi32, #tpu.memory_space<vmem>>
          %dma_start3A_179 = arith.constant 0 : i32
          %dma_start3A_180 = arith.constant 0 : i32
          %dma_start3A_181 = tpu.memref_slice %arg13[%dma_start3A_179, %dma_start3A_180] : memref<10240x64xf32, #tpu.memory_space<vmem_shared>> -> memref<10240x64xf32, #tpu.memory_space<vmem_shared>>
          tpu.enqueue_indirect_dma source(%arg10 : memref<128x64xf32, #tpu.memory_space<vmem>>) target(%dma_start3A_181 : memref<10240x64xf32, #tpu.memory_space<vmem_shared>>) offsets(%dma_start3A_178 : memref<128xi32, #tpu.memory_space<vmem>>) semaphore(%run_scoped3A_175 : memref<!tpu.dma_semaphore, #tpu.memory_space<semaphore_mem>>) {add = true}
          %dma_wait3A_182 = arith.constant 0 : i32
          %dma_wait3A_183 = tpu.memref_slice %arg8[%add3A_122, %dma_wait3A_182] : memref<40x128xi32, #tpu.memory_space<vmem>> -> memref<1x128xi32, #tpu.memory_space<vmem>>
          %dma_wait3A_184 = tpu.memref_squeeze %dma_wait3A_183 : memref<1x128xi32, #tpu.memory_space<vmem>> -> memref<128xi32, #tpu.memory_space<vmem>>
          %dma_wait3A_185 = arith.constant 0 : i32
          %dma_wait3A_186 = arith.constant 0 : i32
          %dma_wait3A_187 = tpu.memref_slice %arg13[%dma_wait3A_185, %dma_wait3A_186] : memref<10240x64xf32, #tpu.memory_space<vmem_shared>> -> memref<10240x64xf32, #tpu.memory_space<vmem_shared>>
          tpu.wait_indirect_dma semaphore(%run_scoped3A_175 : memref<!tpu.dma_semaphore, #tpu.memory_space<semaphore_mem>>) src(%arg10 : memref<128x64xf32, #tpu.memory_space<vmem>>) dst(%dma_wait3A_187 : memref<10240x64xf32, #tpu.memory_space<vmem_shared>>)
          tpu.yield
        }) : () -> ()
        %add3A_123 = arith.constant 1 : i32
        %add3A_124 = arith.addi %mul3A_96, %add3A_123 : i32
        %add3A_125 = arith.constant 4 : i32
        %add3A_126 = arith.addi %add3A_124, %add3A_125 : i32
        %min3A_127 = arith.constant 39 : i32
        %min3A_128 = arith.minsi %add3A_126, %min3A_127 : i32
        %dma_start3A_129 = arith.constant 0 : i32
        %dma_start3A_130 = tpu.memref_slice %arg7[%min3A_128, %dma_start3A_129] : memref<40x128xi32, #tpu.memory_space<vmem>> -> memref<1x128xi32, #tpu.memory_space<vmem>>
        %dma_start3A_131 = tpu.memref_squeeze %dma_start3A_130 : memref<1x128xi32, #tpu.memory_space<vmem>> -> memref<128xi32, #tpu.memory_space<vmem>>
        %dma_start3A_132 = arith.constant 0 : i32
        %dma_start3A_133 = arith.constant 0 : i32
        %dma_start3A_134 = tpu.memref_slice %arg14[%dma_start3A_132, %dma_start3A_133] : memref<10240x64xf32, #tpu.memory_space<vmem_shared>> -> memref<10240x64xf32, #tpu.memory_space<vmem_shared>>
        tpu.enqueue_indirect_dma source(%dma_start3A_134 : memref<10240x64xf32, #tpu.memory_space<vmem_shared>>) target(%arg10 : memref<128x64xf32, #tpu.memory_space<vmem>>) offsets(%dma_start3A_131 : memref<128xi32, #tpu.memory_space<vmem>>) semaphore(%arg16 : memref<!tpu.dma_semaphore, #tpu.memory_space<semaphore_mem>>)
        %dma_wait3A_135 = arith.constant 0 : i32
        %dma_wait3A_136 = arith.constant 0 : i32
        %dma_wait3A_137 = tpu.memref_slice %arg14[%dma_wait3A_135, %dma_wait3A_136] : memref<10240x64xf32, #tpu.memory_space<vmem_shared>> -> memref<128x64xf32, #tpu.memory_space<vmem_shared>>
        %dma_wait3A_138 = arith.constant 0 : i32
        %dma_wait3A_139 = arith.constant 0 : i32
        %dma_wait3A_140 = tpu.memref_slice %arg14[%dma_wait3A_138, %dma_wait3A_139] : memref<10240x64xf32, #tpu.memory_space<vmem_shared>> -> memref<128x64xf32, #tpu.memory_space<vmem_shared>>
        tpu.wait_dma2 semaphore(%arg17 : memref<!tpu.dma_semaphore, #tpu.memory_space<semaphore_mem>>) src(%dma_wait3A_140 : memref<128x64xf32, #tpu.memory_space<vmem_shared>>) dst(%arg11 : memref<128x64xf32, #tpu.memory_space<vmem>>)
        %add3A_141 = arith.constant 2 : i32
        %add3A_142 = arith.addi %mul3A_96, %add3A_141 : i32
        "tpu.region"() ({
          %run_scoped3A_175 = tpu.sem_alloc : memref<!tpu.dma_semaphore, #tpu.memory_space<semaphore_mem>>
          %dma_start3A_176 = arith.constant 0 : i32
          %dma_start3A_177 = tpu.memref_slice %arg8[%add3A_142, %dma_start3A_176] : memref<40x128xi32, #tpu.memory_space<vmem>> -> memref<1x128xi32, #tpu.memory_space<vmem>>
          %dma_start3A_178 = tpu.memref_squeeze %dma_start3A_177 : memref<1x128xi32, #tpu.memory_space<vmem>> -> memref<128xi32, #tpu.memory_space<vmem>>
          %dma_start3A_179 = arith.constant 0 : i32
          %dma_start3A_180 = arith.constant 0 : i32
          %dma_start3A_181 = tpu.memref_slice %arg13[%dma_start3A_179, %dma_start3A_180] : memref<10240x64xf32, #tpu.memory_space<vmem_shared>> -> memref<10240x64xf32, #tpu.memory_space<vmem_shared>>
          tpu.enqueue_indirect_dma source(%arg11 : memref<128x64xf32, #tpu.memory_space<vmem>>) target(%dma_start3A_181 : memref<10240x64xf32, #tpu.memory_space<vmem_shared>>) offsets(%dma_start3A_178 : memref<128xi32, #tpu.memory_space<vmem>>) semaphore(%run_scoped3A_175 : memref<!tpu.dma_semaphore, #tpu.memory_space<semaphore_mem>>) {add = true}
          %dma_wait3A_182 = arith.constant 0 : i32
          %dma_wait3A_183 = tpu.memref_slice %arg8[%add3A_142, %dma_wait3A_182] : memref<40x128xi32, #tpu.memory_space<vmem>> -> memref<1x128xi32, #tpu.memory_space<vmem>>
          %dma_wait3A_184 = tpu.memref_squeeze %dma_wait3A_183 : memref<1x128xi32, #tpu.memory_space<vmem>> -> memref<128xi32, #tpu.memory_space<vmem>>
          %dma_wait3A_185 = arith.constant 0 : i32
          %dma_wait3A_186 = arith.constant 0 : i32
          %dma_wait3A_187 = tpu.memref_slice %arg13[%dma_wait3A_185, %dma_wait3A_186] : memref<10240x64xf32, #tpu.memory_space<vmem_shared>> -> memref<10240x64xf32, #tpu.memory_space<vmem_shared>>
          tpu.wait_indirect_dma semaphore(%run_scoped3A_175 : memref<!tpu.dma_semaphore, #tpu.memory_space<semaphore_mem>>) src(%arg11 : memref<128x64xf32, #tpu.memory_space<vmem>>) dst(%dma_wait3A_187 : memref<10240x64xf32, #tpu.memory_space<vmem_shared>>)
          tpu.yield
        }) : () -> ()
        %add3A_143 = arith.constant 2 : i32
        %add3A_144 = arith.addi %mul3A_96, %add3A_143 : i32
        %add3A_145 = arith.constant 4 : i32
        %add3A_146 = arith.addi %add3A_144, %add3A_145 : i32
        %min3A_147 = arith.constant 39 : i32
        %min3A_148 = arith.minsi %add3A_146, %min3A_147 : i32
        %dma_start3A_149 = arith.constant 0 : i32
        %dma_start3A_150 = tpu.memref_slice %arg7[%min3A_148, %dma_start3A_149] : memref<40x128xi32, #tpu.memory_space<vmem>> -> memref<1x128xi32, #tpu.memory_space<vmem>>
        %dma_start3A_151 = tpu.memref_squeeze %dma_start3A_150 : memref<1x128xi32, #tpu.memory_space<vmem>> -> memref<128xi32, #tpu.memory_space<vmem>>
        %dma_start3A_152 = arith.constant 0 : i32
        %dma_start3A_153 = arith.constant 0 : i32
        %dma_start3A_154 = tpu.memref_slice %arg14[%dma_start3A_152, %dma_start3A_153] : memref<10240x64xf32, #tpu.memory_space<vmem_shared>> -> memref<10240x64xf32, #tpu.memory_space<vmem_shared>>
        tpu.enqueue_indirect_dma source(%dma_start3A_154 : memref<10240x64xf32, #tpu.memory_space<vmem_shared>>) target(%arg11 : memref<128x64xf32, #tpu.memory_space<vmem>>) offsets(%dma_start3A_151 : memref<128xi32, #tpu.memory_space<vmem>>) semaphore(%arg17 : memref<!tpu.dma_semaphore, #tpu.memory_space<semaphore_mem>>)
        %dma_wait3A_155 = arith.constant 0 : i32
        %dma_wait3A_156 = arith.constant 0 : i32
        %dma_wait3A_157 = tpu.memref_slice %arg14[%dma_wait3A_155, %dma_wait3A_156] : memref<10240x64xf32, #tpu.memory_space<vmem_shared>> -> memref<128x64xf32, #tpu.memory_space<vmem_shared>>
        %dma_wait3A_158 = arith.constant 0 : i32
        %dma_wait3A_159 = arith.constant 0 : i32
        %dma_wait3A_160 = tpu.memref_slice %arg14[%dma_wait3A_158, %dma_wait3A_159] : memref<10240x64xf32, #tpu.memory_space<vmem_shared>> -> memref<128x64xf32, #tpu.memory_space<vmem_shared>>
        tpu.wait_dma2 semaphore(%arg18 : memref<!tpu.dma_semaphore, #tpu.memory_space<semaphore_mem>>) src(%dma_wait3A_160 : memref<128x64xf32, #tpu.memory_space<vmem_shared>>) dst(%arg12 : memref<128x64xf32, #tpu.memory_space<vmem>>)
        %add3A_161 = arith.constant 3 : i32
        %add3A_162 = arith.addi %mul3A_96, %add3A_161 : i32
        "tpu.region"() ({
          %run_scoped3A_175 = tpu.sem_alloc : memref<!tpu.dma_semaphore, #tpu.memory_space<semaphore_mem>>
          %dma_start3A_176 = arith.constant 0 : i32
          %dma_start3A_177 = tpu.memref_slice %arg8[%add3A_162, %dma_start3A_176] : memref<40x128xi32, #tpu.memory_space<vmem>> -> memref<1x128xi32, #tpu.memory_space<vmem>>
          %dma_start3A_178 = tpu.memref_squeeze %dma_start3A_177 : memref<1x128xi32, #tpu.memory_space<vmem>> -> memref<128xi32, #tpu.memory_space<vmem>>
          %dma_start3A_179 = arith.constant 0 : i32
          %dma_start3A_180 = arith.constant 0 : i32
          %dma_start3A_181 = tpu.memref_slice %arg13[%dma_start3A_179, %dma_start3A_180] : memref<10240x64xf32, #tpu.memory_space<vmem_shared>> -> memref<10240x64xf32, #tpu.memory_space<vmem_shared>>
          tpu.enqueue_indirect_dma source(%arg12 : memref<128x64xf32, #tpu.memory_space<vmem>>) target(%dma_start3A_181 : memref<10240x64xf32, #tpu.memory_space<vmem_shared>>) offsets(%dma_start3A_178 : memref<128xi32, #tpu.memory_space<vmem>>) semaphore(%run_scoped3A_175 : memref<!tpu.dma_semaphore, #tpu.memory_space<semaphore_mem>>) {add = true}
          %dma_wait3A_182 = arith.constant 0 : i32
          %dma_wait3A_183 = tpu.memref_slice %arg8[%add3A_162, %dma_wait3A_182] : memref<40x128xi32, #tpu.memory_space<vmem>> -> memref<1x128xi32, #tpu.memory_space<vmem>>
          %dma_wait3A_184 = tpu.memref_squeeze %dma_wait3A_183 : memref<1x128xi32, #tpu.memory_space<vmem>> -> memref<128xi32, #tpu.memory_space<vmem>>
          %dma_wait3A_185 = arith.constant 0 : i32
          %dma_wait3A_186 = arith.constant 0 : i32
          %dma_wait3A_187 = tpu.memref_slice %arg13[%dma_wait3A_185, %dma_wait3A_186] : memref<10240x64xf32, #tpu.memory_space<vmem_shared>> -> memref<10240x64xf32, #tpu.memory_space<vmem_shared>>
          tpu.wait_indirect_dma semaphore(%run_scoped3A_175 : memref<!tpu.dma_semaphore, #tpu.memory_space<semaphore_mem>>) src(%arg12 : memref<128x64xf32, #tpu.memory_space<vmem>>) dst(%dma_wait3A_187 : memref<10240x64xf32, #tpu.memory_space<vmem_shared>>)
          tpu.yield
        }) : () -> ()
        %add3A_163 = arith.constant 3 : i32
        %add3A_164 = arith.addi %mul3A_96, %add3A_163 : i32
        %add3A_165 = arith.constant 4 : i32
        %add3A_166 = arith.addi %add3A_164, %add3A_165 : i32
        %min3A_167 = arith.constant 39 : i32
        %min3A_168 = arith.minsi %add3A_166, %min3A_167 : i32
        %dma_start3A_169 = arith.constant 0 : i32
        %dma_start3A_170 = tpu.memref_slice %arg7[%min3A_168, %dma_start3A_169] : memref<40x128xi32, #tpu.memory_space<vmem>> -> memref<1x128xi32, #tpu.memory_space<vmem>>
        %dma_start3A_171 = tpu.memref_squeeze %dma_start3A_170 : memref<1x128xi32, #tpu.memory_space<vmem>> -> memref<128xi32, #tpu.memory_space<vmem>>
        %dma_start3A_172 = arith.constant 0 : i32
        %dma_start3A_173 = arith.constant 0 : i32
        %dma_start3A_174 = tpu.memref_slice %arg14[%dma_start3A_172, %dma_start3A_173] : memref<10240x64xf32, #tpu.memory_space<vmem_shared>> -> memref<10240x64xf32, #tpu.memory_space<vmem_shared>>
        tpu.enqueue_indirect_dma source(%dma_start3A_174 : memref<10240x64xf32, #tpu.memory_space<vmem_shared>>) target(%arg12 : memref<128x64xf32, #tpu.memory_space<vmem>>) offsets(%dma_start3A_171 : memref<128xi32, #tpu.memory_space<vmem>>) semaphore(%arg18 : memref<!tpu.dma_semaphore, #tpu.memory_space<semaphore_mem>>)
      }
      %scan3A_70 = arith.constant 10 : i32
      %dma_wait3A = arith.constant 0 : i32
      %dma_wait3A_71 = arith.constant 0 : i32
      %dma_wait3A_72 = tpu.memref_slice %arg14[%dma_wait3A, %dma_wait3A_71] : memref<10240x64xf32, #tpu.memory_space<vmem_shared>> -> memref<128x64xf32, #tpu.memory_space<vmem_shared>>
      %dma_wait3A_73 = arith.constant 0 : i32
      %dma_wait3A_74 = arith.constant 0 : i32
      %dma_wait3A_75 = tpu.memref_slice %arg14[%dma_wait3A_73, %dma_wait3A_74] : memref<10240x64xf32, #tpu.memory_space<vmem_shared>> -> memref<128x64xf32, #tpu.memory_space<vmem_shared>>
      tpu.wait_dma2 semaphore(%arg15 : memref<!tpu.dma_semaphore, #tpu.memory_space<semaphore_mem>>) src(%dma_wait3A_75 : memref<128x64xf32, #tpu.memory_space<vmem_shared>>) dst(%arg9 : memref<128x64xf32, #tpu.memory_space<vmem>>)
      %dma_wait3A_76 = arith.constant 0 : i32
      %dma_wait3A_77 = arith.constant 0 : i32
      %dma_wait3A_78 = tpu.memref_slice %arg14[%dma_wait3A_76, %dma_wait3A_77] : memref<10240x64xf32, #tpu.memory_space<vmem_shared>> -> memref<128x64xf32, #tpu.memory_space<vmem_shared>>
      %dma_wait3A_79 = arith.constant 0 : i32
      %dma_wait3A_80 = arith.constant 0 : i32
      %dma_wait3A_81 = tpu.memref_slice %arg14[%dma_wait3A_79, %dma_wait3A_80] : memref<10240x64xf32, #tpu.memory_space<vmem_shared>> -> memref<128x64xf32, #tpu.memory_space<vmem_shared>>
      tpu.wait_dma2 semaphore(%arg16 : memref<!tpu.dma_semaphore, #tpu.memory_space<semaphore_mem>>) src(%dma_wait3A_81 : memref<128x64xf32, #tpu.memory_space<vmem_shared>>) dst(%arg10 : memref<128x64xf32, #tpu.memory_space<vmem>>)
      %dma_wait3A_82 = arith.constant 0 : i32
      %dma_wait3A_83 = arith.constant 0 : i32
      %dma_wait3A_84 = tpu.memref_slice %arg14[%dma_wait3A_82, %dma_wait3A_83] : memref<10240x64xf32, #tpu.memory_space<vmem_shared>> -> memref<128x64xf32, #tpu.memory_space<vmem_shared>>
      %dma_wait3A_85 = arith.constant 0 : i32
      %dma_wait3A_86 = arith.constant 0 : i32
      %dma_wait3A_87 = tpu.memref_slice %arg14[%dma_wait3A_85, %dma_wait3A_86] : memref<10240x64xf32, #tpu.memory_space<vmem_shared>> -> memref<128x64xf32, #tpu.memory_space<vmem_shared>>
      tpu.wait_dma2 semaphore(%arg17 : memref<!tpu.dma_semaphore, #tpu.memory_space<semaphore_mem>>) src(%dma_wait3A_87 : memref<128x64xf32, #tpu.memory_space<vmem_shared>>) dst(%arg11 : memref<128x64xf32, #tpu.memory_space<vmem>>)
      %dma_wait3A_88 = arith.constant 0 : i32
      %dma_wait3A_89 = arith.constant 0 : i32
      %dma_wait3A_90 = tpu.memref_slice %arg14[%dma_wait3A_88, %dma_wait3A_89] : memref<10240x64xf32, #tpu.memory_space<vmem_shared>> -> memref<128x64xf32, #tpu.memory_space<vmem_shared>>
      %dma_wait3A_91 = arith.constant 0 : i32
      %dma_wait3A_92 = arith.constant 0 : i32
      %dma_wait3A_93 = tpu.memref_slice %arg14[%dma_wait3A_91, %dma_wait3A_92] : memref<10240x64xf32, #tpu.memory_space<vmem_shared>> -> memref<128x64xf32, #tpu.memory_space<vmem_shared>>
      tpu.wait_dma2 semaphore(%arg18 : memref<!tpu.dma_semaphore, #tpu.memory_space<semaphore_mem>>) src(%dma_wait3A_93 : memref<128x64xf32, #tpu.memory_space<vmem_shared>>) dst(%arg12 : memref<128x64xf32, #tpu.memory_space<vmem>>)
    }
    %scan3A_5 = arith.constant 4 : i32
    %barrier3A_6 = arith.constant 0 : index
    tpu.barrier barrier_id(%barrier3A_6)
    %eq3A = arith.constant 0 : i32
    %eq3A_7 = arith.cmpi eq, %arg0, %eq3A : i32
    %convert_element_type3A = arith.extui %eq3A_7 : i1 to i32
    %cond3A = arith.constant 0 : i32
    %cond3A_8 = arith.cmpi ne, %convert_element_type3A, %cond3A : i32
    scf.if %cond3A_8 {
      %run_scoped3A_33 = arith.constant 0 : i32
      %run_scoped3A_34 = arith.constant 0 : i32
      "tpu.region"() ({
        %run_scoped3A_35 = tpu.sem_alloc : memref<!tpu.dma_semaphore, #tpu.memory_space<semaphore_mem>>
        %dma_start3A = arith.constant 0 : i32
        %dma_start3A_36 = tpu.memref_slice %arg6[%run_scoped3A_33, %run_scoped3A_34, %mul3A_0, %dma_start3A] : memref<2x2x10240x64xf32, #tpu.memory_space<hbm>> -> memref<1x1x640x64xf32, #tpu.memory_space<hbm>>
        %dma_start3A_37 = tpu.memref_squeeze %dma_start3A_36 : memref<1x1x640x64xf32, #tpu.memory_space<hbm>> -> memref<640x64xf32, #tpu.memory_space<hbm>>
        %dma_start3A_38 = arith.constant 0 : i32
        %dma_start3A_39 = tpu.memref_slice %arg13[%mul3A_0, %dma_start3A_38] : memref<10240x64xf32, #tpu.memory_space<vmem_shared>> -> memref<640x64xf32, #tpu.memory_space<vmem_shared>>
        tpu.enqueue_dma source(%dma_start3A_39 : memref<640x64xf32, #tpu.memory_space<vmem_shared>>) target(%dma_start3A_37 : memref<640x64xf32, #tpu.memory_space<hbm>>) target_semaphore(%run_scoped3A_35 : memref<!tpu.dma_semaphore, #tpu.memory_space<semaphore_mem>>)
        %dma_wait3A = arith.constant 0 : i32
        %dma_wait3A_40 = tpu.memref_slice %arg6[%run_scoped3A_33, %run_scoped3A_34, %mul3A_0, %dma_wait3A] : memref<2x2x10240x64xf32, #tpu.memory_space<hbm>> -> memref<1x1x640x64xf32, #tpu.memory_space<hbm>>
        %dma_wait3A_41 = tpu.memref_squeeze %dma_wait3A_40 : memref<1x1x640x64xf32, #tpu.memory_space<hbm>> -> memref<640x64xf32, #tpu.memory_space<hbm>>
        %dma_wait3A_42 = arith.constant 0 : i32
        %dma_wait3A_43 = tpu.memref_slice %arg13[%mul3A_0, %dma_wait3A_42] : memref<10240x64xf32, #tpu.memory_space<vmem_shared>> -> memref<640x64xf32, #tpu.memory_space<vmem_shared>>
        tpu.wait_dma2 semaphore(%run_scoped3A_35 : memref<!tpu.dma_semaphore, #tpu.memory_space<semaphore_mem>>) src(%dma_wait3A_43 : memref<640x64xf32, #tpu.memory_space<vmem_shared>>) dst(%dma_wait3A_41 : memref<640x64xf32, #tpu.memory_space<hbm>>)
        tpu.yield
      }) : () -> ()
    } else {
    }
    %eq3A_9 = arith.constant 1 : i32
    %eq3A_10 = arith.cmpi eq, %arg0, %eq3A_9 : i32
    %convert_element_type3A_11 = arith.extui %eq3A_10 : i1 to i32
    %cond3A_12 = arith.constant 0 : i32
    %cond3A_13 = arith.cmpi ne, %convert_element_type3A_11, %cond3A_12 : i32
    scf.if %cond3A_13 {
      %run_scoped3A_33 = arith.constant 0 : i32
      %run_scoped3A_34 = arith.constant 1 : i32
      "tpu.region"() ({
        %run_scoped3A_35 = tpu.sem_alloc : memref<!tpu.dma_semaphore, #tpu.memory_space<semaphore_mem>>
        %dma_start3A = arith.constant 0 : i32
        %dma_start3A_36 = tpu.memref_slice %arg6[%run_scoped3A_33, %run_scoped3A_34, %mul3A_0, %dma_start3A] : memref<2x2x10240x64xf32, #tpu.memory_space<hbm>> -> memref<1x1x640x64xf32, #tpu.memory_space<hbm>>
        %dma_start3A_37 = tpu.memref_squeeze %dma_start3A_36 : memref<1x1x640x64xf32, #tpu.memory_space<hbm>> -> memref<640x64xf32, #tpu.memory_space<hbm>>
        %dma_start3A_38 = arith.constant 0 : i32
        %dma_start3A_39 = tpu.memref_slice %arg13[%mul3A_0, %dma_start3A_38] : memref<10240x64xf32, #tpu.memory_space<vmem_shared>> -> memref<640x64xf32, #tpu.memory_space<vmem_shared>>
        tpu.enqueue_dma source(%dma_start3A_39 : memref<640x64xf32, #tpu.memory_space<vmem_shared>>) target(%dma_start3A_37 : memref<640x64xf32, #tpu.memory_space<hbm>>) target_semaphore(%run_scoped3A_35 : memref<!tpu.dma_semaphore, #tpu.memory_space<semaphore_mem>>)
        %dma_wait3A = arith.constant 0 : i32
        %dma_wait3A_40 = tpu.memref_slice %arg6[%run_scoped3A_33, %run_scoped3A_34, %mul3A_0, %dma_wait3A] : memref<2x2x10240x64xf32, #tpu.memory_space<hbm>> -> memref<1x1x640x64xf32, #tpu.memory_space<hbm>>
        %dma_wait3A_41 = tpu.memref_squeeze %dma_wait3A_40 : memref<1x1x640x64xf32, #tpu.memory_space<hbm>> -> memref<640x64xf32, #tpu.memory_space<hbm>>
        %dma_wait3A_42 = arith.constant 0 : i32
        %dma_wait3A_43 = tpu.memref_slice %arg13[%mul3A_0, %dma_wait3A_42] : memref<10240x64xf32, #tpu.memory_space<vmem_shared>> -> memref<640x64xf32, #tpu.memory_space<vmem_shared>>
        tpu.wait_dma2 semaphore(%run_scoped3A_35 : memref<!tpu.dma_semaphore, #tpu.memory_space<semaphore_mem>>) src(%dma_wait3A_43 : memref<640x64xf32, #tpu.memory_space<vmem_shared>>) dst(%dma_wait3A_41 : memref<640x64xf32, #tpu.memory_space<hbm>>)
        tpu.yield
      }) : () -> ()
    } else {
    }
    "tpu.region"() ({
      %run_scoped3A_33 = tpu.sem_alloc : memref<!tpu.dma_semaphore, #tpu.memory_space<semaphore_mem>>
      %dma_start3A = arith.constant 0 : i32
      %dma_start3A_34 = tpu.memref_slice %arg13[%mul3A_0, %dma_start3A] : memref<10240x64xf32, #tpu.memory_space<vmem_shared>> -> memref<640x64xf32, #tpu.memory_space<vmem_shared>>
      %dma_start3A_35 = arith.constant 0 : i32
      %dma_start3A_36 = tpu.memref_slice %arg5[%mul3A_0, %dma_start3A_35] : memref<10240x64xf32, #tpu.memory_space<hbm>> -> memref<640x64xf32, #tpu.memory_space<hbm>>
      tpu.enqueue_dma source(%dma_start3A_36 : memref<640x64xf32, #tpu.memory_space<hbm>>) target(%dma_start3A_34 : memref<640x64xf32, #tpu.memory_space<vmem_shared>>) target_semaphore(%run_scoped3A_33 : memref<!tpu.dma_semaphore, #tpu.memory_space<semaphore_mem>>)
      %dma_wait3A = arith.constant 0 : i32
      %dma_wait3A_37 = tpu.memref_slice %arg13[%mul3A_0, %dma_wait3A] : memref<10240x64xf32, #tpu.memory_space<vmem_shared>> -> memref<640x64xf32, #tpu.memory_space<vmem_shared>>
      %dma_wait3A_38 = arith.constant 0 : i32
      %dma_wait3A_39 = tpu.memref_slice %arg5[%mul3A_0, %dma_wait3A_38] : memref<10240x64xf32, #tpu.memory_space<hbm>> -> memref<640x64xf32, #tpu.memory_space<hbm>>
      tpu.wait_dma2 semaphore(%run_scoped3A_33 : memref<!tpu.dma_semaphore, #tpu.memory_space<semaphore_mem>>) src(%dma_wait3A_39 : memref<640x64xf32, #tpu.memory_space<hbm>>) dst(%dma_wait3A_37 : memref<640x64xf32, #tpu.memory_space<vmem_shared>>)
      tpu.yield
    }) : () -> ()
    %run_scoped3A_14 = arith.constant 1 : i32
    "tpu.region"() ({
      %run_scoped3A_33 = tpu.sem_alloc : memref<!tpu.dma_semaphore, #tpu.memory_space<semaphore_mem>>
      %dma_start3A = arith.constant 0 : i32
      %dma_start3A_34 = tpu.memref_slice %arg14[%mul3A_0, %dma_start3A] : memref<10240x64xf32, #tpu.memory_space<vmem_shared>> -> memref<640x64xf32, #tpu.memory_space<vmem_shared>>
      %dma_start3A_35 = arith.constant 0 : i32
      %dma_start3A_36 = tpu.memref_slice %arg2[%run_scoped3A_14, %arg0, %mul3A_0, %dma_start3A_35] : memref<2x2x10240x64xf32, #tpu.memory_space<hbm>> -> memref<1x1x640x64xf32, #tpu.memory_space<hbm>>
      %dma_start3A_37 = tpu.memref_squeeze %dma_start3A_36 : memref<1x1x640x64xf32, #tpu.memory_space<hbm>> -> memref<640x64xf32, #tpu.memory_space<hbm>>
      tpu.enqueue_dma source(%dma_start3A_37 : memref<640x64xf32, #tpu.memory_space<hbm>>) target(%dma_start3A_34 : memref<640x64xf32, #tpu.memory_space<vmem_shared>>) target_semaphore(%run_scoped3A_33 : memref<!tpu.dma_semaphore, #tpu.memory_space<semaphore_mem>>)
      %dma_wait3A = arith.constant 0 : i32
      %dma_wait3A_38 = tpu.memref_slice %arg14[%mul3A_0, %dma_wait3A] : memref<10240x64xf32, #tpu.memory_space<vmem_shared>> -> memref<640x64xf32, #tpu.memory_space<vmem_shared>>
      %dma_wait3A_39 = arith.constant 0 : i32
      %dma_wait3A_40 = tpu.memref_slice %arg2[%run_scoped3A_14, %arg0, %mul3A_0, %dma_wait3A_39] : memref<2x2x10240x64xf32, #tpu.memory_space<hbm>> -> memref<1x1x640x64xf32, #tpu.memory_space<hbm>>
      %dma_wait3A_41 = tpu.memref_squeeze %dma_wait3A_40 : memref<1x1x640x64xf32, #tpu.memory_space<hbm>> -> memref<640x64xf32, #tpu.memory_space<hbm>>
      tpu.wait_dma2 semaphore(%run_scoped3A_33 : memref<!tpu.dma_semaphore, #tpu.memory_space<semaphore_mem>>) src(%dma_wait3A_41 : memref<640x64xf32, #tpu.memory_space<hbm>>) dst(%dma_wait3A_38 : memref<640x64xf32, #tpu.memory_space<vmem_shared>>)
      tpu.yield
    }) : () -> ()
    %barrier3A_15 = arith.constant 0 : index
    tpu.barrier barrier_id(%barrier3A_15)
    %scan3A_16 = arith.constant 0 : i32
    %scan3A_17 = arith.constant 0 : i32
    %scan3A_18 = arith.constant 4 : i32
    %scan3A_19 = arith.addi %scan3A_17, %scan3A_18 : i32
    %scan3A_20 = arith.constant 1 : i32
    scf.for %scan3A_33 = %scan3A_17 to %scan3A_19 step %scan3A_20  : i32 {
      %mul3A_34 = arith.constant 40 : i32
      %mul3A_35 = arith.muli %scan3A_33, %mul3A_34 : i32
      "tpu.region"() ({
        %run_scoped3A_94 = tpu.sem_alloc : memref<!tpu.dma_semaphore, #tpu.memory_space<semaphore_mem>>
        %dma_start3A_95 = arith.constant 0 : i32
        %dma_start3A_96 = tpu.memref_slice %arg3[%arg0, %arg1, %mul3A_35, %dma_start3A_95] : memref<2x16x160x128xi32, #tpu.memory_space<hbm>> -> memref<1x1x40x128xi32, #tpu.memory_space<hbm>>
        %dma_start3A_97 = tpu.memref_squeeze %dma_start3A_96 : memref<1x1x40x128xi32, #tpu.memory_space<hbm>> -> memref<40x128xi32, #tpu.memory_space<hbm>>
        %dma_start3A_98 = arith.constant 0 : i32
        %dma_start3A_99 = tpu.memref_slice %arg3[%arg0, %arg1, %mul3A_35, %dma_start3A_98] : memref<2x16x160x128xi32, #tpu.memory_space<hbm>> -> memref<1x1x40x128xi32, #tpu.memory_space<hbm>>
        %dma_start3A_100 = tpu.memref_squeeze %dma_start3A_99 : memref<1x1x40x128xi32, #tpu.memory_space<hbm>> -> memref<40x128xi32, #tpu.memory_space<hbm>>
        tpu.enqueue_dma source(%dma_start3A_100 : memref<40x128xi32, #tpu.memory_space<hbm>>) target(%arg7 : memref<40x128xi32, #tpu.memory_space<vmem>>) target_semaphore(%run_scoped3A_94 : memref<!tpu.dma_semaphore, #tpu.memory_space<semaphore_mem>>)
        %dma_wait3A_101 = arith.constant 0 : i32
        %dma_wait3A_102 = tpu.memref_slice %arg3[%arg0, %arg1, %mul3A_35, %dma_wait3A_101] : memref<2x16x160x128xi32, #tpu.memory_space<hbm>> -> memref<1x1x40x128xi32, #tpu.memory_space<hbm>>
        %dma_wait3A_103 = tpu.memref_squeeze %dma_wait3A_102 : memref<1x1x40x128xi32, #tpu.memory_space<hbm>> -> memref<40x128xi32, #tpu.memory_space<hbm>>
        %dma_wait3A_104 = arith.constant 0 : i32
        %dma_wait3A_105 = tpu.memref_slice %arg3[%arg0, %arg1, %mul3A_35, %dma_wait3A_104] : memref<2x16x160x128xi32, #tpu.memory_space<hbm>> -> memref<1x1x40x128xi32, #tpu.memory_space<hbm>>
        %dma_wait3A_106 = tpu.memref_squeeze %dma_wait3A_105 : memref<1x1x40x128xi32, #tpu.memory_space<hbm>> -> memref<40x128xi32, #tpu.memory_space<hbm>>
        tpu.wait_dma2 semaphore(%run_scoped3A_94 : memref<!tpu.dma_semaphore, #tpu.memory_space<semaphore_mem>>) src(%dma_wait3A_106 : memref<40x128xi32, #tpu.memory_space<hbm>>) dst(%arg7 : memref<40x128xi32, #tpu.memory_space<vmem>>)
        tpu.yield
      }) : () -> ()
      %mul3A_36 = arith.constant 40 : i32
      %mul3A_37 = arith.muli %scan3A_33, %mul3A_36 : i32
      "tpu.region"() ({
        %run_scoped3A_94 = tpu.sem_alloc : memref<!tpu.dma_semaphore, #tpu.memory_space<semaphore_mem>>
        %dma_start3A_95 = arith.constant 0 : i32
        %dma_start3A_96 = tpu.memref_slice %arg4[%arg0, %arg1, %mul3A_37, %dma_start3A_95] : memref<2x16x160x128xi32, #tpu.memory_space<hbm>> -> memref<1x1x40x128xi32, #tpu.memory_space<hbm>>
        %dma_start3A_97 = tpu.memref_squeeze %dma_start3A_96 : memref<1x1x40x128xi32, #tpu.memory_space<hbm>> -> memref<40x128xi32, #tpu.memory_space<hbm>>
        %dma_start3A_98 = arith.constant 0 : i32
        %dma_start3A_99 = tpu.memref_slice %arg4[%arg0, %arg1, %mul3A_37, %dma_start3A_98] : memref<2x16x160x128xi32, #tpu.memory_space<hbm>> -> memref<1x1x40x128xi32, #tpu.memory_space<hbm>>
        %dma_start3A_100 = tpu.memref_squeeze %dma_start3A_99 : memref<1x1x40x128xi32, #tpu.memory_space<hbm>> -> memref<40x128xi32, #tpu.memory_space<hbm>>
        tpu.enqueue_dma source(%dma_start3A_100 : memref<40x128xi32, #tpu.memory_space<hbm>>) target(%arg8 : memref<40x128xi32, #tpu.memory_space<vmem>>) target_semaphore(%run_scoped3A_94 : memref<!tpu.dma_semaphore, #tpu.memory_space<semaphore_mem>>)
        %dma_wait3A_101 = arith.constant 0 : i32
        %dma_wait3A_102 = tpu.memref_slice %arg4[%arg0, %arg1, %mul3A_37, %dma_wait3A_101] : memref<2x16x160x128xi32, #tpu.memory_space<hbm>> -> memref<1x1x40x128xi32, #tpu.memory_space<hbm>>
        %dma_wait3A_103 = tpu.memref_squeeze %dma_wait3A_102 : memref<1x1x40x128xi32, #tpu.memory_space<hbm>> -> memref<40x128xi32, #tpu.memory_space<hbm>>
        %dma_wait3A_104 = arith.constant 0 : i32
        %dma_wait3A_105 = tpu.memref_slice %arg4[%arg0, %arg1, %mul3A_37, %dma_wait3A_104] : memref<2x16x160x128xi32, #tpu.memory_space<hbm>> -> memref<1x1x40x128xi32, #tpu.memory_space<hbm>>
        %dma_wait3A_106 = tpu.memref_squeeze %dma_wait3A_105 : memref<1x1x40x128xi32, #tpu.memory_space<hbm>> -> memref<40x128xi32, #tpu.memory_space<hbm>>
        tpu.wait_dma2 semaphore(%run_scoped3A_94 : memref<!tpu.dma_semaphore, #tpu.memory_space<semaphore_mem>>) src(%dma_wait3A_106 : memref<40x128xi32, #tpu.memory_space<hbm>>) dst(%arg8 : memref<40x128xi32, #tpu.memory_space<vmem>>)
        tpu.yield
      }) : () -> ()
      %dma_start3A = arith.constant 0 : i32
      %dma_start3A_38 = arith.constant 0 : i32
      %dma_start3A_39 = tpu.memref_slice %arg7[%dma_start3A, %dma_start3A_38] : memref<40x128xi32, #tpu.memory_space<vmem>> -> memref<1x128xi32, #tpu.memory_space<vmem>>
      %dma_start3A_40 = tpu.memref_squeeze %dma_start3A_39 : memref<1x128xi32, #tpu.memory_space<vmem>> -> memref<128xi32, #tpu.memory_space<vmem>>
      %dma_start3A_41 = arith.constant 0 : i32
      %dma_start3A_42 = arith.constant 0 : i32
      %dma_start3A_43 = tpu.memref_slice %arg14[%dma_start3A_41, %dma_start3A_42] : memref<10240x64xf32, #tpu.memory_space<vmem_shared>> -> memref<10240x64xf32, #tpu.memory_space<vmem_shared>>
      tpu.enqueue_indirect_dma source(%dma_start3A_43 : memref<10240x64xf32, #tpu.memory_space<vmem_shared>>) target(%arg9 : memref<128x64xf32, #tpu.memory_space<vmem>>) offsets(%dma_start3A_40 : memref<128xi32, #tpu.memory_space<vmem>>) semaphore(%arg15 : memref<!tpu.dma_semaphore, #tpu.memory_space<semaphore_mem>>)
      %dma_start3A_44 = arith.constant 1 : i32
      %dma_start3A_45 = arith.constant 0 : i32
      %dma_start3A_46 = tpu.memref_slice %arg7[%dma_start3A_44, %dma_start3A_45] : memref<40x128xi32, #tpu.memory_space<vmem>> -> memref<1x128xi32, #tpu.memory_space<vmem>>
      %dma_start3A_47 = tpu.memref_squeeze %dma_start3A_46 : memref<1x128xi32, #tpu.memory_space<vmem>> -> memref<128xi32, #tpu.memory_space<vmem>>
      %dma_start3A_48 = arith.constant 0 : i32
      %dma_start3A_49 = arith.constant 0 : i32
      %dma_start3A_50 = tpu.memref_slice %arg14[%dma_start3A_48, %dma_start3A_49] : memref<10240x64xf32, #tpu.memory_space<vmem_shared>> -> memref<10240x64xf32, #tpu.memory_space<vmem_shared>>
      tpu.enqueue_indirect_dma source(%dma_start3A_50 : memref<10240x64xf32, #tpu.memory_space<vmem_shared>>) target(%arg10 : memref<128x64xf32, #tpu.memory_space<vmem>>) offsets(%dma_start3A_47 : memref<128xi32, #tpu.memory_space<vmem>>) semaphore(%arg16 : memref<!tpu.dma_semaphore, #tpu.memory_space<semaphore_mem>>)
      %dma_start3A_51 = arith.constant 2 : i32
      %dma_start3A_52 = arith.constant 0 : i32
      %dma_start3A_53 = tpu.memref_slice %arg7[%dma_start3A_51, %dma_start3A_52] : memref<40x128xi32, #tpu.memory_space<vmem>> -> memref<1x128xi32, #tpu.memory_space<vmem>>
      %dma_start3A_54 = tpu.memref_squeeze %dma_start3A_53 : memref<1x128xi32, #tpu.memory_space<vmem>> -> memref<128xi32, #tpu.memory_space<vmem>>
      %dma_start3A_55 = arith.constant 0 : i32
      %dma_start3A_56 = arith.constant 0 : i32
      %dma_start3A_57 = tpu.memref_slice %arg14[%dma_start3A_55, %dma_start3A_56] : memref<10240x64xf32, #tpu.memory_space<vmem_shared>> -> memref<10240x64xf32, #tpu.memory_space<vmem_shared>>
      tpu.enqueue_indirect_dma source(%dma_start3A_57 : memref<10240x64xf32, #tpu.memory_space<vmem_shared>>) target(%arg11 : memref<128x64xf32, #tpu.memory_space<vmem>>) offsets(%dma_start3A_54 : memref<128xi32, #tpu.memory_space<vmem>>) semaphore(%arg17 : memref<!tpu.dma_semaphore, #tpu.memory_space<semaphore_mem>>)
      %dma_start3A_58 = arith.constant 3 : i32
      %dma_start3A_59 = arith.constant 0 : i32
      %dma_start3A_60 = tpu.memref_slice %arg7[%dma_start3A_58, %dma_start3A_59] : memref<40x128xi32, #tpu.memory_space<vmem>> -> memref<1x128xi32, #tpu.memory_space<vmem>>
      %dma_start3A_61 = tpu.memref_squeeze %dma_start3A_60 : memref<1x128xi32, #tpu.memory_space<vmem>> -> memref<128xi32, #tpu.memory_space<vmem>>
      %dma_start3A_62 = arith.constant 0 : i32
      %dma_start3A_63 = arith.constant 0 : i32
      %dma_start3A_64 = tpu.memref_slice %arg14[%dma_start3A_62, %dma_start3A_63] : memref<10240x64xf32, #tpu.memory_space<vmem_shared>> -> memref<10240x64xf32, #tpu.memory_space<vmem_shared>>
      tpu.enqueue_indirect_dma source(%dma_start3A_64 : memref<10240x64xf32, #tpu.memory_space<vmem_shared>>) target(%arg12 : memref<128x64xf32, #tpu.memory_space<vmem>>) offsets(%dma_start3A_61 : memref<128xi32, #tpu.memory_space<vmem>>) semaphore(%arg18 : memref<!tpu.dma_semaphore, #tpu.memory_space<semaphore_mem>>)
      %scan3A_65 = arith.constant 0 : i32
      %scan3A_66 = arith.constant 0 : i32
      %scan3A_67 = arith.constant 10 : i32
      %scan3A_68 = arith.addi %scan3A_66, %scan3A_67 : i32
      %scan3A_69 = arith.constant 1 : i32
      scf.for %scan3A_94 = %scan3A_66 to %scan3A_68 step %scan3A_69  : i32 {
        %mul3A_95 = arith.constant 4 : i32
        %mul3A_96 = arith.muli %mul3A_95, %scan3A_94 : i32
        %dma_wait3A_97 = arith.constant 0 : i32
        %dma_wait3A_98 = arith.constant 0 : i32
        %dma_wait3A_99 = tpu.memref_slice %arg14[%dma_wait3A_97, %dma_wait3A_98] : memref<10240x64xf32, #tpu.memory_space<vmem_shared>> -> memref<128x64xf32, #tpu.memory_space<vmem_shared>>
        %dma_wait3A_100 = arith.constant 0 : i32
        %dma_wait3A_101 = arith.constant 0 : i32
        %dma_wait3A_102 = tpu.memref_slice %arg14[%dma_wait3A_100, %dma_wait3A_101] : memref<10240x64xf32, #tpu.memory_space<vmem_shared>> -> memref<128x64xf32, #tpu.memory_space<vmem_shared>>
        tpu.wait_dma2 semaphore(%arg15 : memref<!tpu.dma_semaphore, #tpu.memory_space<semaphore_mem>>) src(%dma_wait3A_102 : memref<128x64xf32, #tpu.memory_space<vmem_shared>>) dst(%arg9 : memref<128x64xf32, #tpu.memory_space<vmem>>)
        %add3A = arith.constant 0 : i32
        %add3A_103 = arith.addi %mul3A_96, %add3A : i32
        "tpu.region"() ({
          %run_scoped3A_175 = tpu.sem_alloc : memref<!tpu.dma_semaphore, #tpu.memory_space<semaphore_mem>>
          %dma_start3A_176 = arith.constant 0 : i32
          %dma_start3A_177 = tpu.memref_slice %arg8[%add3A_103, %dma_start3A_176] : memref<40x128xi32, #tpu.memory_space<vmem>> -> memref<1x128xi32, #tpu.memory_space<vmem>>
          %dma_start3A_178 = tpu.memref_squeeze %dma_start3A_177 : memref<1x128xi32, #tpu.memory_space<vmem>> -> memref<128xi32, #tpu.memory_space<vmem>>
          %dma_start3A_179 = arith.constant 0 : i32
          %dma_start3A_180 = arith.constant 0 : i32
          %dma_start3A_181 = tpu.memref_slice %arg13[%dma_start3A_179, %dma_start3A_180] : memref<10240x64xf32, #tpu.memory_space<vmem_shared>> -> memref<10240x64xf32, #tpu.memory_space<vmem_shared>>
          tpu.enqueue_indirect_dma source(%arg9 : memref<128x64xf32, #tpu.memory_space<vmem>>) target(%dma_start3A_181 : memref<10240x64xf32, #tpu.memory_space<vmem_shared>>) offsets(%dma_start3A_178 : memref<128xi32, #tpu.memory_space<vmem>>) semaphore(%run_scoped3A_175 : memref<!tpu.dma_semaphore, #tpu.memory_space<semaphore_mem>>) {add = true}
          %dma_wait3A_182 = arith.constant 0 : i32
          %dma_wait3A_183 = tpu.memref_slice %arg8[%add3A_103, %dma_wait3A_182] : memref<40x128xi32, #tpu.memory_space<vmem>> -> memref<1x128xi32, #tpu.memory_space<vmem>>
          %dma_wait3A_184 = tpu.memref_squeeze %dma_wait3A_183 : memref<1x128xi32, #tpu.memory_space<vmem>> -> memref<128xi32, #tpu.memory_space<vmem>>
          %dma_wait3A_185 = arith.constant 0 : i32
          %dma_wait3A_186 = arith.constant 0 : i32
          %dma_wait3A_187 = tpu.memref_slice %arg13[%dma_wait3A_185, %dma_wait3A_186] : memref<10240x64xf32, #tpu.memory_space<vmem_shared>> -> memref<10240x64xf32, #tpu.memory_space<vmem_shared>>
          tpu.wait_indirect_dma semaphore(%run_scoped3A_175 : memref<!tpu.dma_semaphore, #tpu.memory_space<semaphore_mem>>) src(%arg9 : memref<128x64xf32, #tpu.memory_space<vmem>>) dst(%dma_wait3A_187 : memref<10240x64xf32, #tpu.memory_space<vmem_shared>>)
          tpu.yield
        }) : () -> ()
        %add3A_104 = arith.constant 0 : i32
        %add3A_105 = arith.addi %mul3A_96, %add3A_104 : i32
        %add3A_106 = arith.constant 4 : i32
        %add3A_107 = arith.addi %add3A_105, %add3A_106 : i32
        %min3A = arith.constant 39 : i32
        %min3A_108 = arith.minsi %add3A_107, %min3A : i32
        %dma_start3A_109 = arith.constant 0 : i32
        %dma_start3A_110 = tpu.memref_slice %arg7[%min3A_108, %dma_start3A_109] : memref<40x128xi32, #tpu.memory_space<vmem>> -> memref<1x128xi32, #tpu.memory_space<vmem>>
        %dma_start3A_111 = tpu.memref_squeeze %dma_start3A_110 : memref<1x128xi32, #tpu.memory_space<vmem>> -> memref<128xi32, #tpu.memory_space<vmem>>
        %dma_start3A_112 = arith.constant 0 : i32
        %dma_start3A_113 = arith.constant 0 : i32
        %dma_start3A_114 = tpu.memref_slice %arg14[%dma_start3A_112, %dma_start3A_113] : memref<10240x64xf32, #tpu.memory_space<vmem_shared>> -> memref<10240x64xf32, #tpu.memory_space<vmem_shared>>
        tpu.enqueue_indirect_dma source(%dma_start3A_114 : memref<10240x64xf32, #tpu.memory_space<vmem_shared>>) target(%arg9 : memref<128x64xf32, #tpu.memory_space<vmem>>) offsets(%dma_start3A_111 : memref<128xi32, #tpu.memory_space<vmem>>) semaphore(%arg15 : memref<!tpu.dma_semaphore, #tpu.memory_space<semaphore_mem>>)
        %dma_wait3A_115 = arith.constant 0 : i32
        %dma_wait3A_116 = arith.constant 0 : i32
        %dma_wait3A_117 = tpu.memref_slice %arg14[%dma_wait3A_115, %dma_wait3A_116] : memref<10240x64xf32, #tpu.memory_space<vmem_shared>> -> memref<128x64xf32, #tpu.memory_space<vmem_shared>>
        %dma_wait3A_118 = arith.constant 0 : i32
        %dma_wait3A_119 = arith.constant 0 : i32
        %dma_wait3A_120 = tpu.memref_slice %arg14[%dma_wait3A_118, %dma_wait3A_119] : memref<10240x64xf32, #tpu.memory_space<vmem_shared>> -> memref<128x64xf32, #tpu.memory_space<vmem_shared>>
        tpu.wait_dma2 semaphore(%arg16 : memref<!tpu.dma_semaphore, #tpu.memory_space<semaphore_mem>>) src(%dma_wait3A_120 : memref<128x64xf32, #tpu.memory_space<vmem_shared>>) dst(%arg10 : memref<128x64xf32, #tpu.memory_space<vmem>>)
        %add3A_121 = arith.constant 1 : i32
        %add3A_122 = arith.addi %mul3A_96, %add3A_121 : i32
        "tpu.region"() ({
          %run_scoped3A_175 = tpu.sem_alloc : memref<!tpu.dma_semaphore, #tpu.memory_space<semaphore_mem>>
          %dma_start3A_176 = arith.constant 0 : i32
          %dma_start3A_177 = tpu.memref_slice %arg8[%add3A_122, %dma_start3A_176] : memref<40x128xi32, #tpu.memory_space<vmem>> -> memref<1x128xi32, #tpu.memory_space<vmem>>
          %dma_start3A_178 = tpu.memref_squeeze %dma_start3A_177 : memref<1x128xi32, #tpu.memory_space<vmem>> -> memref<128xi32, #tpu.memory_space<vmem>>
          %dma_start3A_179 = arith.constant 0 : i32
          %dma_start3A_180 = arith.constant 0 : i32
          %dma_start3A_181 = tpu.memref_slice %arg13[%dma_start3A_179, %dma_start3A_180] : memref<10240x64xf32, #tpu.memory_space<vmem_shared>> -> memref<10240x64xf32, #tpu.memory_space<vmem_shared>>
          tpu.enqueue_indirect_dma source(%arg10 : memref<128x64xf32, #tpu.memory_space<vmem>>) target(%dma_start3A_181 : memref<10240x64xf32, #tpu.memory_space<vmem_shared>>) offsets(%dma_start3A_178 : memref<128xi32, #tpu.memory_space<vmem>>) semaphore(%run_scoped3A_175 : memref<!tpu.dma_semaphore, #tpu.memory_space<semaphore_mem>>) {add = true}
          %dma_wait3A_182 = arith.constant 0 : i32
          %dma_wait3A_183 = tpu.memref_slice %arg8[%add3A_122, %dma_wait3A_182] : memref<40x128xi32, #tpu.memory_space<vmem>> -> memref<1x128xi32, #tpu.memory_space<vmem>>
          %dma_wait3A_184 = tpu.memref_squeeze %dma_wait3A_183 : memref<1x128xi32, #tpu.memory_space<vmem>> -> memref<128xi32, #tpu.memory_space<vmem>>
          %dma_wait3A_185 = arith.constant 0 : i32
          %dma_wait3A_186 = arith.constant 0 : i32
          %dma_wait3A_187 = tpu.memref_slice %arg13[%dma_wait3A_185, %dma_wait3A_186] : memref<10240x64xf32, #tpu.memory_space<vmem_shared>> -> memref<10240x64xf32, #tpu.memory_space<vmem_shared>>
          tpu.wait_indirect_dma semaphore(%run_scoped3A_175 : memref<!tpu.dma_semaphore, #tpu.memory_space<semaphore_mem>>) src(%arg10 : memref<128x64xf32, #tpu.memory_space<vmem>>) dst(%dma_wait3A_187 : memref<10240x64xf32, #tpu.memory_space<vmem_shared>>)
          tpu.yield
        }) : () -> ()
        %add3A_123 = arith.constant 1 : i32
        %add3A_124 = arith.addi %mul3A_96, %add3A_123 : i32
        %add3A_125 = arith.constant 4 : i32
        %add3A_126 = arith.addi %add3A_124, %add3A_125 : i32
        %min3A_127 = arith.constant 39 : i32
        %min3A_128 = arith.minsi %add3A_126, %min3A_127 : i32
        %dma_start3A_129 = arith.constant 0 : i32
        %dma_start3A_130 = tpu.memref_slice %arg7[%min3A_128, %dma_start3A_129] : memref<40x128xi32, #tpu.memory_space<vmem>> -> memref<1x128xi32, #tpu.memory_space<vmem>>
        %dma_start3A_131 = tpu.memref_squeeze %dma_start3A_130 : memref<1x128xi32, #tpu.memory_space<vmem>> -> memref<128xi32, #tpu.memory_space<vmem>>
        %dma_start3A_132 = arith.constant 0 : i32
        %dma_start3A_133 = arith.constant 0 : i32
        %dma_start3A_134 = tpu.memref_slice %arg14[%dma_start3A_132, %dma_start3A_133] : memref<10240x64xf32, #tpu.memory_space<vmem_shared>> -> memref<10240x64xf32, #tpu.memory_space<vmem_shared>>
        tpu.enqueue_indirect_dma source(%dma_start3A_134 : memref<10240x64xf32, #tpu.memory_space<vmem_shared>>) target(%arg10 : memref<128x64xf32, #tpu.memory_space<vmem>>) offsets(%dma_start3A_131 : memref<128xi32, #tpu.memory_space<vmem>>) semaphore(%arg16 : memref<!tpu.dma_semaphore, #tpu.memory_space<semaphore_mem>>)
        %dma_wait3A_135 = arith.constant 0 : i32
        %dma_wait3A_136 = arith.constant 0 : i32
        %dma_wait3A_137 = tpu.memref_slice %arg14[%dma_wait3A_135, %dma_wait3A_136] : memref<10240x64xf32, #tpu.memory_space<vmem_shared>> -> memref<128x64xf32, #tpu.memory_space<vmem_shared>>
        %dma_wait3A_138 = arith.constant 0 : i32
        %dma_wait3A_139 = arith.constant 0 : i32
        %dma_wait3A_140 = tpu.memref_slice %arg14[%dma_wait3A_138, %dma_wait3A_139] : memref<10240x64xf32, #tpu.memory_space<vmem_shared>> -> memref<128x64xf32, #tpu.memory_space<vmem_shared>>
        tpu.wait_dma2 semaphore(%arg17 : memref<!tpu.dma_semaphore, #tpu.memory_space<semaphore_mem>>) src(%dma_wait3A_140 : memref<128x64xf32, #tpu.memory_space<vmem_shared>>) dst(%arg11 : memref<128x64xf32, #tpu.memory_space<vmem>>)
        %add3A_141 = arith.constant 2 : i32
        %add3A_142 = arith.addi %mul3A_96, %add3A_141 : i32
        "tpu.region"() ({
          %run_scoped3A_175 = tpu.sem_alloc : memref<!tpu.dma_semaphore, #tpu.memory_space<semaphore_mem>>
          %dma_start3A_176 = arith.constant 0 : i32
          %dma_start3A_177 = tpu.memref_slice %arg8[%add3A_142, %dma_start3A_176] : memref<40x128xi32, #tpu.memory_space<vmem>> -> memref<1x128xi32, #tpu.memory_space<vmem>>
          %dma_start3A_178 = tpu.memref_squeeze %dma_start3A_177 : memref<1x128xi32, #tpu.memory_space<vmem>> -> memref<128xi32, #tpu.memory_space<vmem>>
          %dma_start3A_179 = arith.constant 0 : i32
          %dma_start3A_180 = arith.constant 0 : i32
          %dma_start3A_181 = tpu.memref_slice %arg13[%dma_start3A_179, %dma_start3A_180] : memref<10240x64xf32, #tpu.memory_space<vmem_shared>> -> memref<10240x64xf32, #tpu.memory_space<vmem_shared>>
          tpu.enqueue_indirect_dma source(%arg11 : memref<128x64xf32, #tpu.memory_space<vmem>>) target(%dma_start3A_181 : memref<10240x64xf32, #tpu.memory_space<vmem_shared>>) offsets(%dma_start3A_178 : memref<128xi32, #tpu.memory_space<vmem>>) semaphore(%run_scoped3A_175 : memref<!tpu.dma_semaphore, #tpu.memory_space<semaphore_mem>>) {add = true}
          %dma_wait3A_182 = arith.constant 0 : i32
          %dma_wait3A_183 = tpu.memref_slice %arg8[%add3A_142, %dma_wait3A_182] : memref<40x128xi32, #tpu.memory_space<vmem>> -> memref<1x128xi32, #tpu.memory_space<vmem>>
          %dma_wait3A_184 = tpu.memref_squeeze %dma_wait3A_183 : memref<1x128xi32, #tpu.memory_space<vmem>> -> memref<128xi32, #tpu.memory_space<vmem>>
          %dma_wait3A_185 = arith.constant 0 : i32
          %dma_wait3A_186 = arith.constant 0 : i32
          %dma_wait3A_187 = tpu.memref_slice %arg13[%dma_wait3A_185, %dma_wait3A_186] : memref<10240x64xf32, #tpu.memory_space<vmem_shared>> -> memref<10240x64xf32, #tpu.memory_space<vmem_shared>>
          tpu.wait_indirect_dma semaphore(%run_scoped3A_175 : memref<!tpu.dma_semaphore, #tpu.memory_space<semaphore_mem>>) src(%arg11 : memref<128x64xf32, #tpu.memory_space<vmem>>) dst(%dma_wait3A_187 : memref<10240x64xf32, #tpu.memory_space<vmem_shared>>)
          tpu.yield
        }) : () -> ()
        %add3A_143 = arith.constant 2 : i32
        %add3A_144 = arith.addi %mul3A_96, %add3A_143 : i32
        %add3A_145 = arith.constant 4 : i32
        %add3A_146 = arith.addi %add3A_144, %add3A_145 : i32
        %min3A_147 = arith.constant 39 : i32
        %min3A_148 = arith.minsi %add3A_146, %min3A_147 : i32
        %dma_start3A_149 = arith.constant 0 : i32
        %dma_start3A_150 = tpu.memref_slice %arg7[%min3A_148, %dma_start3A_149] : memref<40x128xi32, #tpu.memory_space<vmem>> -> memref<1x128xi32, #tpu.memory_space<vmem>>
        %dma_start3A_151 = tpu.memref_squeeze %dma_start3A_150 : memref<1x128xi32, #tpu.memory_space<vmem>> -> memref<128xi32, #tpu.memory_space<vmem>>
        %dma_start3A_152 = arith.constant 0 : i32
        %dma_start3A_153 = arith.constant 0 : i32
        %dma_start3A_154 = tpu.memref_slice %arg14[%dma_start3A_152, %dma_start3A_153] : memref<10240x64xf32, #tpu.memory_space<vmem_shared>> -> memref<10240x64xf32, #tpu.memory_space<vmem_shared>>
        tpu.enqueue_indirect_dma source(%dma_start3A_154 : memref<10240x64xf32, #tpu.memory_space<vmem_shared>>) target(%arg11 : memref<128x64xf32, #tpu.memory_space<vmem>>) offsets(%dma_start3A_151 : memref<128xi32, #tpu.memory_space<vmem>>) semaphore(%arg17 : memref<!tpu.dma_semaphore, #tpu.memory_space<semaphore_mem>>)
        %dma_wait3A_155 = arith.constant 0 : i32
        %dma_wait3A_156 = arith.constant 0 : i32
        %dma_wait3A_157 = tpu.memref_slice %arg14[%dma_wait3A_155, %dma_wait3A_156] : memref<10240x64xf32, #tpu.memory_space<vmem_shared>> -> memref<128x64xf32, #tpu.memory_space<vmem_shared>>
        %dma_wait3A_158 = arith.constant 0 : i32
        %dma_wait3A_159 = arith.constant 0 : i32
        %dma_wait3A_160 = tpu.memref_slice %arg14[%dma_wait3A_158, %dma_wait3A_159] : memref<10240x64xf32, #tpu.memory_space<vmem_shared>> -> memref<128x64xf32, #tpu.memory_space<vmem_shared>>
        tpu.wait_dma2 semaphore(%arg18 : memref<!tpu.dma_semaphore, #tpu.memory_space<semaphore_mem>>) src(%dma_wait3A_160 : memref<128x64xf32, #tpu.memory_space<vmem_shared>>) dst(%arg12 : memref<128x64xf32, #tpu.memory_space<vmem>>)
        %add3A_161 = arith.constant 3 : i32
        %add3A_162 = arith.addi %mul3A_96, %add3A_161 : i32
        "tpu.region"() ({
          %run_scoped3A_175 = tpu.sem_alloc : memref<!tpu.dma_semaphore, #tpu.memory_space<semaphore_mem>>
          %dma_start3A_176 = arith.constant 0 : i32
          %dma_start3A_177 = tpu.memref_slice %arg8[%add3A_162, %dma_start3A_176] : memref<40x128xi32, #tpu.memory_space<vmem>> -> memref<1x128xi32, #tpu.memory_space<vmem>>
          %dma_start3A_178 = tpu.memref_squeeze %dma_start3A_177 : memref<1x128xi32, #tpu.memory_space<vmem>> -> memref<128xi32, #tpu.memory_space<vmem>>
          %dma_start3A_179 = arith.constant 0 : i32
          %dma_start3A_180 = arith.constant 0 : i32
          %dma_start3A_181 = tpu.memref_slice %arg13[%dma_start3A_179, %dma_start3A_180] : memref<10240x64xf32, #tpu.memory_space<vmem_shared>> -> memref<10240x64xf32, #tpu.memory_space<vmem_shared>>
          tpu.enqueue_indirect_dma source(%arg12 : memref<128x64xf32, #tpu.memory_space<vmem>>) target(%dma_start3A_181 : memref<10240x64xf32, #tpu.memory_space<vmem_shared>>) offsets(%dma_start3A_178 : memref<128xi32, #tpu.memory_space<vmem>>) semaphore(%run_scoped3A_175 : memref<!tpu.dma_semaphore, #tpu.memory_space<semaphore_mem>>) {add = true}
          %dma_wait3A_182 = arith.constant 0 : i32
          %dma_wait3A_183 = tpu.memref_slice %arg8[%add3A_162, %dma_wait3A_182] : memref<40x128xi32, #tpu.memory_space<vmem>> -> memref<1x128xi32, #tpu.memory_space<vmem>>
          %dma_wait3A_184 = tpu.memref_squeeze %dma_wait3A_183 : memref<1x128xi32, #tpu.memory_space<vmem>> -> memref<128xi32, #tpu.memory_space<vmem>>
          %dma_wait3A_185 = arith.constant 0 : i32
          %dma_wait3A_186 = arith.constant 0 : i32
          %dma_wait3A_187 = tpu.memref_slice %arg13[%dma_wait3A_185, %dma_wait3A_186] : memref<10240x64xf32, #tpu.memory_space<vmem_shared>> -> memref<10240x64xf32, #tpu.memory_space<vmem_shared>>
          tpu.wait_indirect_dma semaphore(%run_scoped3A_175 : memref<!tpu.dma_semaphore, #tpu.memory_space<semaphore_mem>>) src(%arg12 : memref<128x64xf32, #tpu.memory_space<vmem>>) dst(%dma_wait3A_187 : memref<10240x64xf32, #tpu.memory_space<vmem_shared>>)
          tpu.yield
        }) : () -> ()
        %add3A_163 = arith.constant 3 : i32
        %add3A_164 = arith.addi %mul3A_96, %add3A_163 : i32
        %add3A_165 = arith.constant 4 : i32
        %add3A_166 = arith.addi %add3A_164, %add3A_165 : i32
        %min3A_167 = arith.constant 39 : i32
        %min3A_168 = arith.minsi %add3A_166, %min3A_167 : i32
        %dma_start3A_169 = arith.constant 0 : i32
        %dma_start3A_170 = tpu.memref_slice %arg7[%min3A_168, %dma_start3A_169] : memref<40x128xi32, #tpu.memory_space<vmem>> -> memref<1x128xi32, #tpu.memory_space<vmem>>
        %dma_start3A_171 = tpu.memref_squeeze %dma_start3A_170 : memref<1x128xi32, #tpu.memory_space<vmem>> -> memref<128xi32, #tpu.memory_space<vmem>>
        %dma_start3A_172 = arith.constant 0 : i32
        %dma_start3A_173 = arith.constant 0 : i32
        %dma_start3A_174 = tpu.memref_slice %arg14[%dma_start3A_172, %dma_start3A_173] : memref<10240x64xf32, #tpu.memory_space<vmem_shared>> -> memref<10240x64xf32, #tpu.memory_space<vmem_shared>>
        tpu.enqueue_indirect_dma source(%dma_start3A_174 : memref<10240x64xf32, #tpu.memory_space<vmem_shared>>) target(%arg12 : memref<128x64xf32, #tpu.memory_space<vmem>>) offsets(%dma_start3A_171 : memref<128xi32, #tpu.memory_space<vmem>>) semaphore(%arg18 : memref<!tpu.dma_semaphore, #tpu.memory_space<semaphore_mem>>)
      }
      %scan3A_70 = arith.constant 10 : i32
      %dma_wait3A = arith.constant 0 : i32
      %dma_wait3A_71 = arith.constant 0 : i32
      %dma_wait3A_72 = tpu.memref_slice %arg14[%dma_wait3A, %dma_wait3A_71] : memref<10240x64xf32, #tpu.memory_space<vmem_shared>> -> memref<128x64xf32, #tpu.memory_space<vmem_shared>>
      %dma_wait3A_73 = arith.constant 0 : i32
      %dma_wait3A_74 = arith.constant 0 : i32
      %dma_wait3A_75 = tpu.memref_slice %arg14[%dma_wait3A_73, %dma_wait3A_74] : memref<10240x64xf32, #tpu.memory_space<vmem_shared>> -> memref<128x64xf32, #tpu.memory_space<vmem_shared>>
      tpu.wait_dma2 semaphore(%arg15 : memref<!tpu.dma_semaphore, #tpu.memory_space<semaphore_mem>>) src(%dma_wait3A_75 : memref<128x64xf32, #tpu.memory_space<vmem_shared>>) dst(%arg9 : memref<128x64xf32, #tpu.memory_space<vmem>>)
      %dma_wait3A_76 = arith.constant 0 : i32
      %dma_wait3A_77 = arith.constant 0 : i32
      %dma_wait3A_78 = tpu.memref_slice %arg14[%dma_wait3A_76, %dma_wait3A_77] : memref<10240x64xf32, #tpu.memory_space<vmem_shared>> -> memref<128x64xf32, #tpu.memory_space<vmem_shared>>
      %dma_wait3A_79 = arith.constant 0 : i32
      %dma_wait3A_80 = arith.constant 0 : i32
      %dma_wait3A_81 = tpu.memref_slice %arg14[%dma_wait3A_79, %dma_wait3A_80] : memref<10240x64xf32, #tpu.memory_space<vmem_shared>> -> memref<128x64xf32, #tpu.memory_space<vmem_shared>>
      tpu.wait_dma2 semaphore(%arg16 : memref<!tpu.dma_semaphore, #tpu.memory_space<semaphore_mem>>) src(%dma_wait3A_81 : memref<128x64xf32, #tpu.memory_space<vmem_shared>>) dst(%arg10 : memref<128x64xf32, #tpu.memory_space<vmem>>)
      %dma_wait3A_82 = arith.constant 0 : i32
      %dma_wait3A_83 = arith.constant 0 : i32
      %dma_wait3A_84 = tpu.memref_slice %arg14[%dma_wait3A_82, %dma_wait3A_83] : memref<10240x64xf32, #tpu.memory_space<vmem_shared>> -> memref<128x64xf32, #tpu.memory_space<vmem_shared>>
      %dma_wait3A_85 = arith.constant 0 : i32
      %dma_wait3A_86 = arith.constant 0 : i32
      %dma_wait3A_87 = tpu.memref_slice %arg14[%dma_wait3A_85, %dma_wait3A_86] : memref<10240x64xf32, #tpu.memory_space<vmem_shared>> -> memref<128x64xf32, #tpu.memory_space<vmem_shared>>
      tpu.wait_dma2 semaphore(%arg17 : memref<!tpu.dma_semaphore, #tpu.memory_space<semaphore_mem>>) src(%dma_wait3A_87 : memref<128x64xf32, #tpu.memory_space<vmem_shared>>) dst(%arg11 : memref<128x64xf32, #tpu.memory_space<vmem>>)
      %dma_wait3A_88 = arith.constant 0 : i32
      %dma_wait3A_89 = arith.constant 0 : i32
      %dma_wait3A_90 = tpu.memref_slice %arg14[%dma_wait3A_88, %dma_wait3A_89] : memref<10240x64xf32, #tpu.memory_space<vmem_shared>> -> memref<128x64xf32, #tpu.memory_space<vmem_shared>>
      %dma_wait3A_91 = arith.constant 0 : i32
      %dma_wait3A_92 = arith.constant 0 : i32
      %dma_wait3A_93 = tpu.memref_slice %arg14[%dma_wait3A_91, %dma_wait3A_92] : memref<10240x64xf32, #tpu.memory_space<vmem_shared>> -> memref<128x64xf32, #tpu.memory_space<vmem_shared>>
      tpu.wait_dma2 semaphore(%arg18 : memref<!tpu.dma_semaphore, #tpu.memory_space<semaphore_mem>>) src(%dma_wait3A_93 : memref<128x64xf32, #tpu.memory_space<vmem_shared>>) dst(%arg12 : memref<128x64xf32, #tpu.memory_space<vmem>>)
    }
    %scan3A_21 = arith.constant 4 : i32
    %barrier3A_22 = arith.constant 0 : index
    tpu.barrier barrier_id(%barrier3A_22)
    %eq3A_23 = arith.constant 0 : i32
    %eq3A_24 = arith.cmpi eq, %arg0, %eq3A_23 : i32
    %convert_element_type3A_25 = arith.extui %eq3A_24 : i1 to i32
    %cond3A_26 = arith.constant 0 : i32
    %cond3A_27 = arith.cmpi ne, %convert_element_type3A_25, %cond3A_26 : i32
    scf.if %cond3A_27 {
      %run_scoped3A_33 = arith.constant 1 : i32
      %run_scoped3A_34 = arith.constant 0 : i32
      "tpu.region"() ({
        %run_scoped3A_35 = tpu.sem_alloc : memref<!tpu.dma_semaphore, #tpu.memory_space<semaphore_mem>>
        %dma_start3A = arith.constant 0 : i32
        %dma_start3A_36 = tpu.memref_slice %arg6[%run_scoped3A_33, %run_scoped3A_34, %mul3A_0, %dma_start3A] : memref<2x2x10240x64xf32, #tpu.memory_space<hbm>> -> memref<1x1x640x64xf32, #tpu.memory_space<hbm>>
        %dma_start3A_37 = tpu.memref_squeeze %dma_start3A_36 : memref<1x1x640x64xf32, #tpu.memory_space<hbm>> -> memref<640x64xf32, #tpu.memory_space<hbm>>
        %dma_start3A_38 = arith.constant 0 : i32
        %dma_start3A_39 = tpu.memref_slice %arg13[%mul3A_0, %dma_start3A_38] : memref<10240x64xf32, #tpu.memory_space<vmem_shared>> -> memref<640x64xf32, #tpu.memory_space<vmem_shared>>
        tpu.enqueue_dma source(%dma_start3A_39 : memref<640x64xf32, #tpu.memory_space<vmem_shared>>) target(%dma_start3A_37 : memref<640x64xf32, #tpu.memory_space<hbm>>) target_semaphore(%run_scoped3A_35 : memref<!tpu.dma_semaphore, #tpu.memory_space<semaphore_mem>>)
        %dma_wait3A = arith.constant 0 : i32
        %dma_wait3A_40 = tpu.memref_slice %arg6[%run_scoped3A_33, %run_scoped3A_34, %mul3A_0, %dma_wait3A] : memref<2x2x10240x64xf32, #tpu.memory_space<hbm>> -> memref<1x1x640x64xf32, #tpu.memory_space<hbm>>
        %dma_wait3A_41 = tpu.memref_squeeze %dma_wait3A_40 : memref<1x1x640x64xf32, #tpu.memory_space<hbm>> -> memref<640x64xf32, #tpu.memory_space<hbm>>
        %dma_wait3A_42 = arith.constant 0 : i32
        %dma_wait3A_43 = tpu.memref_slice %arg13[%mul3A_0, %dma_wait3A_42] : memref<10240x64xf32, #tpu.memory_space<vmem_shared>> -> memref<640x64xf32, #tpu.memory_space<vmem_shared>>
        tpu.wait_dma2 semaphore(%run_scoped3A_35 : memref<!tpu.dma_semaphore, #tpu.memory_space<semaphore_mem>>) src(%dma_wait3A_43 : memref<640x64xf32, #tpu.memory_space<vmem_shared>>) dst(%dma_wait3A_41 : memref<640x64xf32, #tpu.memory_space<hbm>>)
        tpu.yield
      }) : () -> ()
    } else {
    }
    %eq3A_28 = arith.constant 1 : i32
    %eq3A_29 = arith.cmpi eq, %arg0, %eq3A_28 : i32
    %convert_element_type3A_30 = arith.extui %eq3A_29 : i1 to i32
    %cond3A_31 = arith.constant 0 : i32
    %cond3A_32 = arith.cmpi ne, %convert_element_type3A_30, %cond3A_31 : i32
    scf.if %cond3A_32 {
      %run_scoped3A_33 = arith.constant 1 : i32
      %run_scoped3A_34 = arith.constant 1 : i32
      "tpu.region"() ({
        %run_scoped3A_35 = tpu.sem_alloc : memref<!tpu.dma_semaphore, #tpu.memory_space<semaphore_mem>>
        %dma_start3A = arith.constant 0 : i32
        %dma_start3A_36 = tpu.memref_slice %arg6[%run_scoped3A_33, %run_scoped3A_34, %mul3A_0, %dma_start3A] : memref<2x2x10240x64xf32, #tpu.memory_space<hbm>> -> memref<1x1x640x64xf32, #tpu.memory_space<hbm>>
        %dma_start3A_37 = tpu.memref_squeeze %dma_start3A_36 : memref<1x1x640x64xf32, #tpu.memory_space<hbm>> -> memref<640x64xf32, #tpu.memory_space<hbm>>
        %dma_start3A_38 = arith.constant 0 : i32
        %dma_start3A_39 = tpu.memref_slice %arg13[%mul3A_0, %dma_start3A_38] : memref<10240x64xf32, #tpu.memory_space<vmem_shared>> -> memref<640x64xf32, #tpu.memory_space<vmem_shared>>
        tpu.enqueue_dma source(%dma_start3A_39 : memref<640x64xf32, #tpu.memory_space<vmem_shared>>) target(%dma_start3A_37 : memref<640x64xf32, #tpu.memory_space<hbm>>) target_semaphore(%run_scoped3A_35 : memref<!tpu.dma_semaphore, #tpu.memory_space<semaphore_mem>>)
        %dma_wait3A = arith.constant 0 : i32
        %dma_wait3A_40 = tpu.memref_slice %arg6[%run_scoped3A_33, %run_scoped3A_34, %mul3A_0, %dma_wait3A] : memref<2x2x10240x64xf32, #tpu.memory_space<hbm>> -> memref<1x1x640x64xf32, #tpu.memory_space<hbm>>
        %dma_wait3A_41 = tpu.memref_squeeze %dma_wait3A_40 : memref<1x1x640x64xf32, #tpu.memory_space<hbm>> -> memref<640x64xf32, #tpu.memory_space<hbm>>
        %dma_wait3A_42 = arith.constant 0 : i32
        %dma_wait3A_43 = tpu.memref_slice %arg13[%mul3A_0, %dma_wait3A_42] : memref<10240x64xf32, #tpu.memory_space<vmem_shared>> -> memref<640x64xf32, #tpu.memory_space<vmem_shared>>
        tpu.wait_dma2 semaphore(%run_scoped3A_35 : memref<!tpu.dma_semaphore, #tpu.memory_space<semaphore_mem>>) src(%dma_wait3A_43 : memref<640x64xf32, #tpu.memory_space<vmem_shared>>) dst(%dma_wait3A_41 : memref<640x64xf32, #tpu.memory_space<hbm>>)
        tpu.yield
      }) : () -> ()
    } else {
    }
    return
  }
}

#map = affine_map<(d0, d1) -> (0, 0, 0, 0)>
#map1 = affine_map<(d0, d1) -> (0, 0)>
module attributes {stable_mosaic.version = 14 : i64} {
  func.func @_edge_body(%arg0: i32, %arg1: i32, %arg2: memref<2x2x10240x64xf32, #tpu.memory_space<hbm>>, %arg3: memref<2x16x160x128xi32, #tpu.memory_space<hbm>>, %arg4: memref<2x16x160x128xi32, #tpu.memory_space<hbm>>, %arg5: memref<10240x64xf32, #tpu.memory_space<hbm>>, %arg6: memref<2x2x10240x64xf32, #tpu.memory_space<hbm>>, %arg7: memref<40x128xi32, #tpu.memory_space<vmem>>, %arg8: memref<40x128xi32, #tpu.memory_space<vmem>>, %arg9: memref<128x64xf32, #tpu.memory_space<vmem>>, %arg10: memref<128x64xf32, #tpu.memory_space<vmem>>, %arg11: memref<128x64xf32, #tpu.memory_space<vmem>>, %arg12: memref<128x64xf32, #tpu.memory_space<vmem>>, %arg13: memref<10240x64xf32, #tpu.memory_space<vmem_shared>>, %arg14: memref<10240x64xf32, #tpu.memory_space<vmem_shared>>, %arg15: memref<!tpu.dma_semaphore, #tpu.memory_space<semaphore_mem>>, %arg16: memref<!tpu.dma_semaphore, #tpu.memory_space<semaphore_mem>>, %arg17: memref<!tpu.dma_semaphore, #tpu.memory_space<semaphore_mem>>, %arg18: memref<!tpu.dma_semaphore, #tpu.memory_space<semaphore_mem>>) attributes {dimension_semantics = [#tpu.dimension_semantics<core_parallel>, #tpu.dimension_semantics<subcore_parallel>], iteration_bounds = array<i64: 2, 16>, scalar_prefetch = 0 : i64, scratch_operands = 12 : i64, tpu.core_type = #tpu.core_type<sc_vector_subcore>, window_params = [{transform_indices = #map}, {transform_indices = #map}, {transform_indices = #map}, {transform_indices = #map1}, {transform_indices = #map}]} {
    %mul3A = arith.constant 640 : i32
    %mul3A_0 = arith.muli %arg1, %mul3A : i32
    "tpu.region"() ({
      %run_scoped3A_33 = tpu.sem_alloc : memref<!tpu.dma_semaphore, #tpu.memory_space<semaphore_mem>>
      %dma_start3A = arith.constant 0 : i32
      %dma_start3A_34 = tpu.memref_slice %arg13[%mul3A_0, %dma_start3A] : memref<10240x64xf32, #tpu.memory_space<vmem_shared>> -> memref<640x64xf32, #tpu.memory_space<vmem_shared>>
      %dma_start3A_35 = arith.constant 0 : i32
      %dma_start3A_36 = tpu.memref_slice %arg5[%mul3A_0, %dma_start3A_35] : memref<10240x64xf32, #tpu.memory_space<hbm>> -> memref<640x64xf32, #tpu.memory_space<hbm>>
      tpu.enqueue_dma source(%dma_start3A_36 : memref<640x64xf32, #tpu.memory_space<hbm>>) target(%dma_start3A_34 : memref<640x64xf32, #tpu.memory_space<vmem_shared>>) target_semaphore(%run_scoped3A_33 : memref<!tpu.dma_semaphore, #tpu.memory_space<semaphore_mem>>)
      %dma_wait3A = arith.constant 0 : i32
      %dma_wait3A_37 = tpu.memref_slice %arg13[%mul3A_0, %dma_wait3A] : memref<10240x64xf32, #tpu.memory_space<vmem_shared>> -> memref<640x64xf32, #tpu.memory_space<vmem_shared>>
      %dma_wait3A_38 = arith.constant 0 : i32
      %dma_wait3A_39 = tpu.memref_slice %arg5[%mul3A_0, %dma_wait3A_38] : memref<10240x64xf32, #tpu.memory_space<hbm>> -> memref<640x64xf32, #tpu.memory_space<hbm>>
      tpu.wait_dma2 semaphore(%run_scoped3A_33 : memref<!tpu.dma_semaphore, #tpu.memory_space<semaphore_mem>>) src(%dma_wait3A_39 : memref<640x64xf32, #tpu.memory_space<hbm>>) dst(%dma_wait3A_37 : memref<640x64xf32, #tpu.memory_space<vmem_shared>>)
      tpu.yield
    }) : () -> ()
    %run_scoped3A = arith.constant 0 : i32
    "tpu.region"() ({
      %run_scoped3A_33 = tpu.sem_alloc : memref<!tpu.dma_semaphore, #tpu.memory_space<semaphore_mem>>
      %dma_start3A = arith.constant 0 : i32
      %dma_start3A_34 = tpu.memref_slice %arg14[%mul3A_0, %dma_start3A] : memref<10240x64xf32, #tpu.memory_space<vmem_shared>> -> memref<640x64xf32, #tpu.memory_space<vmem_shared>>
      %dma_start3A_35 = arith.constant 0 : i32
      %dma_start3A_36 = tpu.memref_slice %arg2[%run_scoped3A, %arg0, %mul3A_0, %dma_start3A_35] : memref<2x2x10240x64xf32, #tpu.memory_space<hbm>> -> memref<1x1x640x64xf32, #tpu.memory_space<hbm>>
      %dma_start3A_37 = tpu.memref_squeeze %dma_start3A_36 : memref<1x1x640x64xf32, #tpu.memory_space<hbm>> -> memref<640x64xf32, #tpu.memory_space<hbm>>
      tpu.enqueue_dma source(%dma_start3A_37 : memref<640x64xf32, #tpu.memory_space<hbm>>) target(%dma_start3A_34 : memref<640x64xf32, #tpu.memory_space<vmem_shared>>) target_semaphore(%run_scoped3A_33 : memref<!tpu.dma_semaphore, #tpu.memory_space<semaphore_mem>>)
      %dma_wait3A = arith.constant 0 : i32
      %dma_wait3A_38 = tpu.memref_slice %arg14[%mul3A_0, %dma_wait3A] : memref<10240x64xf32, #tpu.memory_space<vmem_shared>> -> memref<640x64xf32, #tpu.memory_space<vmem_shared>>
      %dma_wait3A_39 = arith.constant 0 : i32
      %dma_wait3A_40 = tpu.memref_slice %arg2[%run_scoped3A, %arg0, %mul3A_0, %dma_wait3A_39] : memref<2x2x10240x64xf32, #tpu.memory_space<hbm>> -> memref<1x1x640x64xf32, #tpu.memory_space<hbm>>
      %dma_wait3A_41 = tpu.memref_squeeze %dma_wait3A_40 : memref<1x1x640x64xf32, #tpu.memory_space<hbm>> -> memref<640x64xf32, #tpu.memory_space<hbm>>
      tpu.wait_dma2 semaphore(%run_scoped3A_33 : memref<!tpu.dma_semaphore, #tpu.memory_space<semaphore_mem>>) src(%dma_wait3A_41 : memref<640x64xf32, #tpu.memory_space<hbm>>) dst(%dma_wait3A_38 : memref<640x64xf32, #tpu.memory_space<vmem_shared>>)
      tpu.yield
    }) : () -> ()
    %barrier3A = arith.constant 0 : index
    tpu.barrier barrier_id(%barrier3A)
    %scan3A = arith.constant 0 : i32
    %scan3A_1 = arith.constant 0 : i32
    %scan3A_2 = arith.constant 4 : i32
    %scan3A_3 = arith.addi %scan3A_1, %scan3A_2 : i32
    %scan3A_4 = arith.constant 1 : i32
    scf.for %scan3A_33 = %scan3A_1 to %scan3A_3 step %scan3A_4  : i32 {
      %mul3A_34 = arith.constant 40 : i32
      %mul3A_35 = arith.muli %scan3A_33, %mul3A_34 : i32
      "tpu.region"() ({
        %run_scoped3A_94 = tpu.sem_alloc : memref<!tpu.dma_semaphore, #tpu.memory_space<semaphore_mem>>
        %dma_start3A_95 = arith.constant 0 : i32
        %dma_start3A_96 = tpu.memref_slice %arg3[%arg0, %arg1, %mul3A_35, %dma_start3A_95] : memref<2x16x160x128xi32, #tpu.memory_space<hbm>> -> memref<1x1x40x128xi32, #tpu.memory_space<hbm>>
        %dma_start3A_97 = tpu.memref_squeeze %dma_start3A_96 : memref<1x1x40x128xi32, #tpu.memory_space<hbm>> -> memref<40x128xi32, #tpu.memory_space<hbm>>
        %dma_start3A_98 = arith.constant 0 : i32
        %dma_start3A_99 = tpu.memref_slice %arg3[%arg0, %arg1, %mul3A_35, %dma_start3A_98] : memref<2x16x160x128xi32, #tpu.memory_space<hbm>> -> memref<1x1x40x128xi32, #tpu.memory_space<hbm>>
        %dma_start3A_100 = tpu.memref_squeeze %dma_start3A_99 : memref<1x1x40x128xi32, #tpu.memory_space<hbm>> -> memref<40x128xi32, #tpu.memory_space<hbm>>
        tpu.enqueue_dma source(%dma_start3A_100 : memref<40x128xi32, #tpu.memory_space<hbm>>) target(%arg7 : memref<40x128xi32, #tpu.memory_space<vmem>>) target_semaphore(%run_scoped3A_94 : memref<!tpu.dma_semaphore, #tpu.memory_space<semaphore_mem>>)
        %dma_wait3A_101 = arith.constant 0 : i32
        %dma_wait3A_102 = tpu.memref_slice %arg3[%arg0, %arg1, %mul3A_35, %dma_wait3A_101] : memref<2x16x160x128xi32, #tpu.memory_space<hbm>> -> memref<1x1x40x128xi32, #tpu.memory_space<hbm>>
        %dma_wait3A_103 = tpu.memref_squeeze %dma_wait3A_102 : memref<1x1x40x128xi32, #tpu.memory_space<hbm>> -> memref<40x128xi32, #tpu.memory_space<hbm>>
        %dma_wait3A_104 = arith.constant 0 : i32
        %dma_wait3A_105 = tpu.memref_slice %arg3[%arg0, %arg1, %mul3A_35, %dma_wait3A_104] : memref<2x16x160x128xi32, #tpu.memory_space<hbm>> -> memref<1x1x40x128xi32, #tpu.memory_space<hbm>>
        %dma_wait3A_106 = tpu.memref_squeeze %dma_wait3A_105 : memref<1x1x40x128xi32, #tpu.memory_space<hbm>> -> memref<40x128xi32, #tpu.memory_space<hbm>>
        tpu.wait_dma2 semaphore(%run_scoped3A_94 : memref<!tpu.dma_semaphore, #tpu.memory_space<semaphore_mem>>) src(%dma_wait3A_106 : memref<40x128xi32, #tpu.memory_space<hbm>>) dst(%arg7 : memref<40x128xi32, #tpu.memory_space<vmem>>)
        tpu.yield
      }) : () -> ()
      %mul3A_36 = arith.constant 40 : i32
      %mul3A_37 = arith.muli %scan3A_33, %mul3A_36 : i32
      "tpu.region"() ({
        %run_scoped3A_94 = tpu.sem_alloc : memref<!tpu.dma_semaphore, #tpu.memory_space<semaphore_mem>>
        %dma_start3A_95 = arith.constant 0 : i32
        %dma_start3A_96 = tpu.memref_slice %arg4[%arg0, %arg1, %mul3A_37, %dma_start3A_95] : memref<2x16x160x128xi32, #tpu.memory_space<hbm>> -> memref<1x1x40x128xi32, #tpu.memory_space<hbm>>
        %dma_start3A_97 = tpu.memref_squeeze %dma_start3A_96 : memref<1x1x40x128xi32, #tpu.memory_space<hbm>> -> memref<40x128xi32, #tpu.memory_space<hbm>>
        %dma_start3A_98 = arith.constant 0 : i32
        %dma_start3A_99 = tpu.memref_slice %arg4[%arg0, %arg1, %mul3A_37, %dma_start3A_98] : memref<2x16x160x128xi32, #tpu.memory_space<hbm>> -> memref<1x1x40x128xi32, #tpu.memory_space<hbm>>
        %dma_start3A_100 = tpu.memref_squeeze %dma_start3A_99 : memref<1x1x40x128xi32, #tpu.memory_space<hbm>> -> memref<40x128xi32, #tpu.memory_space<hbm>>
        tpu.enqueue_dma source(%dma_start3A_100 : memref<40x128xi32, #tpu.memory_space<hbm>>) target(%arg8 : memref<40x128xi32, #tpu.memory_space<vmem>>) target_semaphore(%run_scoped3A_94 : memref<!tpu.dma_semaphore, #tpu.memory_space<semaphore_mem>>)
        %dma_wait3A_101 = arith.constant 0 : i32
        %dma_wait3A_102 = tpu.memref_slice %arg4[%arg0, %arg1, %mul3A_37, %dma_wait3A_101] : memref<2x16x160x128xi32, #tpu.memory_space<hbm>> -> memref<1x1x40x128xi32, #tpu.memory_space<hbm>>
        %dma_wait3A_103 = tpu.memref_squeeze %dma_wait3A_102 : memref<1x1x40x128xi32, #tpu.memory_space<hbm>> -> memref<40x128xi32, #tpu.memory_space<hbm>>
        %dma_wait3A_104 = arith.constant 0 : i32
        %dma_wait3A_105 = tpu.memref_slice %arg4[%arg0, %arg1, %mul3A_37, %dma_wait3A_104] : memref<2x16x160x128xi32, #tpu.memory_space<hbm>> -> memref<1x1x40x128xi32, #tpu.memory_space<hbm>>
        %dma_wait3A_106 = tpu.memref_squeeze %dma_wait3A_105 : memref<1x1x40x128xi32, #tpu.memory_space<hbm>> -> memref<40x128xi32, #tpu.memory_space<hbm>>
        tpu.wait_dma2 semaphore(%run_scoped3A_94 : memref<!tpu.dma_semaphore, #tpu.memory_space<semaphore_mem>>) src(%dma_wait3A_106 : memref<40x128xi32, #tpu.memory_space<hbm>>) dst(%arg8 : memref<40x128xi32, #tpu.memory_space<vmem>>)
        tpu.yield
      }) : () -> ()
      %dma_start3A = arith.constant 0 : i32
      %dma_start3A_38 = arith.constant 0 : i32
      %dma_start3A_39 = tpu.memref_slice %arg7[%dma_start3A, %dma_start3A_38] : memref<40x128xi32, #tpu.memory_space<vmem>> -> memref<1x128xi32, #tpu.memory_space<vmem>>
      %dma_start3A_40 = tpu.memref_squeeze %dma_start3A_39 : memref<1x128xi32, #tpu.memory_space<vmem>> -> memref<128xi32, #tpu.memory_space<vmem>>
      %dma_start3A_41 = arith.constant 0 : i32
      %dma_start3A_42 = arith.constant 0 : i32
      %dma_start3A_43 = tpu.memref_slice %arg14[%dma_start3A_41, %dma_start3A_42] : memref<10240x64xf32, #tpu.memory_space<vmem_shared>> -> memref<10240x64xf32, #tpu.memory_space<vmem_shared>>
      tpu.enqueue_indirect_dma source(%dma_start3A_43 : memref<10240x64xf32, #tpu.memory_space<vmem_shared>>) target(%arg9 : memref<128x64xf32, #tpu.memory_space<vmem>>) offsets(%dma_start3A_40 : memref<128xi32, #tpu.memory_space<vmem>>) semaphore(%arg15 : memref<!tpu.dma_semaphore, #tpu.memory_space<semaphore_mem>>)
      %dma_start3A_44 = arith.constant 1 : i32
      %dma_start3A_45 = arith.constant 0 : i32
      %dma_start3A_46 = tpu.memref_slice %arg7[%dma_start3A_44, %dma_start3A_45] : memref<40x128xi32, #tpu.memory_space<vmem>> -> memref<1x128xi32, #tpu.memory_space<vmem>>
      %dma_start3A_47 = tpu.memref_squeeze %dma_start3A_46 : memref<1x128xi32, #tpu.memory_space<vmem>> -> memref<128xi32, #tpu.memory_space<vmem>>
      %dma_start3A_48 = arith.constant 0 : i32
      %dma_start3A_49 = arith.constant 0 : i32
      %dma_start3A_50 = tpu.memref_slice %arg14[%dma_start3A_48, %dma_start3A_49] : memref<10240x64xf32, #tpu.memory_space<vmem_shared>> -> memref<10240x64xf32, #tpu.memory_space<vmem_shared>>
      tpu.enqueue_indirect_dma source(%dma_start3A_50 : memref<10240x64xf32, #tpu.memory_space<vmem_shared>>) target(%arg10 : memref<128x64xf32, #tpu.memory_space<vmem>>) offsets(%dma_start3A_47 : memref<128xi32, #tpu.memory_space<vmem>>) semaphore(%arg16 : memref<!tpu.dma_semaphore, #tpu.memory_space<semaphore_mem>>)
      %dma_start3A_51 = arith.constant 2 : i32
      %dma_start3A_52 = arith.constant 0 : i32
      %dma_start3A_53 = tpu.memref_slice %arg7[%dma_start3A_51, %dma_start3A_52] : memref<40x128xi32, #tpu.memory_space<vmem>> -> memref<1x128xi32, #tpu.memory_space<vmem>>
      %dma_start3A_54 = tpu.memref_squeeze %dma_start3A_53 : memref<1x128xi32, #tpu.memory_space<vmem>> -> memref<128xi32, #tpu.memory_space<vmem>>
      %dma_start3A_55 = arith.constant 0 : i32
      %dma_start3A_56 = arith.constant 0 : i32
      %dma_start3A_57 = tpu.memref_slice %arg14[%dma_start3A_55, %dma_start3A_56] : memref<10240x64xf32, #tpu.memory_space<vmem_shared>> -> memref<10240x64xf32, #tpu.memory_space<vmem_shared>>
      tpu.enqueue_indirect_dma source(%dma_start3A_57 : memref<10240x64xf32, #tpu.memory_space<vmem_shared>>) target(%arg11 : memref<128x64xf32, #tpu.memory_space<vmem>>) offsets(%dma_start3A_54 : memref<128xi32, #tpu.memory_space<vmem>>) semaphore(%arg17 : memref<!tpu.dma_semaphore, #tpu.memory_space<semaphore_mem>>)
      %dma_start3A_58 = arith.constant 3 : i32
      %dma_start3A_59 = arith.constant 0 : i32
      %dma_start3A_60 = tpu.memref_slice %arg7[%dma_start3A_58, %dma_start3A_59] : memref<40x128xi32, #tpu.memory_space<vmem>> -> memref<1x128xi32, #tpu.memory_space<vmem>>
      %dma_start3A_61 = tpu.memref_squeeze %dma_start3A_60 : memref<1x128xi32, #tpu.memory_space<vmem>> -> memref<128xi32, #tpu.memory_space<vmem>>
      %dma_start3A_62 = arith.constant 0 : i32
      %dma_start3A_63 = arith.constant 0 : i32
      %dma_start3A_64 = tpu.memref_slice %arg14[%dma_start3A_62, %dma_start3A_63] : memref<10240x64xf32, #tpu.memory_space<vmem_shared>> -> memref<10240x64xf32, #tpu.memory_space<vmem_shared>>
      tpu.enqueue_indirect_dma source(%dma_start3A_64 : memref<10240x64xf32, #tpu.memory_space<vmem_shared>>) target(%arg12 : memref<128x64xf32, #tpu.memory_space<vmem>>) offsets(%dma_start3A_61 : memref<128xi32, #tpu.memory_space<vmem>>) semaphore(%arg18 : memref<!tpu.dma_semaphore, #tpu.memory_space<semaphore_mem>>)
      %scan3A_65 = arith.constant 0 : i32
      %scan3A_66 = arith.constant 0 : i32
      %scan3A_67 = arith.constant 10 : i32
      %scan3A_68 = arith.addi %scan3A_66, %scan3A_67 : i32
      %scan3A_69 = arith.constant 1 : i32
      scf.for %scan3A_94 = %scan3A_66 to %scan3A_68 step %scan3A_69  : i32 {
        %mul3A_95 = arith.constant 4 : i32
        %mul3A_96 = arith.muli %mul3A_95, %scan3A_94 : i32
        %dma_wait3A_97 = arith.constant 0 : i32
        %dma_wait3A_98 = arith.constant 0 : i32
        %dma_wait3A_99 = tpu.memref_slice %arg14[%dma_wait3A_97, %dma_wait3A_98] : memref<10240x64xf32, #tpu.memory_space<vmem_shared>> -> memref<128x64xf32, #tpu.memory_space<vmem_shared>>
        %dma_wait3A_100 = arith.constant 0 : i32
        %dma_wait3A_101 = arith.constant 0 : i32
        %dma_wait3A_102 = tpu.memref_slice %arg14[%dma_wait3A_100, %dma_wait3A_101] : memref<10240x64xf32, #tpu.memory_space<vmem_shared>> -> memref<128x64xf32, #tpu.memory_space<vmem_shared>>
        tpu.wait_dma2 semaphore(%arg15 : memref<!tpu.dma_semaphore, #tpu.memory_space<semaphore_mem>>) src(%dma_wait3A_102 : memref<128x64xf32, #tpu.memory_space<vmem_shared>>) dst(%arg9 : memref<128x64xf32, #tpu.memory_space<vmem>>)
        %add3A = arith.constant 0 : i32
        %add3A_103 = arith.addi %mul3A_96, %add3A : i32
        "tpu.region"() ({
          %run_scoped3A_175 = tpu.sem_alloc : memref<!tpu.dma_semaphore, #tpu.memory_space<semaphore_mem>>
          %dma_start3A_176 = arith.constant 0 : i32
          %dma_start3A_177 = tpu.memref_slice %arg8[%add3A_103, %dma_start3A_176] : memref<40x128xi32, #tpu.memory_space<vmem>> -> memref<1x128xi32, #tpu.memory_space<vmem>>
          %dma_start3A_178 = tpu.memref_squeeze %dma_start3A_177 : memref<1x128xi32, #tpu.memory_space<vmem>> -> memref<128xi32, #tpu.memory_space<vmem>>
          %dma_start3A_179 = arith.constant 0 : i32
          %dma_start3A_180 = arith.constant 0 : i32
          %dma_start3A_181 = tpu.memref_slice %arg13[%dma_start3A_179, %dma_start3A_180] : memref<10240x64xf32, #tpu.memory_space<vmem_shared>> -> memref<10240x64xf32, #tpu.memory_space<vmem_shared>>
          tpu.enqueue_indirect_dma source(%arg9 : memref<128x64xf32, #tpu.memory_space<vmem>>) target(%dma_start3A_181 : memref<10240x64xf32, #tpu.memory_space<vmem_shared>>) offsets(%dma_start3A_178 : memref<128xi32, #tpu.memory_space<vmem>>) semaphore(%run_scoped3A_175 : memref<!tpu.dma_semaphore, #tpu.memory_space<semaphore_mem>>) {add = true}
          %dma_wait3A_182 = arith.constant 0 : i32
          %dma_wait3A_183 = tpu.memref_slice %arg8[%add3A_103, %dma_wait3A_182] : memref<40x128xi32, #tpu.memory_space<vmem>> -> memref<1x128xi32, #tpu.memory_space<vmem>>
          %dma_wait3A_184 = tpu.memref_squeeze %dma_wait3A_183 : memref<1x128xi32, #tpu.memory_space<vmem>> -> memref<128xi32, #tpu.memory_space<vmem>>
          %dma_wait3A_185 = arith.constant 0 : i32
          %dma_wait3A_186 = arith.constant 0 : i32
          %dma_wait3A_187 = tpu.memref_slice %arg13[%dma_wait3A_185, %dma_wait3A_186] : memref<10240x64xf32, #tpu.memory_space<vmem_shared>> -> memref<10240x64xf32, #tpu.memory_space<vmem_shared>>
          tpu.wait_indirect_dma semaphore(%run_scoped3A_175 : memref<!tpu.dma_semaphore, #tpu.memory_space<semaphore_mem>>) src(%arg9 : memref<128x64xf32, #tpu.memory_space<vmem>>) dst(%dma_wait3A_187 : memref<10240x64xf32, #tpu.memory_space<vmem_shared>>)
          tpu.yield
        }) : () -> ()
        %add3A_104 = arith.constant 0 : i32
        %add3A_105 = arith.addi %mul3A_96, %add3A_104 : i32
        %add3A_106 = arith.constant 4 : i32
        %add3A_107 = arith.addi %add3A_105, %add3A_106 : i32
        %min3A = arith.constant 39 : i32
        %min3A_108 = arith.minsi %add3A_107, %min3A : i32
        %dma_start3A_109 = arith.constant 0 : i32
        %dma_start3A_110 = tpu.memref_slice %arg7[%min3A_108, %dma_start3A_109] : memref<40x128xi32, #tpu.memory_space<vmem>> -> memref<1x128xi32, #tpu.memory_space<vmem>>
        %dma_start3A_111 = tpu.memref_squeeze %dma_start3A_110 : memref<1x128xi32, #tpu.memory_space<vmem>> -> memref<128xi32, #tpu.memory_space<vmem>>
        %dma_start3A_112 = arith.constant 0 : i32
        %dma_start3A_113 = arith.constant 0 : i32
        %dma_start3A_114 = tpu.memref_slice %arg14[%dma_start3A_112, %dma_start3A_113] : memref<10240x64xf32, #tpu.memory_space<vmem_shared>> -> memref<10240x64xf32, #tpu.memory_space<vmem_shared>>
        tpu.enqueue_indirect_dma source(%dma_start3A_114 : memref<10240x64xf32, #tpu.memory_space<vmem_shared>>) target(%arg9 : memref<128x64xf32, #tpu.memory_space<vmem>>) offsets(%dma_start3A_111 : memref<128xi32, #tpu.memory_space<vmem>>) semaphore(%arg15 : memref<!tpu.dma_semaphore, #tpu.memory_space<semaphore_mem>>)
        %dma_wait3A_115 = arith.constant 0 : i32
        %dma_wait3A_116 = arith.constant 0 : i32
        %dma_wait3A_117 = tpu.memref_slice %arg14[%dma_wait3A_115, %dma_wait3A_116] : memref<10240x64xf32, #tpu.memory_space<vmem_shared>> -> memref<128x64xf32, #tpu.memory_space<vmem_shared>>
        %dma_wait3A_118 = arith.constant 0 : i32
        %dma_wait3A_119 = arith.constant 0 : i32
        %dma_wait3A_120 = tpu.memref_slice %arg14[%dma_wait3A_118, %dma_wait3A_119] : memref<10240x64xf32, #tpu.memory_space<vmem_shared>> -> memref<128x64xf32, #tpu.memory_space<vmem_shared>>
        tpu.wait_dma2 semaphore(%arg16 : memref<!tpu.dma_semaphore, #tpu.memory_space<semaphore_mem>>) src(%dma_wait3A_120 : memref<128x64xf32, #tpu.memory_space<vmem_shared>>) dst(%arg10 : memref<128x64xf32, #tpu.memory_space<vmem>>)
        %add3A_121 = arith.constant 1 : i32
        %add3A_122 = arith.addi %mul3A_96, %add3A_121 : i32
        "tpu.region"() ({
          %run_scoped3A_175 = tpu.sem_alloc : memref<!tpu.dma_semaphore, #tpu.memory_space<semaphore_mem>>
          %dma_start3A_176 = arith.constant 0 : i32
          %dma_start3A_177 = tpu.memref_slice %arg8[%add3A_122, %dma_start3A_176] : memref<40x128xi32, #tpu.memory_space<vmem>> -> memref<1x128xi32, #tpu.memory_space<vmem>>
          %dma_start3A_178 = tpu.memref_squeeze %dma_start3A_177 : memref<1x128xi32, #tpu.memory_space<vmem>> -> memref<128xi32, #tpu.memory_space<vmem>>
          %dma_start3A_179 = arith.constant 0 : i32
          %dma_start3A_180 = arith.constant 0 : i32
          %dma_start3A_181 = tpu.memref_slice %arg13[%dma_start3A_179, %dma_start3A_180] : memref<10240x64xf32, #tpu.memory_space<vmem_shared>> -> memref<10240x64xf32, #tpu.memory_space<vmem_shared>>
          tpu.enqueue_indirect_dma source(%arg10 : memref<128x64xf32, #tpu.memory_space<vmem>>) target(%dma_start3A_181 : memref<10240x64xf32, #tpu.memory_space<vmem_shared>>) offsets(%dma_start3A_178 : memref<128xi32, #tpu.memory_space<vmem>>) semaphore(%run_scoped3A_175 : memref<!tpu.dma_semaphore, #tpu.memory_space<semaphore_mem>>) {add = true}
          %dma_wait3A_182 = arith.constant 0 : i32
          %dma_wait3A_183 = tpu.memref_slice %arg8[%add3A_122, %dma_wait3A_182] : memref<40x128xi32, #tpu.memory_space<vmem>> -> memref<1x128xi32, #tpu.memory_space<vmem>>
          %dma_wait3A_184 = tpu.memref_squeeze %dma_wait3A_183 : memref<1x128xi32, #tpu.memory_space<vmem>> -> memref<128xi32, #tpu.memory_space<vmem>>
          %dma_wait3A_185 = arith.constant 0 : i32
          %dma_wait3A_186 = arith.constant 0 : i32
          %dma_wait3A_187 = tpu.memref_slice %arg13[%dma_wait3A_185, %dma_wait3A_186] : memref<10240x64xf32, #tpu.memory_space<vmem_shared>> -> memref<10240x64xf32, #tpu.memory_space<vmem_shared>>
          tpu.wait_indirect_dma semaphore(%run_scoped3A_175 : memref<!tpu.dma_semaphore, #tpu.memory_space<semaphore_mem>>) src(%arg10 : memref<128x64xf32, #tpu.memory_space<vmem>>) dst(%dma_wait3A_187 : memref<10240x64xf32, #tpu.memory_space<vmem_shared>>)
          tpu.yield
        }) : () -> ()
        %add3A_123 = arith.constant 1 : i32
        %add3A_124 = arith.addi %mul3A_96, %add3A_123 : i32
        %add3A_125 = arith.constant 4 : i32
        %add3A_126 = arith.addi %add3A_124, %add3A_125 : i32
        %min3A_127 = arith.constant 39 : i32
        %min3A_128 = arith.minsi %add3A_126, %min3A_127 : i32
        %dma_start3A_129 = arith.constant 0 : i32
        %dma_start3A_130 = tpu.memref_slice %arg7[%min3A_128, %dma_start3A_129] : memref<40x128xi32, #tpu.memory_space<vmem>> -> memref<1x128xi32, #tpu.memory_space<vmem>>
        %dma_start3A_131 = tpu.memref_squeeze %dma_start3A_130 : memref<1x128xi32, #tpu.memory_space<vmem>> -> memref<128xi32, #tpu.memory_space<vmem>>
        %dma_start3A_132 = arith.constant 0 : i32
        %dma_start3A_133 = arith.constant 0 : i32
        %dma_start3A_134 = tpu.memref_slice %arg14[%dma_start3A_132, %dma_start3A_133] : memref<10240x64xf32, #tpu.memory_space<vmem_shared>> -> memref<10240x64xf32, #tpu.memory_space<vmem_shared>>
        tpu.enqueue_indirect_dma source(%dma_start3A_134 : memref<10240x64xf32, #tpu.memory_space<vmem_shared>>) target(%arg10 : memref<128x64xf32, #tpu.memory_space<vmem>>) offsets(%dma_start3A_131 : memref<128xi32, #tpu.memory_space<vmem>>) semaphore(%arg16 : memref<!tpu.dma_semaphore, #tpu.memory_space<semaphore_mem>>)
        %dma_wait3A_135 = arith.constant 0 : i32
        %dma_wait3A_136 = arith.constant 0 : i32
        %dma_wait3A_137 = tpu.memref_slice %arg14[%dma_wait3A_135, %dma_wait3A_136] : memref<10240x64xf32, #tpu.memory_space<vmem_shared>> -> memref<128x64xf32, #tpu.memory_space<vmem_shared>>
        %dma_wait3A_138 = arith.constant 0 : i32
        %dma_wait3A_139 = arith.constant 0 : i32
        %dma_wait3A_140 = tpu.memref_slice %arg14[%dma_wait3A_138, %dma_wait3A_139] : memref<10240x64xf32, #tpu.memory_space<vmem_shared>> -> memref<128x64xf32, #tpu.memory_space<vmem_shared>>
        tpu.wait_dma2 semaphore(%arg17 : memref<!tpu.dma_semaphore, #tpu.memory_space<semaphore_mem>>) src(%dma_wait3A_140 : memref<128x64xf32, #tpu.memory_space<vmem_shared>>) dst(%arg11 : memref<128x64xf32, #tpu.memory_space<vmem>>)
        %add3A_141 = arith.constant 2 : i32
        %add3A_142 = arith.addi %mul3A_96, %add3A_141 : i32
        "tpu.region"() ({
          %run_scoped3A_175 = tpu.sem_alloc : memref<!tpu.dma_semaphore, #tpu.memory_space<semaphore_mem>>
          %dma_start3A_176 = arith.constant 0 : i32
          %dma_start3A_177 = tpu.memref_slice %arg8[%add3A_142, %dma_start3A_176] : memref<40x128xi32, #tpu.memory_space<vmem>> -> memref<1x128xi32, #tpu.memory_space<vmem>>
          %dma_start3A_178 = tpu.memref_squeeze %dma_start3A_177 : memref<1x128xi32, #tpu.memory_space<vmem>> -> memref<128xi32, #tpu.memory_space<vmem>>
          %dma_start3A_179 = arith.constant 0 : i32
          %dma_start3A_180 = arith.constant 0 : i32
          %dma_start3A_181 = tpu.memref_slice %arg13[%dma_start3A_179, %dma_start3A_180] : memref<10240x64xf32, #tpu.memory_space<vmem_shared>> -> memref<10240x64xf32, #tpu.memory_space<vmem_shared>>
          tpu.enqueue_indirect_dma source(%arg11 : memref<128x64xf32, #tpu.memory_space<vmem>>) target(%dma_start3A_181 : memref<10240x64xf32, #tpu.memory_space<vmem_shared>>) offsets(%dma_start3A_178 : memref<128xi32, #tpu.memory_space<vmem>>) semaphore(%run_scoped3A_175 : memref<!tpu.dma_semaphore, #tpu.memory_space<semaphore_mem>>) {add = true}
          %dma_wait3A_182 = arith.constant 0 : i32
          %dma_wait3A_183 = tpu.memref_slice %arg8[%add3A_142, %dma_wait3A_182] : memref<40x128xi32, #tpu.memory_space<vmem>> -> memref<1x128xi32, #tpu.memory_space<vmem>>
          %dma_wait3A_184 = tpu.memref_squeeze %dma_wait3A_183 : memref<1x128xi32, #tpu.memory_space<vmem>> -> memref<128xi32, #tpu.memory_space<vmem>>
          %dma_wait3A_185 = arith.constant 0 : i32
          %dma_wait3A_186 = arith.constant 0 : i32
          %dma_wait3A_187 = tpu.memref_slice %arg13[%dma_wait3A_185, %dma_wait3A_186] : memref<10240x64xf32, #tpu.memory_space<vmem_shared>> -> memref<10240x64xf32, #tpu.memory_space<vmem_shared>>
          tpu.wait_indirect_dma semaphore(%run_scoped3A_175 : memref<!tpu.dma_semaphore, #tpu.memory_space<semaphore_mem>>) src(%arg11 : memref<128x64xf32, #tpu.memory_space<vmem>>) dst(%dma_wait3A_187 : memref<10240x64xf32, #tpu.memory_space<vmem_shared>>)
          tpu.yield
        }) : () -> ()
        %add3A_143 = arith.constant 2 : i32
        %add3A_144 = arith.addi %mul3A_96, %add3A_143 : i32
        %add3A_145 = arith.constant 4 : i32
        %add3A_146 = arith.addi %add3A_144, %add3A_145 : i32
        %min3A_147 = arith.constant 39 : i32
        %min3A_148 = arith.minsi %add3A_146, %min3A_147 : i32
        %dma_start3A_149 = arith.constant 0 : i32
        %dma_start3A_150 = tpu.memref_slice %arg7[%min3A_148, %dma_start3A_149] : memref<40x128xi32, #tpu.memory_space<vmem>> -> memref<1x128xi32, #tpu.memory_space<vmem>>
        %dma_start3A_151 = tpu.memref_squeeze %dma_start3A_150 : memref<1x128xi32, #tpu.memory_space<vmem>> -> memref<128xi32, #tpu.memory_space<vmem>>
        %dma_start3A_152 = arith.constant 0 : i32
        %dma_start3A_153 = arith.constant 0 : i32
        %dma_start3A_154 = tpu.memref_slice %arg14[%dma_start3A_152, %dma_start3A_153] : memref<10240x64xf32, #tpu.memory_space<vmem_shared>> -> memref<10240x64xf32, #tpu.memory_space<vmem_shared>>
        tpu.enqueue_indirect_dma source(%dma_start3A_154 : memref<10240x64xf32, #tpu.memory_space<vmem_shared>>) target(%arg11 : memref<128x64xf32, #tpu.memory_space<vmem>>) offsets(%dma_start3A_151 : memref<128xi32, #tpu.memory_space<vmem>>) semaphore(%arg17 : memref<!tpu.dma_semaphore, #tpu.memory_space<semaphore_mem>>)
        %dma_wait3A_155 = arith.constant 0 : i32
        %dma_wait3A_156 = arith.constant 0 : i32
        %dma_wait3A_157 = tpu.memref_slice %arg14[%dma_wait3A_155, %dma_wait3A_156] : memref<10240x64xf32, #tpu.memory_space<vmem_shared>> -> memref<128x64xf32, #tpu.memory_space<vmem_shared>>
        %dma_wait3A_158 = arith.constant 0 : i32
        %dma_wait3A_159 = arith.constant 0 : i32
        %dma_wait3A_160 = tpu.memref_slice %arg14[%dma_wait3A_158, %dma_wait3A_159] : memref<10240x64xf32, #tpu.memory_space<vmem_shared>> -> memref<128x64xf32, #tpu.memory_space<vmem_shared>>
        tpu.wait_dma2 semaphore(%arg18 : memref<!tpu.dma_semaphore, #tpu.memory_space<semaphore_mem>>) src(%dma_wait3A_160 : memref<128x64xf32, #tpu.memory_space<vmem_shared>>) dst(%arg12 : memref<128x64xf32, #tpu.memory_space<vmem>>)
        %add3A_161 = arith.constant 3 : i32
        %add3A_162 = arith.addi %mul3A_96, %add3A_161 : i32
        "tpu.region"() ({
          %run_scoped3A_175 = tpu.sem_alloc : memref<!tpu.dma_semaphore, #tpu.memory_space<semaphore_mem>>
          %dma_start3A_176 = arith.constant 0 : i32
          %dma_start3A_177 = tpu.memref_slice %arg8[%add3A_162, %dma_start3A_176] : memref<40x128xi32, #tpu.memory_space<vmem>> -> memref<1x128xi32, #tpu.memory_space<vmem>>
          %dma_start3A_178 = tpu.memref_squeeze %dma_start3A_177 : memref<1x128xi32, #tpu.memory_space<vmem>> -> memref<128xi32, #tpu.memory_space<vmem>>
          %dma_start3A_179 = arith.constant 0 : i32
          %dma_start3A_180 = arith.constant 0 : i32
          %dma_start3A_181 = tpu.memref_slice %arg13[%dma_start3A_179, %dma_start3A_180] : memref<10240x64xf32, #tpu.memory_space<vmem_shared>> -> memref<10240x64xf32, #tpu.memory_space<vmem_shared>>
          tpu.enqueue_indirect_dma source(%arg12 : memref<128x64xf32, #tpu.memory_space<vmem>>) target(%dma_start3A_181 : memref<10240x64xf32, #tpu.memory_space<vmem_shared>>) offsets(%dma_start3A_178 : memref<128xi32, #tpu.memory_space<vmem>>) semaphore(%run_scoped3A_175 : memref<!tpu.dma_semaphore, #tpu.memory_space<semaphore_mem>>) {add = true}
          %dma_wait3A_182 = arith.constant 0 : i32
          %dma_wait3A_183 = tpu.memref_slice %arg8[%add3A_162, %dma_wait3A_182] : memref<40x128xi32, #tpu.memory_space<vmem>> -> memref<1x128xi32, #tpu.memory_space<vmem>>
          %dma_wait3A_184 = tpu.memref_squeeze %dma_wait3A_183 : memref<1x128xi32, #tpu.memory_space<vmem>> -> memref<128xi32, #tpu.memory_space<vmem>>
          %dma_wait3A_185 = arith.constant 0 : i32
          %dma_wait3A_186 = arith.constant 0 : i32
          %dma_wait3A_187 = tpu.memref_slice %arg13[%dma_wait3A_185, %dma_wait3A_186] : memref<10240x64xf32, #tpu.memory_space<vmem_shared>> -> memref<10240x64xf32, #tpu.memory_space<vmem_shared>>
          tpu.wait_indirect_dma semaphore(%run_scoped3A_175 : memref<!tpu.dma_semaphore, #tpu.memory_space<semaphore_mem>>) src(%arg12 : memref<128x64xf32, #tpu.memory_space<vmem>>) dst(%dma_wait3A_187 : memref<10240x64xf32, #tpu.memory_space<vmem_shared>>)
          tpu.yield
        }) : () -> ()
        %add3A_163 = arith.constant 3 : i32
        %add3A_164 = arith.addi %mul3A_96, %add3A_163 : i32
        %add3A_165 = arith.constant 4 : i32
        %add3A_166 = arith.addi %add3A_164, %add3A_165 : i32
        %min3A_167 = arith.constant 39 : i32
        %min3A_168 = arith.minsi %add3A_166, %min3A_167 : i32
        %dma_start3A_169 = arith.constant 0 : i32
        %dma_start3A_170 = tpu.memref_slice %arg7[%min3A_168, %dma_start3A_169] : memref<40x128xi32, #tpu.memory_space<vmem>> -> memref<1x128xi32, #tpu.memory_space<vmem>>
        %dma_start3A_171 = tpu.memref_squeeze %dma_start3A_170 : memref<1x128xi32, #tpu.memory_space<vmem>> -> memref<128xi32, #tpu.memory_space<vmem>>
        %dma_start3A_172 = arith.constant 0 : i32
        %dma_start3A_173 = arith.constant 0 : i32
        %dma_start3A_174 = tpu.memref_slice %arg14[%dma_start3A_172, %dma_start3A_173] : memref<10240x64xf32, #tpu.memory_space<vmem_shared>> -> memref<10240x64xf32, #tpu.memory_space<vmem_shared>>
        tpu.enqueue_indirect_dma source(%dma_start3A_174 : memref<10240x64xf32, #tpu.memory_space<vmem_shared>>) target(%arg12 : memref<128x64xf32, #tpu.memory_space<vmem>>) offsets(%dma_start3A_171 : memref<128xi32, #tpu.memory_space<vmem>>) semaphore(%arg18 : memref<!tpu.dma_semaphore, #tpu.memory_space<semaphore_mem>>)
      }
      %scan3A_70 = arith.constant 10 : i32
      %dma_wait3A = arith.constant 0 : i32
      %dma_wait3A_71 = arith.constant 0 : i32
      %dma_wait3A_72 = tpu.memref_slice %arg14[%dma_wait3A, %dma_wait3A_71] : memref<10240x64xf32, #tpu.memory_space<vmem_shared>> -> memref<128x64xf32, #tpu.memory_space<vmem_shared>>
      %dma_wait3A_73 = arith.constant 0 : i32
      %dma_wait3A_74 = arith.constant 0 : i32
      %dma_wait3A_75 = tpu.memref_slice %arg14[%dma_wait3A_73, %dma_wait3A_74] : memref<10240x64xf32, #tpu.memory_space<vmem_shared>> -> memref<128x64xf32, #tpu.memory_space<vmem_shared>>
      tpu.wait_dma2 semaphore(%arg15 : memref<!tpu.dma_semaphore, #tpu.memory_space<semaphore_mem>>) src(%dma_wait3A_75 : memref<128x64xf32, #tpu.memory_space<vmem_shared>>) dst(%arg9 : memref<128x64xf32, #tpu.memory_space<vmem>>)
      %dma_wait3A_76 = arith.constant 0 : i32
      %dma_wait3A_77 = arith.constant 0 : i32
      %dma_wait3A_78 = tpu.memref_slice %arg14[%dma_wait3A_76, %dma_wait3A_77] : memref<10240x64xf32, #tpu.memory_space<vmem_shared>> -> memref<128x64xf32, #tpu.memory_space<vmem_shared>>
      %dma_wait3A_79 = arith.constant 0 : i32
      %dma_wait3A_80 = arith.constant 0 : i32
      %dma_wait3A_81 = tpu.memref_slice %arg14[%dma_wait3A_79, %dma_wait3A_80] : memref<10240x64xf32, #tpu.memory_space<vmem_shared>> -> memref<128x64xf32, #tpu.memory_space<vmem_shared>>
      tpu.wait_dma2 semaphore(%arg16 : memref<!tpu.dma_semaphore, #tpu.memory_space<semaphore_mem>>) src(%dma_wait3A_81 : memref<128x64xf32, #tpu.memory_space<vmem_shared>>) dst(%arg10 : memref<128x64xf32, #tpu.memory_space<vmem>>)
      %dma_wait3A_82 = arith.constant 0 : i32
      %dma_wait3A_83 = arith.constant 0 : i32
      %dma_wait3A_84 = tpu.memref_slice %arg14[%dma_wait3A_82, %dma_wait3A_83] : memref<10240x64xf32, #tpu.memory_space<vmem_shared>> -> memref<128x64xf32, #tpu.memory_space<vmem_shared>>
      %dma_wait3A_85 = arith.constant 0 : i32
      %dma_wait3A_86 = arith.constant 0 : i32
      %dma_wait3A_87 = tpu.memref_slice %arg14[%dma_wait3A_85, %dma_wait3A_86] : memref<10240x64xf32, #tpu.memory_space<vmem_shared>> -> memref<128x64xf32, #tpu.memory_space<vmem_shared>>
      tpu.wait_dma2 semaphore(%arg17 : memref<!tpu.dma_semaphore, #tpu.memory_space<semaphore_mem>>) src(%dma_wait3A_87 : memref<128x64xf32, #tpu.memory_space<vmem_shared>>) dst(%arg11 : memref<128x64xf32, #tpu.memory_space<vmem>>)
      %dma_wait3A_88 = arith.constant 0 : i32
      %dma_wait3A_89 = arith.constant 0 : i32
      %dma_wait3A_90 = tpu.memref_slice %arg14[%dma_wait3A_88, %dma_wait3A_89] : memref<10240x64xf32, #tpu.memory_space<vmem_shared>> -> memref<128x64xf32, #tpu.memory_space<vmem_shared>>
      %dma_wait3A_91 = arith.constant 0 : i32
      %dma_wait3A_92 = arith.constant 0 : i32
      %dma_wait3A_93 = tpu.memref_slice %arg14[%dma_wait3A_91, %dma_wait3A_92] : memref<10240x64xf32, #tpu.memory_space<vmem_shared>> -> memref<128x64xf32, #tpu.memory_space<vmem_shared>>
      tpu.wait_dma2 semaphore(%arg18 : memref<!tpu.dma_semaphore, #tpu.memory_space<semaphore_mem>>) src(%dma_wait3A_93 : memref<128x64xf32, #tpu.memory_space<vmem_shared>>) dst(%arg12 : memref<128x64xf32, #tpu.memory_space<vmem>>)
    }
    %scan3A_5 = arith.constant 4 : i32
    %barrier3A_6 = arith.constant 0 : index
    tpu.barrier barrier_id(%barrier3A_6)
    %eq3A = arith.constant 0 : i32
    %eq3A_7 = arith.cmpi eq, %arg0, %eq3A : i32
    %convert_element_type3A = arith.extui %eq3A_7 : i1 to i32
    %cond3A = arith.constant 0 : i32
    %cond3A_8 = arith.cmpi ne, %convert_element_type3A, %cond3A : i32
    scf.if %cond3A_8 {
      %run_scoped3A_33 = arith.constant 0 : i32
      %run_scoped3A_34 = arith.constant 0 : i32
      "tpu.region"() ({
        %run_scoped3A_35 = tpu.sem_alloc : memref<!tpu.dma_semaphore, #tpu.memory_space<semaphore_mem>>
        %dma_start3A = arith.constant 0 : i32
        %dma_start3A_36 = tpu.memref_slice %arg6[%run_scoped3A_33, %run_scoped3A_34, %mul3A_0, %dma_start3A] : memref<2x2x10240x64xf32, #tpu.memory_space<hbm>> -> memref<1x1x640x64xf32, #tpu.memory_space<hbm>>
        %dma_start3A_37 = tpu.memref_squeeze %dma_start3A_36 : memref<1x1x640x64xf32, #tpu.memory_space<hbm>> -> memref<640x64xf32, #tpu.memory_space<hbm>>
        %dma_start3A_38 = arith.constant 0 : i32
        %dma_start3A_39 = tpu.memref_slice %arg13[%mul3A_0, %dma_start3A_38] : memref<10240x64xf32, #tpu.memory_space<vmem_shared>> -> memref<640x64xf32, #tpu.memory_space<vmem_shared>>
        tpu.enqueue_dma source(%dma_start3A_39 : memref<640x64xf32, #tpu.memory_space<vmem_shared>>) target(%dma_start3A_37 : memref<640x64xf32, #tpu.memory_space<hbm>>) target_semaphore(%run_scoped3A_35 : memref<!tpu.dma_semaphore, #tpu.memory_space<semaphore_mem>>)
        %dma_wait3A = arith.constant 0 : i32
        %dma_wait3A_40 = tpu.memref_slice %arg6[%run_scoped3A_33, %run_scoped3A_34, %mul3A_0, %dma_wait3A] : memref<2x2x10240x64xf32, #tpu.memory_space<hbm>> -> memref<1x1x640x64xf32, #tpu.memory_space<hbm>>
        %dma_wait3A_41 = tpu.memref_squeeze %dma_wait3A_40 : memref<1x1x640x64xf32, #tpu.memory_space<hbm>> -> memref<640x64xf32, #tpu.memory_space<hbm>>
        %dma_wait3A_42 = arith.constant 0 : i32
        %dma_wait3A_43 = tpu.memref_slice %arg13[%mul3A_0, %dma_wait3A_42] : memref<10240x64xf32, #tpu.memory_space<vmem_shared>> -> memref<640x64xf32, #tpu.memory_space<vmem_shared>>
        tpu.wait_dma2 semaphore(%run_scoped3A_35 : memref<!tpu.dma_semaphore, #tpu.memory_space<semaphore_mem>>) src(%dma_wait3A_43 : memref<640x64xf32, #tpu.memory_space<vmem_shared>>) dst(%dma_wait3A_41 : memref<640x64xf32, #tpu.memory_space<hbm>>)
        tpu.yield
      }) : () -> ()
    } else {
    }
    %eq3A_9 = arith.constant 1 : i32
    %eq3A_10 = arith.cmpi eq, %arg0, %eq3A_9 : i32
    %convert_element_type3A_11 = arith.extui %eq3A_10 : i1 to i32
    %cond3A_12 = arith.constant 0 : i32
    %cond3A_13 = arith.cmpi ne, %convert_element_type3A_11, %cond3A_12 : i32
    scf.if %cond3A_13 {
      %run_scoped3A_33 = arith.constant 0 : i32
      %run_scoped3A_34 = arith.constant 1 : i32
      "tpu.region"() ({
        %run_scoped3A_35 = tpu.sem_alloc : memref<!tpu.dma_semaphore, #tpu.memory_space<semaphore_mem>>
        %dma_start3A = arith.constant 0 : i32
        %dma_start3A_36 = tpu.memref_slice %arg6[%run_scoped3A_33, %run_scoped3A_34, %mul3A_0, %dma_start3A] : memref<2x2x10240x64xf32, #tpu.memory_space<hbm>> -> memref<1x1x640x64xf32, #tpu.memory_space<hbm>>
        %dma_start3A_37 = tpu.memref_squeeze %dma_start3A_36 : memref<1x1x640x64xf32, #tpu.memory_space<hbm>> -> memref<640x64xf32, #tpu.memory_space<hbm>>
        %dma_start3A_38 = arith.constant 0 : i32
        %dma_start3A_39 = tpu.memref_slice %arg13[%mul3A_0, %dma_start3A_38] : memref<10240x64xf32, #tpu.memory_space<vmem_shared>> -> memref<640x64xf32, #tpu.memory_space<vmem_shared>>
        tpu.enqueue_dma source(%dma_start3A_39 : memref<640x64xf32, #tpu.memory_space<vmem_shared>>) target(%dma_start3A_37 : memref<640x64xf32, #tpu.memory_space<hbm>>) target_semaphore(%run_scoped3A_35 : memref<!tpu.dma_semaphore, #tpu.memory_space<semaphore_mem>>)
        %dma_wait3A = arith.constant 0 : i32
        %dma_wait3A_40 = tpu.memref_slice %arg6[%run_scoped3A_33, %run_scoped3A_34, %mul3A_0, %dma_wait3A] : memref<2x2x10240x64xf32, #tpu.memory_space<hbm>> -> memref<1x1x640x64xf32, #tpu.memory_space<hbm>>
        %dma_wait3A_41 = tpu.memref_squeeze %dma_wait3A_40 : memref<1x1x640x64xf32, #tpu.memory_space<hbm>> -> memref<640x64xf32, #tpu.memory_space<hbm>>
        %dma_wait3A_42 = arith.constant 0 : i32
        %dma_wait3A_43 = tpu.memref_slice %arg13[%mul3A_0, %dma_wait3A_42] : memref<10240x64xf32, #tpu.memory_space<vmem_shared>> -> memref<640x64xf32, #tpu.memory_space<vmem_shared>>
        tpu.wait_dma2 semaphore(%run_scoped3A_35 : memref<!tpu.dma_semaphore, #tpu.memory_space<semaphore_mem>>) src(%dma_wait3A_43 : memref<640x64xf32, #tpu.memory_space<vmem_shared>>) dst(%dma_wait3A_41 : memref<640x64xf32, #tpu.memory_space<hbm>>)
        tpu.yield
      }) : () -> ()
    } else {
    }
    "tpu.region"() ({
      %run_scoped3A_33 = tpu.sem_alloc : memref<!tpu.dma_semaphore, #tpu.memory_space<semaphore_mem>>
      %dma_start3A = arith.constant 0 : i32
      %dma_start3A_34 = tpu.memref_slice %arg13[%mul3A_0, %dma_start3A] : memref<10240x64xf32, #tpu.memory_space<vmem_shared>> -> memref<640x64xf32, #tpu.memory_space<vmem_shared>>
      %dma_start3A_35 = arith.constant 0 : i32
      %dma_start3A_36 = tpu.memref_slice %arg5[%mul3A_0, %dma_start3A_35] : memref<10240x64xf32, #tpu.memory_space<hbm>> -> memref<640x64xf32, #tpu.memory_space<hbm>>
      tpu.enqueue_dma source(%dma_start3A_36 : memref<640x64xf32, #tpu.memory_space<hbm>>) target(%dma_start3A_34 : memref<640x64xf32, #tpu.memory_space<vmem_shared>>) target_semaphore(%run_scoped3A_33 : memref<!tpu.dma_semaphore, #tpu.memory_space<semaphore_mem>>)
      %dma_wait3A = arith.constant 0 : i32
      %dma_wait3A_37 = tpu.memref_slice %arg13[%mul3A_0, %dma_wait3A] : memref<10240x64xf32, #tpu.memory_space<vmem_shared>> -> memref<640x64xf32, #tpu.memory_space<vmem_shared>>
      %dma_wait3A_38 = arith.constant 0 : i32
      %dma_wait3A_39 = tpu.memref_slice %arg5[%mul3A_0, %dma_wait3A_38] : memref<10240x64xf32, #tpu.memory_space<hbm>> -> memref<640x64xf32, #tpu.memory_space<hbm>>
      tpu.wait_dma2 semaphore(%run_scoped3A_33 : memref<!tpu.dma_semaphore, #tpu.memory_space<semaphore_mem>>) src(%dma_wait3A_39 : memref<640x64xf32, #tpu.memory_space<hbm>>) dst(%dma_wait3A_37 : memref<640x64xf32, #tpu.memory_space<vmem_shared>>)
      tpu.yield
    }) : () -> ()
    %run_scoped3A_14 = arith.constant 1 : i32
    "tpu.region"() ({
      %run_scoped3A_33 = tpu.sem_alloc : memref<!tpu.dma_semaphore, #tpu.memory_space<semaphore_mem>>
      %dma_start3A = arith.constant 0 : i32
      %dma_start3A_34 = tpu.memref_slice %arg14[%mul3A_0, %dma_start3A] : memref<10240x64xf32, #tpu.memory_space<vmem_shared>> -> memref<640x64xf32, #tpu.memory_space<vmem_shared>>
      %dma_start3A_35 = arith.constant 0 : i32
      %dma_start3A_36 = tpu.memref_slice %arg2[%run_scoped3A_14, %arg0, %mul3A_0, %dma_start3A_35] : memref<2x2x10240x64xf32, #tpu.memory_space<hbm>> -> memref<1x1x640x64xf32, #tpu.memory_space<hbm>>
      %dma_start3A_37 = tpu.memref_squeeze %dma_start3A_36 : memref<1x1x640x64xf32, #tpu.memory_space<hbm>> -> memref<640x64xf32, #tpu.memory_space<hbm>>
      tpu.enqueue_dma source(%dma_start3A_37 : memref<640x64xf32, #tpu.memory_space<hbm>>) target(%dma_start3A_34 : memref<640x64xf32, #tpu.memory_space<vmem_shared>>) target_semaphore(%run_scoped3A_33 : memref<!tpu.dma_semaphore, #tpu.memory_space<semaphore_mem>>)
      %dma_wait3A = arith.constant 0 : i32
      %dma_wait3A_38 = tpu.memref_slice %arg14[%mul3A_0, %dma_wait3A] : memref<10240x64xf32, #tpu.memory_space<vmem_shared>> -> memref<640x64xf32, #tpu.memory_space<vmem_shared>>
      %dma_wait3A_39 = arith.constant 0 : i32
      %dma_wait3A_40 = tpu.memref_slice %arg2[%run_scoped3A_14, %arg0, %mul3A_0, %dma_wait3A_39] : memref<2x2x10240x64xf32, #tpu.memory_space<hbm>> -> memref<1x1x640x64xf32, #tpu.memory_space<hbm>>
      %dma_wait3A_41 = tpu.memref_squeeze %dma_wait3A_40 : memref<1x1x640x64xf32, #tpu.memory_space<hbm>> -> memref<640x64xf32, #tpu.memory_space<hbm>>
      tpu.wait_dma2 semaphore(%run_scoped3A_33 : memref<!tpu.dma_semaphore, #tpu.memory_space<semaphore_mem>>) src(%dma_wait3A_41 : memref<640x64xf32, #tpu.memory_space<hbm>>) dst(%dma_wait3A_38 : memref<640x64xf32, #tpu.memory_space<vmem_shared>>)
      tpu.yield
    }) : () -> ()
    %barrier3A_15 = arith.constant 0 : index
    tpu.barrier barrier_id(%barrier3A_15)
    %scan3A_16 = arith.constant 0 : i32
    %scan3A_17 = arith.constant 0 : i32
    %scan3A_18 = arith.constant 4 : i32
    %scan3A_19 = arith.addi %scan3A_17, %scan3A_18 : i32
    %scan3A_20 = arith.constant 1 : i32
    scf.for %scan3A_33 = %scan3A_17 to %scan3A_19 step %scan3A_20  : i32 {
      %mul3A_34 = arith.constant 40 : i32
      %mul3A_35 = arith.muli %scan3A_33, %mul3A_34 : i32
      "tpu.region"() ({
        %run_scoped3A_94 = tpu.sem_alloc : memref<!tpu.dma_semaphore, #tpu.memory_space<semaphore_mem>>
        %dma_start3A_95 = arith.constant 0 : i32
        %dma_start3A_96 = tpu.memref_slice %arg3[%arg0, %arg1, %mul3A_35, %dma_start3A_95] : memref<2x16x160x128xi32, #tpu.memory_space<hbm>> -> memref<1x1x40x128xi32, #tpu.memory_space<hbm>>
        %dma_start3A_97 = tpu.memref_squeeze %dma_start3A_96 : memref<1x1x40x128xi32, #tpu.memory_space<hbm>> -> memref<40x128xi32, #tpu.memory_space<hbm>>
        %dma_start3A_98 = arith.constant 0 : i32
        %dma_start3A_99 = tpu.memref_slice %arg3[%arg0, %arg1, %mul3A_35, %dma_start3A_98] : memref<2x16x160x128xi32, #tpu.memory_space<hbm>> -> memref<1x1x40x128xi32, #tpu.memory_space<hbm>>
        %dma_start3A_100 = tpu.memref_squeeze %dma_start3A_99 : memref<1x1x40x128xi32, #tpu.memory_space<hbm>> -> memref<40x128xi32, #tpu.memory_space<hbm>>
        tpu.enqueue_dma source(%dma_start3A_100 : memref<40x128xi32, #tpu.memory_space<hbm>>) target(%arg7 : memref<40x128xi32, #tpu.memory_space<vmem>>) target_semaphore(%run_scoped3A_94 : memref<!tpu.dma_semaphore, #tpu.memory_space<semaphore_mem>>)
        %dma_wait3A_101 = arith.constant 0 : i32
        %dma_wait3A_102 = tpu.memref_slice %arg3[%arg0, %arg1, %mul3A_35, %dma_wait3A_101] : memref<2x16x160x128xi32, #tpu.memory_space<hbm>> -> memref<1x1x40x128xi32, #tpu.memory_space<hbm>>
        %dma_wait3A_103 = tpu.memref_squeeze %dma_wait3A_102 : memref<1x1x40x128xi32, #tpu.memory_space<hbm>> -> memref<40x128xi32, #tpu.memory_space<hbm>>
        %dma_wait3A_104 = arith.constant 0 : i32
        %dma_wait3A_105 = tpu.memref_slice %arg3[%arg0, %arg1, %mul3A_35, %dma_wait3A_104] : memref<2x16x160x128xi32, #tpu.memory_space<hbm>> -> memref<1x1x40x128xi32, #tpu.memory_space<hbm>>
        %dma_wait3A_106 = tpu.memref_squeeze %dma_wait3A_105 : memref<1x1x40x128xi32, #tpu.memory_space<hbm>> -> memref<40x128xi32, #tpu.memory_space<hbm>>
        tpu.wait_dma2 semaphore(%run_scoped3A_94 : memref<!tpu.dma_semaphore, #tpu.memory_space<semaphore_mem>>) src(%dma_wait3A_106 : memref<40x128xi32, #tpu.memory_space<hbm>>) dst(%arg7 : memref<40x128xi32, #tpu.memory_space<vmem>>)
        tpu.yield
      }) : () -> ()
      %mul3A_36 = arith.constant 40 : i32
      %mul3A_37 = arith.muli %scan3A_33, %mul3A_36 : i32
      "tpu.region"() ({
        %run_scoped3A_94 = tpu.sem_alloc : memref<!tpu.dma_semaphore, #tpu.memory_space<semaphore_mem>>
        %dma_start3A_95 = arith.constant 0 : i32
        %dma_start3A_96 = tpu.memref_slice %arg4[%arg0, %arg1, %mul3A_37, %dma_start3A_95] : memref<2x16x160x128xi32, #tpu.memory_space<hbm>> -> memref<1x1x40x128xi32, #tpu.memory_space<hbm>>
        %dma_start3A_97 = tpu.memref_squeeze %dma_start3A_96 : memref<1x1x40x128xi32, #tpu.memory_space<hbm>> -> memref<40x128xi32, #tpu.memory_space<hbm>>
        %dma_start3A_98 = arith.constant 0 : i32
        %dma_start3A_99 = tpu.memref_slice %arg4[%arg0, %arg1, %mul3A_37, %dma_start3A_98] : memref<2x16x160x128xi32, #tpu.memory_space<hbm>> -> memref<1x1x40x128xi32, #tpu.memory_space<hbm>>
        %dma_start3A_100 = tpu.memref_squeeze %dma_start3A_99 : memref<1x1x40x128xi32, #tpu.memory_space<hbm>> -> memref<40x128xi32, #tpu.memory_space<hbm>>
        tpu.enqueue_dma source(%dma_start3A_100 : memref<40x128xi32, #tpu.memory_space<hbm>>) target(%arg8 : memref<40x128xi32, #tpu.memory_space<vmem>>) target_semaphore(%run_scoped3A_94 : memref<!tpu.dma_semaphore, #tpu.memory_space<semaphore_mem>>)
        %dma_wait3A_101 = arith.constant 0 : i32
        %dma_wait3A_102 = tpu.memref_slice %arg4[%arg0, %arg1, %mul3A_37, %dma_wait3A_101] : memref<2x16x160x128xi32, #tpu.memory_space<hbm>> -> memref<1x1x40x128xi32, #tpu.memory_space<hbm>>
        %dma_wait3A_103 = tpu.memref_squeeze %dma_wait3A_102 : memref<1x1x40x128xi32, #tpu.memory_space<hbm>> -> memref<40x128xi32, #tpu.memory_space<hbm>>
        %dma_wait3A_104 = arith.constant 0 : i32
        %dma_wait3A_105 = tpu.memref_slice %arg4[%arg0, %arg1, %mul3A_37, %dma_wait3A_104] : memref<2x16x160x128xi32, #tpu.memory_space<hbm>> -> memref<1x1x40x128xi32, #tpu.memory_space<hbm>>
        %dma_wait3A_106 = tpu.memref_squeeze %dma_wait3A_105 : memref<1x1x40x128xi32, #tpu.memory_space<hbm>> -> memref<40x128xi32, #tpu.memory_space<hbm>>
        tpu.wait_dma2 semaphore(%run_scoped3A_94 : memref<!tpu.dma_semaphore, #tpu.memory_space<semaphore_mem>>) src(%dma_wait3A_106 : memref<40x128xi32, #tpu.memory_space<hbm>>) dst(%arg8 : memref<40x128xi32, #tpu.memory_space<vmem>>)
        tpu.yield
      }) : () -> ()
      %dma_start3A = arith.constant 0 : i32
      %dma_start3A_38 = arith.constant 0 : i32
      %dma_start3A_39 = tpu.memref_slice %arg7[%dma_start3A, %dma_start3A_38] : memref<40x128xi32, #tpu.memory_space<vmem>> -> memref<1x128xi32, #tpu.memory_space<vmem>>
      %dma_start3A_40 = tpu.memref_squeeze %dma_start3A_39 : memref<1x128xi32, #tpu.memory_space<vmem>> -> memref<128xi32, #tpu.memory_space<vmem>>
      %dma_start3A_41 = arith.constant 0 : i32
      %dma_start3A_42 = arith.constant 0 : i32
      %dma_start3A_43 = tpu.memref_slice %arg14[%dma_start3A_41, %dma_start3A_42] : memref<10240x64xf32, #tpu.memory_space<vmem_shared>> -> memref<10240x64xf32, #tpu.memory_space<vmem_shared>>
      tpu.enqueue_indirect_dma source(%dma_start3A_43 : memref<10240x64xf32, #tpu.memory_space<vmem_shared>>) target(%arg9 : memref<128x64xf32, #tpu.memory_space<vmem>>) offsets(%dma_start3A_40 : memref<128xi32, #tpu.memory_space<vmem>>) semaphore(%arg15 : memref<!tpu.dma_semaphore, #tpu.memory_space<semaphore_mem>>)
      %dma_start3A_44 = arith.constant 1 : i32
      %dma_start3A_45 = arith.constant 0 : i32
      %dma_start3A_46 = tpu.memref_slice %arg7[%dma_start3A_44, %dma_start3A_45] : memref<40x128xi32, #tpu.memory_space<vmem>> -> memref<1x128xi32, #tpu.memory_space<vmem>>
      %dma_start3A_47 = tpu.memref_squeeze %dma_start3A_46 : memref<1x128xi32, #tpu.memory_space<vmem>> -> memref<128xi32, #tpu.memory_space<vmem>>
      %dma_start3A_48 = arith.constant 0 : i32
      %dma_start3A_49 = arith.constant 0 : i32
      %dma_start3A_50 = tpu.memref_slice %arg14[%dma_start3A_48, %dma_start3A_49] : memref<10240x64xf32, #tpu.memory_space<vmem_shared>> -> memref<10240x64xf32, #tpu.memory_space<vmem_shared>>
      tpu.enqueue_indirect_dma source(%dma_start3A_50 : memref<10240x64xf32, #tpu.memory_space<vmem_shared>>) target(%arg10 : memref<128x64xf32, #tpu.memory_space<vmem>>) offsets(%dma_start3A_47 : memref<128xi32, #tpu.memory_space<vmem>>) semaphore(%arg16 : memref<!tpu.dma_semaphore, #tpu.memory_space<semaphore_mem>>)
      %dma_start3A_51 = arith.constant 2 : i32
      %dma_start3A_52 = arith.constant 0 : i32
      %dma_start3A_53 = tpu.memref_slice %arg7[%dma_start3A_51, %dma_start3A_52] : memref<40x128xi32, #tpu.memory_space<vmem>> -> memref<1x128xi32, #tpu.memory_space<vmem>>
      %dma_start3A_54 = tpu.memref_squeeze %dma_start3A_53 : memref<1x128xi32, #tpu.memory_space<vmem>> -> memref<128xi32, #tpu.memory_space<vmem>>
      %dma_start3A_55 = arith.constant 0 : i32
      %dma_start3A_56 = arith.constant 0 : i32
      %dma_start3A_57 = tpu.memref_slice %arg14[%dma_start3A_55, %dma_start3A_56] : memref<10240x64xf32, #tpu.memory_space<vmem_shared>> -> memref<10240x64xf32, #tpu.memory_space<vmem_shared>>
      tpu.enqueue_indirect_dma source(%dma_start3A_57 : memref<10240x64xf32, #tpu.memory_space<vmem_shared>>) target(%arg11 : memref<128x64xf32, #tpu.memory_space<vmem>>) offsets(%dma_start3A_54 : memref<128xi32, #tpu.memory_space<vmem>>) semaphore(%arg17 : memref<!tpu.dma_semaphore, #tpu.memory_space<semaphore_mem>>)
      %dma_start3A_58 = arith.constant 3 : i32
      %dma_start3A_59 = arith.constant 0 : i32
      %dma_start3A_60 = tpu.memref_slice %arg7[%dma_start3A_58, %dma_start3A_59] : memref<40x128xi32, #tpu.memory_space<vmem>> -> memref<1x128xi32, #tpu.memory_space<vmem>>
      %dma_start3A_61 = tpu.memref_squeeze %dma_start3A_60 : memref<1x128xi32, #tpu.memory_space<vmem>> -> memref<128xi32, #tpu.memory_space<vmem>>
      %dma_start3A_62 = arith.constant 0 : i32
      %dma_start3A_63 = arith.constant 0 : i32
      %dma_start3A_64 = tpu.memref_slice %arg14[%dma_start3A_62, %dma_start3A_63] : memref<10240x64xf32, #tpu.memory_space<vmem_shared>> -> memref<10240x64xf32, #tpu.memory_space<vmem_shared>>
      tpu.enqueue_indirect_dma source(%dma_start3A_64 : memref<10240x64xf32, #tpu.memory_space<vmem_shared>>) target(%arg12 : memref<128x64xf32, #tpu.memory_space<vmem>>) offsets(%dma_start3A_61 : memref<128xi32, #tpu.memory_space<vmem>>) semaphore(%arg18 : memref<!tpu.dma_semaphore, #tpu.memory_space<semaphore_mem>>)
      %scan3A_65 = arith.constant 0 : i32
      %scan3A_66 = arith.constant 0 : i32
      %scan3A_67 = arith.constant 10 : i32
      %scan3A_68 = arith.addi %scan3A_66, %scan3A_67 : i32
      %scan3A_69 = arith.constant 1 : i32
      scf.for %scan3A_94 = %scan3A_66 to %scan3A_68 step %scan3A_69  : i32 {
        %mul3A_95 = arith.constant 4 : i32
        %mul3A_96 = arith.muli %mul3A_95, %scan3A_94 : i32
        %dma_wait3A_97 = arith.constant 0 : i32
        %dma_wait3A_98 = arith.constant 0 : i32
        %dma_wait3A_99 = tpu.memref_slice %arg14[%dma_wait3A_97, %dma_wait3A_98] : memref<10240x64xf32, #tpu.memory_space<vmem_shared>> -> memref<128x64xf32, #tpu.memory_space<vmem_shared>>
        %dma_wait3A_100 = arith.constant 0 : i32
        %dma_wait3A_101 = arith.constant 0 : i32
        %dma_wait3A_102 = tpu.memref_slice %arg14[%dma_wait3A_100, %dma_wait3A_101] : memref<10240x64xf32, #tpu.memory_space<vmem_shared>> -> memref<128x64xf32, #tpu.memory_space<vmem_shared>>
        tpu.wait_dma2 semaphore(%arg15 : memref<!tpu.dma_semaphore, #tpu.memory_space<semaphore_mem>>) src(%dma_wait3A_102 : memref<128x64xf32, #tpu.memory_space<vmem_shared>>) dst(%arg9 : memref<128x64xf32, #tpu.memory_space<vmem>>)
        %add3A = arith.constant 0 : i32
        %add3A_103 = arith.addi %mul3A_96, %add3A : i32
        "tpu.region"() ({
          %run_scoped3A_175 = tpu.sem_alloc : memref<!tpu.dma_semaphore, #tpu.memory_space<semaphore_mem>>
          %dma_start3A_176 = arith.constant 0 : i32
          %dma_start3A_177 = tpu.memref_slice %arg8[%add3A_103, %dma_start3A_176] : memref<40x128xi32, #tpu.memory_space<vmem>> -> memref<1x128xi32, #tpu.memory_space<vmem>>
          %dma_start3A_178 = tpu.memref_squeeze %dma_start3A_177 : memref<1x128xi32, #tpu.memory_space<vmem>> -> memref<128xi32, #tpu.memory_space<vmem>>
          %dma_start3A_179 = arith.constant 0 : i32
          %dma_start3A_180 = arith.constant 0 : i32
          %dma_start3A_181 = tpu.memref_slice %arg13[%dma_start3A_179, %dma_start3A_180] : memref<10240x64xf32, #tpu.memory_space<vmem_shared>> -> memref<10240x64xf32, #tpu.memory_space<vmem_shared>>
          tpu.enqueue_indirect_dma source(%arg9 : memref<128x64xf32, #tpu.memory_space<vmem>>) target(%dma_start3A_181 : memref<10240x64xf32, #tpu.memory_space<vmem_shared>>) offsets(%dma_start3A_178 : memref<128xi32, #tpu.memory_space<vmem>>) semaphore(%run_scoped3A_175 : memref<!tpu.dma_semaphore, #tpu.memory_space<semaphore_mem>>) {add = true}
          %dma_wait3A_182 = arith.constant 0 : i32
          %dma_wait3A_183 = tpu.memref_slice %arg8[%add3A_103, %dma_wait3A_182] : memref<40x128xi32, #tpu.memory_space<vmem>> -> memref<1x128xi32, #tpu.memory_space<vmem>>
          %dma_wait3A_184 = tpu.memref_squeeze %dma_wait3A_183 : memref<1x128xi32, #tpu.memory_space<vmem>> -> memref<128xi32, #tpu.memory_space<vmem>>
          %dma_wait3A_185 = arith.constant 0 : i32
          %dma_wait3A_186 = arith.constant 0 : i32
          %dma_wait3A_187 = tpu.memref_slice %arg13[%dma_wait3A_185, %dma_wait3A_186] : memref<10240x64xf32, #tpu.memory_space<vmem_shared>> -> memref<10240x64xf32, #tpu.memory_space<vmem_shared>>
          tpu.wait_indirect_dma semaphore(%run_scoped3A_175 : memref<!tpu.dma_semaphore, #tpu.memory_space<semaphore_mem>>) src(%arg9 : memref<128x64xf32, #tpu.memory_space<vmem>>) dst(%dma_wait3A_187 : memref<10240x64xf32, #tpu.memory_space<vmem_shared>>)
          tpu.yield
        }) : () -> ()
        %add3A_104 = arith.constant 0 : i32
        %add3A_105 = arith.addi %mul3A_96, %add3A_104 : i32
        %add3A_106 = arith.constant 4 : i32
        %add3A_107 = arith.addi %add3A_105, %add3A_106 : i32
        %min3A = arith.constant 39 : i32
        %min3A_108 = arith.minsi %add3A_107, %min3A : i32
        %dma_start3A_109 = arith.constant 0 : i32
        %dma_start3A_110 = tpu.memref_slice %arg7[%min3A_108, %dma_start3A_109] : memref<40x128xi32, #tpu.memory_space<vmem>> -> memref<1x128xi32, #tpu.memory_space<vmem>>
        %dma_start3A_111 = tpu.memref_squeeze %dma_start3A_110 : memref<1x128xi32, #tpu.memory_space<vmem>> -> memref<128xi32, #tpu.memory_space<vmem>>
        %dma_start3A_112 = arith.constant 0 : i32
        %dma_start3A_113 = arith.constant 0 : i32
        %dma_start3A_114 = tpu.memref_slice %arg14[%dma_start3A_112, %dma_start3A_113] : memref<10240x64xf32, #tpu.memory_space<vmem_shared>> -> memref<10240x64xf32, #tpu.memory_space<vmem_shared>>
        tpu.enqueue_indirect_dma source(%dma_start3A_114 : memref<10240x64xf32, #tpu.memory_space<vmem_shared>>) target(%arg9 : memref<128x64xf32, #tpu.memory_space<vmem>>) offsets(%dma_start3A_111 : memref<128xi32, #tpu.memory_space<vmem>>) semaphore(%arg15 : memref<!tpu.dma_semaphore, #tpu.memory_space<semaphore_mem>>)
        %dma_wait3A_115 = arith.constant 0 : i32
        %dma_wait3A_116 = arith.constant 0 : i32
        %dma_wait3A_117 = tpu.memref_slice %arg14[%dma_wait3A_115, %dma_wait3A_116] : memref<10240x64xf32, #tpu.memory_space<vmem_shared>> -> memref<128x64xf32, #tpu.memory_space<vmem_shared>>
        %dma_wait3A_118 = arith.constant 0 : i32
        %dma_wait3A_119 = arith.constant 0 : i32
        %dma_wait3A_120 = tpu.memref_slice %arg14[%dma_wait3A_118, %dma_wait3A_119] : memref<10240x64xf32, #tpu.memory_space<vmem_shared>> -> memref<128x64xf32, #tpu.memory_space<vmem_shared>>
        tpu.wait_dma2 semaphore(%arg16 : memref<!tpu.dma_semaphore, #tpu.memory_space<semaphore_mem>>) src(%dma_wait3A_120 : memref<128x64xf32, #tpu.memory_space<vmem_shared>>) dst(%arg10 : memref<128x64xf32, #tpu.memory_space<vmem>>)
        %add3A_121 = arith.constant 1 : i32
        %add3A_122 = arith.addi %mul3A_96, %add3A_121 : i32
        "tpu.region"() ({
          %run_scoped3A_175 = tpu.sem_alloc : memref<!tpu.dma_semaphore, #tpu.memory_space<semaphore_mem>>
          %dma_start3A_176 = arith.constant 0 : i32
          %dma_start3A_177 = tpu.memref_slice %arg8[%add3A_122, %dma_start3A_176] : memref<40x128xi32, #tpu.memory_space<vmem>> -> memref<1x128xi32, #tpu.memory_space<vmem>>
          %dma_start3A_178 = tpu.memref_squeeze %dma_start3A_177 : memref<1x128xi32, #tpu.memory_space<vmem>> -> memref<128xi32, #tpu.memory_space<vmem>>
          %dma_start3A_179 = arith.constant 0 : i32
          %dma_start3A_180 = arith.constant 0 : i32
          %dma_start3A_181 = tpu.memref_slice %arg13[%dma_start3A_179, %dma_start3A_180] : memref<10240x64xf32, #tpu.memory_space<vmem_shared>> -> memref<10240x64xf32, #tpu.memory_space<vmem_shared>>
          tpu.enqueue_indirect_dma source(%arg10 : memref<128x64xf32, #tpu.memory_space<vmem>>) target(%dma_start3A_181 : memref<10240x64xf32, #tpu.memory_space<vmem_shared>>) offsets(%dma_start3A_178 : memref<128xi32, #tpu.memory_space<vmem>>) semaphore(%run_scoped3A_175 : memref<!tpu.dma_semaphore, #tpu.memory_space<semaphore_mem>>) {add = true}
          %dma_wait3A_182 = arith.constant 0 : i32
          %dma_wait3A_183 = tpu.memref_slice %arg8[%add3A_122, %dma_wait3A_182] : memref<40x128xi32, #tpu.memory_space<vmem>> -> memref<1x128xi32, #tpu.memory_space<vmem>>
          %dma_wait3A_184 = tpu.memref_squeeze %dma_wait3A_183 : memref<1x128xi32, #tpu.memory_space<vmem>> -> memref<128xi32, #tpu.memory_space<vmem>>
          %dma_wait3A_185 = arith.constant 0 : i32
          %dma_wait3A_186 = arith.constant 0 : i32
          %dma_wait3A_187 = tpu.memref_slice %arg13[%dma_wait3A_185, %dma_wait3A_186] : memref<10240x64xf32, #tpu.memory_space<vmem_shared>> -> memref<10240x64xf32, #tpu.memory_space<vmem_shared>>
          tpu.wait_indirect_dma semaphore(%run_scoped3A_175 : memref<!tpu.dma_semaphore, #tpu.memory_space<semaphore_mem>>) src(%arg10 : memref<128x64xf32, #tpu.memory_space<vmem>>) dst(%dma_wait3A_187 : memref<10240x64xf32, #tpu.memory_space<vmem_shared>>)
          tpu.yield
        }) : () -> ()
        %add3A_123 = arith.constant 1 : i32
        %add3A_124 = arith.addi %mul3A_96, %add3A_123 : i32
        %add3A_125 = arith.constant 4 : i32
        %add3A_126 = arith.addi %add3A_124, %add3A_125 : i32
        %min3A_127 = arith.constant 39 : i32
        %min3A_128 = arith.minsi %add3A_126, %min3A_127 : i32
        %dma_start3A_129 = arith.constant 0 : i32
        %dma_start3A_130 = tpu.memref_slice %arg7[%min3A_128, %dma_start3A_129] : memref<40x128xi32, #tpu.memory_space<vmem>> -> memref<1x128xi32, #tpu.memory_space<vmem>>
        %dma_start3A_131 = tpu.memref_squeeze %dma_start3A_130 : memref<1x128xi32, #tpu.memory_space<vmem>> -> memref<128xi32, #tpu.memory_space<vmem>>
        %dma_start3A_132 = arith.constant 0 : i32
        %dma_start3A_133 = arith.constant 0 : i32
        %dma_start3A_134 = tpu.memref_slice %arg14[%dma_start3A_132, %dma_start3A_133] : memref<10240x64xf32, #tpu.memory_space<vmem_shared>> -> memref<10240x64xf32, #tpu.memory_space<vmem_shared>>
        tpu.enqueue_indirect_dma source(%dma_start3A_134 : memref<10240x64xf32, #tpu.memory_space<vmem_shared>>) target(%arg10 : memref<128x64xf32, #tpu.memory_space<vmem>>) offsets(%dma_start3A_131 : memref<128xi32, #tpu.memory_space<vmem>>) semaphore(%arg16 : memref<!tpu.dma_semaphore, #tpu.memory_space<semaphore_mem>>)
        %dma_wait3A_135 = arith.constant 0 : i32
        %dma_wait3A_136 = arith.constant 0 : i32
        %dma_wait3A_137 = tpu.memref_slice %arg14[%dma_wait3A_135, %dma_wait3A_136] : memref<10240x64xf32, #tpu.memory_space<vmem_shared>> -> memref<128x64xf32, #tpu.memory_space<vmem_shared>>
        %dma_wait3A_138 = arith.constant 0 : i32
        %dma_wait3A_139 = arith.constant 0 : i32
        %dma_wait3A_140 = tpu.memref_slice %arg14[%dma_wait3A_138, %dma_wait3A_139] : memref<10240x64xf32, #tpu.memory_space<vmem_shared>> -> memref<128x64xf32, #tpu.memory_space<vmem_shared>>
        tpu.wait_dma2 semaphore(%arg17 : memref<!tpu.dma_semaphore, #tpu.memory_space<semaphore_mem>>) src(%dma_wait3A_140 : memref<128x64xf32, #tpu.memory_space<vmem_shared>>) dst(%arg11 : memref<128x64xf32, #tpu.memory_space<vmem>>)
        %add3A_141 = arith.constant 2 : i32
        %add3A_142 = arith.addi %mul3A_96, %add3A_141 : i32
        "tpu.region"() ({
          %run_scoped3A_175 = tpu.sem_alloc : memref<!tpu.dma_semaphore, #tpu.memory_space<semaphore_mem>>
          %dma_start3A_176 = arith.constant 0 : i32
          %dma_start3A_177 = tpu.memref_slice %arg8[%add3A_142, %dma_start3A_176] : memref<40x128xi32, #tpu.memory_space<vmem>> -> memref<1x128xi32, #tpu.memory_space<vmem>>
          %dma_start3A_178 = tpu.memref_squeeze %dma_start3A_177 : memref<1x128xi32, #tpu.memory_space<vmem>> -> memref<128xi32, #tpu.memory_space<vmem>>
          %dma_start3A_179 = arith.constant 0 : i32
          %dma_start3A_180 = arith.constant 0 : i32
          %dma_start3A_181 = tpu.memref_slice %arg13[%dma_start3A_179, %dma_start3A_180] : memref<10240x64xf32, #tpu.memory_space<vmem_shared>> -> memref<10240x64xf32, #tpu.memory_space<vmem_shared>>
          tpu.enqueue_indirect_dma source(%arg11 : memref<128x64xf32, #tpu.memory_space<vmem>>) target(%dma_start3A_181 : memref<10240x64xf32, #tpu.memory_space<vmem_shared>>) offsets(%dma_start3A_178 : memref<128xi32, #tpu.memory_space<vmem>>) semaphore(%run_scoped3A_175 : memref<!tpu.dma_semaphore, #tpu.memory_space<semaphore_mem>>) {add = true}
          %dma_wait3A_182 = arith.constant 0 : i32
          %dma_wait3A_183 = tpu.memref_slice %arg8[%add3A_142, %dma_wait3A_182] : memref<40x128xi32, #tpu.memory_space<vmem>> -> memref<1x128xi32, #tpu.memory_space<vmem>>
          %dma_wait3A_184 = tpu.memref_squeeze %dma_wait3A_183 : memref<1x128xi32, #tpu.memory_space<vmem>> -> memref<128xi32, #tpu.memory_space<vmem>>
          %dma_wait3A_185 = arith.constant 0 : i32
          %dma_wait3A_186 = arith.constant 0 : i32
          %dma_wait3A_187 = tpu.memref_slice %arg13[%dma_wait3A_185, %dma_wait3A_186] : memref<10240x64xf32, #tpu.memory_space<vmem_shared>> -> memref<10240x64xf32, #tpu.memory_space<vmem_shared>>
          tpu.wait_indirect_dma semaphore(%run_scoped3A_175 : memref<!tpu.dma_semaphore, #tpu.memory_space<semaphore_mem>>) src(%arg11 : memref<128x64xf32, #tpu.memory_space<vmem>>) dst(%dma_wait3A_187 : memref<10240x64xf32, #tpu.memory_space<vmem_shared>>)
          tpu.yield
        }) : () -> ()
        %add3A_143 = arith.constant 2 : i32
        %add3A_144 = arith.addi %mul3A_96, %add3A_143 : i32
        %add3A_145 = arith.constant 4 : i32
        %add3A_146 = arith.addi %add3A_144, %add3A_145 : i32
        %min3A_147 = arith.constant 39 : i32
        %min3A_148 = arith.minsi %add3A_146, %min3A_147 : i32
        %dma_start3A_149 = arith.constant 0 : i32
        %dma_start3A_150 = tpu.memref_slice %arg7[%min3A_148, %dma_start3A_149] : memref<40x128xi32, #tpu.memory_space<vmem>> -> memref<1x128xi32, #tpu.memory_space<vmem>>
        %dma_start3A_151 = tpu.memref_squeeze %dma_start3A_150 : memref<1x128xi32, #tpu.memory_space<vmem>> -> memref<128xi32, #tpu.memory_space<vmem>>
        %dma_start3A_152 = arith.constant 0 : i32
        %dma_start3A_153 = arith.constant 0 : i32
        %dma_start3A_154 = tpu.memref_slice %arg14[%dma_start3A_152, %dma_start3A_153] : memref<10240x64xf32, #tpu.memory_space<vmem_shared>> -> memref<10240x64xf32, #tpu.memory_space<vmem_shared>>
        tpu.enqueue_indirect_dma source(%dma_start3A_154 : memref<10240x64xf32, #tpu.memory_space<vmem_shared>>) target(%arg11 : memref<128x64xf32, #tpu.memory_space<vmem>>) offsets(%dma_start3A_151 : memref<128xi32, #tpu.memory_space<vmem>>) semaphore(%arg17 : memref<!tpu.dma_semaphore, #tpu.memory_space<semaphore_mem>>)
        %dma_wait3A_155 = arith.constant 0 : i32
        %dma_wait3A_156 = arith.constant 0 : i32
        %dma_wait3A_157 = tpu.memref_slice %arg14[%dma_wait3A_155, %dma_wait3A_156] : memref<10240x64xf32, #tpu.memory_space<vmem_shared>> -> memref<128x64xf32, #tpu.memory_space<vmem_shared>>
        %dma_wait3A_158 = arith.constant 0 : i32
        %dma_wait3A_159 = arith.constant 0 : i32
        %dma_wait3A_160 = tpu.memref_slice %arg14[%dma_wait3A_158, %dma_wait3A_159] : memref<10240x64xf32, #tpu.memory_space<vmem_shared>> -> memref<128x64xf32, #tpu.memory_space<vmem_shared>>
        tpu.wait_dma2 semaphore(%arg18 : memref<!tpu.dma_semaphore, #tpu.memory_space<semaphore_mem>>) src(%dma_wait3A_160 : memref<128x64xf32, #tpu.memory_space<vmem_shared>>) dst(%arg12 : memref<128x64xf32, #tpu.memory_space<vmem>>)
        %add3A_161 = arith.constant 3 : i32
        %add3A_162 = arith.addi %mul3A_96, %add3A_161 : i32
        "tpu.region"() ({
          %run_scoped3A_175 = tpu.sem_alloc : memref<!tpu.dma_semaphore, #tpu.memory_space<semaphore_mem>>
          %dma_start3A_176 = arith.constant 0 : i32
          %dma_start3A_177 = tpu.memref_slice %arg8[%add3A_162, %dma_start3A_176] : memref<40x128xi32, #tpu.memory_space<vmem>> -> memref<1x128xi32, #tpu.memory_space<vmem>>
          %dma_start3A_178 = tpu.memref_squeeze %dma_start3A_177 : memref<1x128xi32, #tpu.memory_space<vmem>> -> memref<128xi32, #tpu.memory_space<vmem>>
          %dma_start3A_179 = arith.constant 0 : i32
          %dma_start3A_180 = arith.constant 0 : i32
          %dma_start3A_181 = tpu.memref_slice %arg13[%dma_start3A_179, %dma_start3A_180] : memref<10240x64xf32, #tpu.memory_space<vmem_shared>> -> memref<10240x64xf32, #tpu.memory_space<vmem_shared>>
          tpu.enqueue_indirect_dma source(%arg12 : memref<128x64xf32, #tpu.memory_space<vmem>>) target(%dma_start3A_181 : memref<10240x64xf32, #tpu.memory_space<vmem_shared>>) offsets(%dma_start3A_178 : memref<128xi32, #tpu.memory_space<vmem>>) semaphore(%run_scoped3A_175 : memref<!tpu.dma_semaphore, #tpu.memory_space<semaphore_mem>>) {add = true}
          %dma_wait3A_182 = arith.constant 0 : i32
          %dma_wait3A_183 = tpu.memref_slice %arg8[%add3A_162, %dma_wait3A_182] : memref<40x128xi32, #tpu.memory_space<vmem>> -> memref<1x128xi32, #tpu.memory_space<vmem>>
          %dma_wait3A_184 = tpu.memref_squeeze %dma_wait3A_183 : memref<1x128xi32, #tpu.memory_space<vmem>> -> memref<128xi32, #tpu.memory_space<vmem>>
          %dma_wait3A_185 = arith.constant 0 : i32
          %dma_wait3A_186 = arith.constant 0 : i32
          %dma_wait3A_187 = tpu.memref_slice %arg13[%dma_wait3A_185, %dma_wait3A_186] : memref<10240x64xf32, #tpu.memory_space<vmem_shared>> -> memref<10240x64xf32, #tpu.memory_space<vmem_shared>>
          tpu.wait_indirect_dma semaphore(%run_scoped3A_175 : memref<!tpu.dma_semaphore, #tpu.memory_space<semaphore_mem>>) src(%arg12 : memref<128x64xf32, #tpu.memory_space<vmem>>) dst(%dma_wait3A_187 : memref<10240x64xf32, #tpu.memory_space<vmem_shared>>)
          tpu.yield
        }) : () -> ()
        %add3A_163 = arith.constant 3 : i32
        %add3A_164 = arith.addi %mul3A_96, %add3A_163 : i32
        %add3A_165 = arith.constant 4 : i32
        %add3A_166 = arith.addi %add3A_164, %add3A_165 : i32
        %min3A_167 = arith.constant 39 : i32
        %min3A_168 = arith.minsi %add3A_166, %min3A_167 : i32
        %dma_start3A_169 = arith.constant 0 : i32
        %dma_start3A_170 = tpu.memref_slice %arg7[%min3A_168, %dma_start3A_169] : memref<40x128xi32, #tpu.memory_space<vmem>> -> memref<1x128xi32, #tpu.memory_space<vmem>>
        %dma_start3A_171 = tpu.memref_squeeze %dma_start3A_170 : memref<1x128xi32, #tpu.memory_space<vmem>> -> memref<128xi32, #tpu.memory_space<vmem>>
        %dma_start3A_172 = arith.constant 0 : i32
        %dma_start3A_173 = arith.constant 0 : i32
        %dma_start3A_174 = tpu.memref_slice %arg14[%dma_start3A_172, %dma_start3A_173] : memref<10240x64xf32, #tpu.memory_space<vmem_shared>> -> memref<10240x64xf32, #tpu.memory_space<vmem_shared>>
        tpu.enqueue_indirect_dma source(%dma_start3A_174 : memref<10240x64xf32, #tpu.memory_space<vmem_shared>>) target(%arg12 : memref<128x64xf32, #tpu.memory_space<vmem>>) offsets(%dma_start3A_171 : memref<128xi32, #tpu.memory_space<vmem>>) semaphore(%arg18 : memref<!tpu.dma_semaphore, #tpu.memory_space<semaphore_mem>>)
      }
      %scan3A_70 = arith.constant 10 : i32
      %dma_wait3A = arith.constant 0 : i32
      %dma_wait3A_71 = arith.constant 0 : i32
      %dma_wait3A_72 = tpu.memref_slice %arg14[%dma_wait3A, %dma_wait3A_71] : memref<10240x64xf32, #tpu.memory_space<vmem_shared>> -> memref<128x64xf32, #tpu.memory_space<vmem_shared>>
      %dma_wait3A_73 = arith.constant 0 : i32
      %dma_wait3A_74 = arith.constant 0 : i32
      %dma_wait3A_75 = tpu.memref_slice %arg14[%dma_wait3A_73, %dma_wait3A_74] : memref<10240x64xf32, #tpu.memory_space<vmem_shared>> -> memref<128x64xf32, #tpu.memory_space<vmem_shared>>
      tpu.wait_dma2 semaphore(%arg15 : memref<!tpu.dma_semaphore, #tpu.memory_space<semaphore_mem>>) src(%dma_wait3A_75 : memref<128x64xf32, #tpu.memory_space<vmem_shared>>) dst(%arg9 : memref<128x64xf32, #tpu.memory_space<vmem>>)
      %dma_wait3A_76 = arith.constant 0 : i32
      %dma_wait3A_77 = arith.constant 0 : i32
      %dma_wait3A_78 = tpu.memref_slice %arg14[%dma_wait3A_76, %dma_wait3A_77] : memref<10240x64xf32, #tpu.memory_space<vmem_shared>> -> memref<128x64xf32, #tpu.memory_space<vmem_shared>>
      %dma_wait3A_79 = arith.constant 0 : i32
      %dma_wait3A_80 = arith.constant 0 : i32
      %dma_wait3A_81 = tpu.memref_slice %arg14[%dma_wait3A_79, %dma_wait3A_80] : memref<10240x64xf32, #tpu.memory_space<vmem_shared>> -> memref<128x64xf32, #tpu.memory_space<vmem_shared>>
      tpu.wait_dma2 semaphore(%arg16 : memref<!tpu.dma_semaphore, #tpu.memory_space<semaphore_mem>>) src(%dma_wait3A_81 : memref<128x64xf32, #tpu.memory_space<vmem_shared>>) dst(%arg10 : memref<128x64xf32, #tpu.memory_space<vmem>>)
      %dma_wait3A_82 = arith.constant 0 : i32
      %dma_wait3A_83 = arith.constant 0 : i32
      %dma_wait3A_84 = tpu.memref_slice %arg14[%dma_wait3A_82, %dma_wait3A_83] : memref<10240x64xf32, #tpu.memory_space<vmem_shared>> -> memref<128x64xf32, #tpu.memory_space<vmem_shared>>
      %dma_wait3A_85 = arith.constant 0 : i32
      %dma_wait3A_86 = arith.constant 0 : i32
      %dma_wait3A_87 = tpu.memref_slice %arg14[%dma_wait3A_85, %dma_wait3A_86] : memref<10240x64xf32, #tpu.memory_space<vmem_shared>> -> memref<128x64xf32, #tpu.memory_space<vmem_shared>>
      tpu.wait_dma2 semaphore(%arg17 : memref<!tpu.dma_semaphore, #tpu.memory_space<semaphore_mem>>) src(%dma_wait3A_87 : memref<128x64xf32, #tpu.memory_space<vmem_shared>>) dst(%arg11 : memref<128x64xf32, #tpu.memory_space<vmem>>)
      %dma_wait3A_88 = arith.constant 0 : i32
      %dma_wait3A_89 = arith.constant 0 : i32
      %dma_wait3A_90 = tpu.memref_slice %arg14[%dma_wait3A_88, %dma_wait3A_89] : memref<10240x64xf32, #tpu.memory_space<vmem_shared>> -> memref<128x64xf32, #tpu.memory_space<vmem_shared>>
      %dma_wait3A_91 = arith.constant 0 : i32
      %dma_wait3A_92 = arith.constant 0 : i32
      %dma_wait3A_93 = tpu.memref_slice %arg14[%dma_wait3A_91, %dma_wait3A_92] : memref<10240x64xf32, #tpu.memory_space<vmem_shared>> -> memref<128x64xf32, #tpu.memory_space<vmem_shared>>
      tpu.wait_dma2 semaphore(%arg18 : memref<!tpu.dma_semaphore, #tpu.memory_space<semaphore_mem>>) src(%dma_wait3A_93 : memref<128x64xf32, #tpu.memory_space<vmem_shared>>) dst(%arg12 : memref<128x64xf32, #tpu.memory_space<vmem>>)
    }
    %scan3A_21 = arith.constant 4 : i32
    %barrier3A_22 = arith.constant 0 : index
    tpu.barrier barrier_id(%barrier3A_22)
    %eq3A_23 = arith.constant 0 : i32
    %eq3A_24 = arith.cmpi eq, %arg0, %eq3A_23 : i32
    %convert_element_type3A_25 = arith.extui %eq3A_24 : i1 to i32
    %cond3A_26 = arith.constant 0 : i32
    %cond3A_27 = arith.cmpi ne, %convert_element_type3A_25, %cond3A_26 : i32
    scf.if %cond3A_27 {
      %run_scoped3A_33 = arith.constant 1 : i32
      %run_scoped3A_34 = arith.constant 0 : i32
      "tpu.region"() ({
        %run_scoped3A_35 = tpu.sem_alloc : memref<!tpu.dma_semaphore, #tpu.memory_space<semaphore_mem>>
        %dma_start3A = arith.constant 0 : i32
        %dma_start3A_36 = tpu.memref_slice %arg6[%run_scoped3A_33, %run_scoped3A_34, %mul3A_0, %dma_start3A] : memref<2x2x10240x64xf32, #tpu.memory_space<hbm>> -> memref<1x1x640x64xf32, #tpu.memory_space<hbm>>
        %dma_start3A_37 = tpu.memref_squeeze %dma_start3A_36 : memref<1x1x640x64xf32, #tpu.memory_space<hbm>> -> memref<640x64xf32, #tpu.memory_space<hbm>>
        %dma_start3A_38 = arith.constant 0 : i32
        %dma_start3A_39 = tpu.memref_slice %arg13[%mul3A_0, %dma_start3A_38] : memref<10240x64xf32, #tpu.memory_space<vmem_shared>> -> memref<640x64xf32, #tpu.memory_space<vmem_shared>>
        tpu.enqueue_dma source(%dma_start3A_39 : memref<640x64xf32, #tpu.memory_space<vmem_shared>>) target(%dma_start3A_37 : memref<640x64xf32, #tpu.memory_space<hbm>>) target_semaphore(%run_scoped3A_35 : memref<!tpu.dma_semaphore, #tpu.memory_space<semaphore_mem>>)
        %dma_wait3A = arith.constant 0 : i32
        %dma_wait3A_40 = tpu.memref_slice %arg6[%run_scoped3A_33, %run_scoped3A_34, %mul3A_0, %dma_wait3A] : memref<2x2x10240x64xf32, #tpu.memory_space<hbm>> -> memref<1x1x640x64xf32, #tpu.memory_space<hbm>>
        %dma_wait3A_41 = tpu.memref_squeeze %dma_wait3A_40 : memref<1x1x640x64xf32, #tpu.memory_space<hbm>> -> memref<640x64xf32, #tpu.memory_space<hbm>>
        %dma_wait3A_42 = arith.constant 0 : i32
        %dma_wait3A_43 = tpu.memref_slice %arg13[%mul3A_0, %dma_wait3A_42] : memref<10240x64xf32, #tpu.memory_space<vmem_shared>> -> memref<640x64xf32, #tpu.memory_space<vmem_shared>>
        tpu.wait_dma2 semaphore(%run_scoped3A_35 : memref<!tpu.dma_semaphore, #tpu.memory_space<semaphore_mem>>) src(%dma_wait3A_43 : memref<640x64xf32, #tpu.memory_space<vmem_shared>>) dst(%dma_wait3A_41 : memref<640x64xf32, #tpu.memory_space<hbm>>)
        tpu.yield
      }) : () -> ()
    } else {
    }
    %eq3A_28 = arith.constant 1 : i32
    %eq3A_29 = arith.cmpi eq, %arg0, %eq3A_28 : i32
    %convert_element_type3A_30 = arith.extui %eq3A_29 : i1 to i32
    %cond3A_31 = arith.constant 0 : i32
    %cond3A_32 = arith.cmpi ne, %convert_element_type3A_30, %cond3A_31 : i32
    scf.if %cond3A_32 {
      %run_scoped3A_33 = arith.constant 1 : i32
      %run_scoped3A_34 = arith.constant 1 : i32
      "tpu.region"() ({
        %run_scoped3A_35 = tpu.sem_alloc : memref<!tpu.dma_semaphore, #tpu.memory_space<semaphore_mem>>
        %dma_start3A = arith.constant 0 : i32
        %dma_start3A_36 = tpu.memref_slice %arg6[%run_scoped3A_33, %run_scoped3A_34, %mul3A_0, %dma_start3A] : memref<2x2x10240x64xf32, #tpu.memory_space<hbm>> -> memref<1x1x640x64xf32, #tpu.memory_space<hbm>>
        %dma_start3A_37 = tpu.memref_squeeze %dma_start3A_36 : memref<1x1x640x64xf32, #tpu.memory_space<hbm>> -> memref<640x64xf32, #tpu.memory_space<hbm>>
        %dma_start3A_38 = arith.constant 0 : i32
        %dma_start3A_39 = tpu.memref_slice %arg13[%mul3A_0, %dma_start3A_38] : memref<10240x64xf32, #tpu.memory_space<vmem_shared>> -> memref<640x64xf32, #tpu.memory_space<vmem_shared>>
        tpu.enqueue_dma source(%dma_start3A_39 : memref<640x64xf32, #tpu.memory_space<vmem_shared>>) target(%dma_start3A_37 : memref<640x64xf32, #tpu.memory_space<hbm>>) target_semaphore(%run_scoped3A_35 : memref<!tpu.dma_semaphore, #tpu.memory_space<semaphore_mem>>)
        %dma_wait3A = arith.constant 0 : i32
        %dma_wait3A_40 = tpu.memref_slice %arg6[%run_scoped3A_33, %run_scoped3A_34, %mul3A_0, %dma_wait3A] : memref<2x2x10240x64xf32, #tpu.memory_space<hbm>> -> memref<1x1x640x64xf32, #tpu.memory_space<hbm>>
        %dma_wait3A_41 = tpu.memref_squeeze %dma_wait3A_40 : memref<1x1x640x64xf32, #tpu.memory_space<hbm>> -> memref<640x64xf32, #tpu.memory_space<hbm>>
        %dma_wait3A_42 = arith.constant 0 : i32
        %dma_wait3A_43 = tpu.memref_slice %arg13[%mul3A_0, %dma_wait3A_42] : memref<10240x64xf32, #tpu.memory_space<vmem_shared>> -> memref<640x64xf32, #tpu.memory_space<vmem_shared>>
        tpu.wait_dma2 semaphore(%run_scoped3A_35 : memref<!tpu.dma_semaphore, #tpu.memory_space<semaphore_mem>>) src(%dma_wait3A_43 : memref<640x64xf32, #tpu.memory_space<vmem_shared>>) dst(%dma_wait3A_41 : memref<640x64xf32, #tpu.memory_space<hbm>>)
        tpu.yield
      }) : () -> ()
    } else {
    }
    return
  }
}

#map = affine_map<(d0, d1) -> (0, 0, 0, 0)>
#map1 = affine_map<(d0, d1) -> (0, 0)>
#map2 = affine_map<(d0, d1) -> (0, 0, 0)>
module attributes {stable_mosaic.version = 14 : i64} {
  func.func @_deg_body(%arg0: i32, %arg1: i32, %arg2: memref<2x16x160x128xi32, #tpu.memory_space<hbm>>, %arg3: memref<128x16xf32, #tpu.memory_space<hbm>>, %arg4: memref<10240x16xf32, #tpu.memory_space<hbm>>, %arg5: memref<2x10240x16xf32, #tpu.memory_space<hbm>>, %arg6: memref<160x128xi32, #tpu.memory_space<vmem>>, %arg7: memref<128x16xf32, #tpu.memory_space<vmem>>, %arg8: memref<10240x16xf32, #tpu.memory_space<vmem_shared>>) attributes {dimension_semantics = [#tpu.dimension_semantics<core_parallel>, #tpu.dimension_semantics<subcore_parallel>], iteration_bounds = array<i64: 2, 16>, scalar_prefetch = 0 : i64, scratch_operands = 3 : i64, tpu.core_type = #tpu.core_type<sc_vector_subcore>, window_params = [{transform_indices = #map}, {transform_indices = #map1}, {transform_indices = #map1}, {transform_indices = #map2}]} {
    "tpu.region"() ({
      %run_scoped3A = tpu.sem_alloc : memref<!tpu.dma_semaphore, #tpu.memory_space<semaphore_mem>>
      %dma_start3A = arith.constant 0 : i32
      %dma_start3A_14 = arith.constant 0 : i32
      %dma_start3A_15 = tpu.memref_slice %arg2[%arg0, %arg1, %dma_start3A, %dma_start3A_14] : memref<2x16x160x128xi32, #tpu.memory_space<hbm>> -> memref<1x1x160x128xi32, #tpu.memory_space<hbm>>
      %dma_start3A_16 = tpu.memref_squeeze %dma_start3A_15 : memref<1x1x160x128xi32, #tpu.memory_space<hbm>> -> memref<160x128xi32, #tpu.memory_space<hbm>>
      %dma_start3A_17 = arith.constant 0 : i32
      %dma_start3A_18 = arith.constant 0 : i32
      %dma_start3A_19 = tpu.memref_slice %arg2[%arg0, %arg1, %dma_start3A_17, %dma_start3A_18] : memref<2x16x160x128xi32, #tpu.memory_space<hbm>> -> memref<1x1x160x128xi32, #tpu.memory_space<hbm>>
      %dma_start3A_20 = tpu.memref_squeeze %dma_start3A_19 : memref<1x1x160x128xi32, #tpu.memory_space<hbm>> -> memref<160x128xi32, #tpu.memory_space<hbm>>
      tpu.enqueue_dma source(%dma_start3A_20 : memref<160x128xi32, #tpu.memory_space<hbm>>) target(%arg6 : memref<160x128xi32, #tpu.memory_space<vmem>>) target_semaphore(%run_scoped3A : memref<!tpu.dma_semaphore, #tpu.memory_space<semaphore_mem>>)
      %dma_wait3A = arith.constant 0 : i32
      %dma_wait3A_21 = arith.constant 0 : i32
      %dma_wait3A_22 = tpu.memref_slice %arg2[%arg0, %arg1, %dma_wait3A, %dma_wait3A_21] : memref<2x16x160x128xi32, #tpu.memory_space<hbm>> -> memref<1x1x160x128xi32, #tpu.memory_space<hbm>>
      %dma_wait3A_23 = tpu.memref_squeeze %dma_wait3A_22 : memref<1x1x160x128xi32, #tpu.memory_space<hbm>> -> memref<160x128xi32, #tpu.memory_space<hbm>>
      %dma_wait3A_24 = arith.constant 0 : i32
      %dma_wait3A_25 = arith.constant 0 : i32
      %dma_wait3A_26 = tpu.memref_slice %arg2[%arg0, %arg1, %dma_wait3A_24, %dma_wait3A_25] : memref<2x16x160x128xi32, #tpu.memory_space<hbm>> -> memref<1x1x160x128xi32, #tpu.memory_space<hbm>>
      %dma_wait3A_27 = tpu.memref_squeeze %dma_wait3A_26 : memref<1x1x160x128xi32, #tpu.memory_space<hbm>> -> memref<160x128xi32, #tpu.memory_space<hbm>>
      tpu.wait_dma2 semaphore(%run_scoped3A : memref<!tpu.dma_semaphore, #tpu.memory_space<semaphore_mem>>) src(%dma_wait3A_27 : memref<160x128xi32, #tpu.memory_space<hbm>>) dst(%arg6 : memref<160x128xi32, #tpu.memory_space<vmem>>)
      tpu.yield
    }) : () -> ()
    "tpu.region"() ({
      %run_scoped3A = tpu.sem_alloc : memref<!tpu.dma_semaphore, #tpu.memory_space<semaphore_mem>>
      tpu.enqueue_dma source(%arg3 : memref<128x16xf32, #tpu.memory_space<hbm>>) target(%arg7 : memref<128x16xf32, #tpu.memory_space<vmem>>) target_semaphore(%run_scoped3A : memref<!tpu.dma_semaphore, #tpu.memory_space<semaphore_mem>>)
      tpu.wait_dma2 semaphore(%run_scoped3A : memref<!tpu.dma_semaphore, #tpu.memory_space<semaphore_mem>>) src(%arg3 : memref<128x16xf32, #tpu.memory_space<hbm>>) dst(%arg7 : memref<128x16xf32, #tpu.memory_space<vmem>>)
      tpu.yield
    }) : () -> ()
    %mul3A = arith.constant 640 : i32
    %mul3A_0 = arith.muli %arg1, %mul3A : i32
    "tpu.region"() ({
      %run_scoped3A = tpu.sem_alloc : memref<!tpu.dma_semaphore, #tpu.memory_space<semaphore_mem>>
      %dma_start3A = arith.constant 0 : i32
      %dma_start3A_14 = tpu.memref_slice %arg8[%mul3A_0, %dma_start3A] : memref<10240x16xf32, #tpu.memory_space<vmem_shared>> -> memref<640x16xf32, #tpu.memory_space<vmem_shared>>
      %dma_start3A_15 = arith.constant 0 : i32
      %dma_start3A_16 = tpu.memref_slice %arg4[%mul3A_0, %dma_start3A_15] : memref<10240x16xf32, #tpu.memory_space<hbm>> -> memref<640x16xf32, #tpu.memory_space<hbm>>
      tpu.enqueue_dma source(%dma_start3A_16 : memref<640x16xf32, #tpu.memory_space<hbm>>) target(%dma_start3A_14 : memref<640x16xf32, #tpu.memory_space<vmem_shared>>) target_semaphore(%run_scoped3A : memref<!tpu.dma_semaphore, #tpu.memory_space<semaphore_mem>>)
      %dma_wait3A = arith.constant 0 : i32
      %dma_wait3A_17 = tpu.memref_slice %arg8[%mul3A_0, %dma_wait3A] : memref<10240x16xf32, #tpu.memory_space<vmem_shared>> -> memref<640x16xf32, #tpu.memory_space<vmem_shared>>
      %dma_wait3A_18 = arith.constant 0 : i32
      %dma_wait3A_19 = tpu.memref_slice %arg4[%mul3A_0, %dma_wait3A_18] : memref<10240x16xf32, #tpu.memory_space<hbm>> -> memref<640x16xf32, #tpu.memory_space<hbm>>
      tpu.wait_dma2 semaphore(%run_scoped3A : memref<!tpu.dma_semaphore, #tpu.memory_space<semaphore_mem>>) src(%dma_wait3A_19 : memref<640x16xf32, #tpu.memory_space<hbm>>) dst(%dma_wait3A_17 : memref<640x16xf32, #tpu.memory_space<vmem_shared>>)
      tpu.yield
    }) : () -> ()
    %barrier3A = arith.constant 0 : index
    tpu.barrier barrier_id(%barrier3A)
    %scan3A = arith.constant 0 : i32
    %scan3A_1 = arith.constant 0 : i32
    %scan3A_2 = arith.constant 160 : i32
    %scan3A_3 = arith.addi %scan3A_1, %scan3A_2 : i32
    %scan3A_4 = arith.constant 1 : i32
    scf.for %scan3A_14 = %scan3A_1 to %scan3A_3 step %scan3A_4  : i32 {
      "tpu.region"() ({
        %run_scoped3A = tpu.sem_alloc : memref<!tpu.dma_semaphore, #tpu.memory_space<semaphore_mem>>
        %dma_start3A = arith.constant 0 : i32
        %dma_start3A_15 = tpu.memref_slice %arg6[%scan3A_14, %dma_start3A] : memref<160x128xi32, #tpu.memory_space<vmem>> -> memref<1x128xi32, #tpu.memory_space<vmem>>
        %dma_start3A_16 = tpu.memref_squeeze %dma_start3A_15 : memref<1x128xi32, #tpu.memory_space<vmem>> -> memref<128xi32, #tpu.memory_space<vmem>>
        %dma_start3A_17 = arith.constant 0 : i32
        %dma_start3A_18 = arith.constant 0 : i32
        %dma_start3A_19 = tpu.memref_slice %arg8[%dma_start3A_17, %dma_start3A_18] : memref<10240x16xf32, #tpu.memory_space<vmem_shared>> -> memref<10240x16xf32, #tpu.memory_space<vmem_shared>>
        tpu.enqueue_indirect_dma source(%arg7 : memref<128x16xf32, #tpu.memory_space<vmem>>) target(%dma_start3A_19 : memref<10240x16xf32, #tpu.memory_space<vmem_shared>>) offsets(%dma_start3A_16 : memref<128xi32, #tpu.memory_space<vmem>>) semaphore(%run_scoped3A : memref<!tpu.dma_semaphore, #tpu.memory_space<semaphore_mem>>) {add = true}
        %dma_wait3A = arith.constant 0 : i32
        %dma_wait3A_20 = tpu.memref_slice %arg6[%scan3A_14, %dma_wait3A] : memref<160x128xi32, #tpu.memory_space<vmem>> -> memref<1x128xi32, #tpu.memory_space<vmem>>
        %dma_wait3A_21 = tpu.memref_squeeze %dma_wait3A_20 : memref<1x128xi32, #tpu.memory_space<vmem>> -> memref<128xi32, #tpu.memory_space<vmem>>
        %dma_wait3A_22 = arith.constant 0 : i32
        %dma_wait3A_23 = arith.constant 0 : i32
        %dma_wait3A_24 = tpu.memref_slice %arg8[%dma_wait3A_22, %dma_wait3A_23] : memref<10240x16xf32, #tpu.memory_space<vmem_shared>> -> memref<10240x16xf32, #tpu.memory_space<vmem_shared>>
        tpu.wait_indirect_dma semaphore(%run_scoped3A : memref<!tpu.dma_semaphore, #tpu.memory_space<semaphore_mem>>) src(%arg7 : memref<128x16xf32, #tpu.memory_space<vmem>>) dst(%dma_wait3A_24 : memref<10240x16xf32, #tpu.memory_space<vmem_shared>>)
        tpu.yield
      }) : () -> ()
    }
    %scan3A_5 = arith.constant 160 : i32
    %barrier3A_6 = arith.constant 0 : index
    tpu.barrier barrier_id(%barrier3A_6)
    %eq3A = arith.constant 0 : i32
    %eq3A_7 = arith.cmpi eq, %arg0, %eq3A : i32
    %convert_element_type3A = arith.extui %eq3A_7 : i1 to i32
    %cond3A = arith.constant 0 : i32
    %cond3A_8 = arith.cmpi ne, %convert_element_type3A, %cond3A : i32
    scf.if %cond3A_8 {
      %run_scoped3A = arith.constant 0 : i32
      "tpu.region"() ({
        %run_scoped3A_14 = tpu.sem_alloc : memref<!tpu.dma_semaphore, #tpu.memory_space<semaphore_mem>>
        %dma_start3A = arith.constant 0 : i32
        %dma_start3A_15 = tpu.memref_slice %arg5[%run_scoped3A, %mul3A_0, %dma_start3A] : memref<2x10240x16xf32, #tpu.memory_space<hbm>> -> memref<1x640x16xf32, #tpu.memory_space<hbm>>
        %dma_start3A_16 = tpu.memref_squeeze %dma_start3A_15 : memref<1x640x16xf32, #tpu.memory_space<hbm>> -> memref<640x16xf32, #tpu.memory_space<hbm>>
        %dma_start3A_17 = arith.constant 0 : i32
        %dma_start3A_18 = tpu.memref_slice %arg8[%mul3A_0, %dma_start3A_17] : memref<10240x16xf32, #tpu.memory_space<vmem_shared>> -> memref<640x16xf32, #tpu.memory_space<vmem_shared>>
        tpu.enqueue_dma source(%dma_start3A_18 : memref<640x16xf32, #tpu.memory_space<vmem_shared>>) target(%dma_start3A_16 : memref<640x16xf32, #tpu.memory_space<hbm>>) target_semaphore(%run_scoped3A_14 : memref<!tpu.dma_semaphore, #tpu.memory_space<semaphore_mem>>)
        %dma_wait3A = arith.constant 0 : i32
        %dma_wait3A_19 = tpu.memref_slice %arg5[%run_scoped3A, %mul3A_0, %dma_wait3A] : memref<2x10240x16xf32, #tpu.memory_space<hbm>> -> memref<1x640x16xf32, #tpu.memory_space<hbm>>
        %dma_wait3A_20 = tpu.memref_squeeze %dma_wait3A_19 : memref<1x640x16xf32, #tpu.memory_space<hbm>> -> memref<640x16xf32, #tpu.memory_space<hbm>>
        %dma_wait3A_21 = arith.constant 0 : i32
        %dma_wait3A_22 = tpu.memref_slice %arg8[%mul3A_0, %dma_wait3A_21] : memref<10240x16xf32, #tpu.memory_space<vmem_shared>> -> memref<640x16xf32, #tpu.memory_space<vmem_shared>>
        tpu.wait_dma2 semaphore(%run_scoped3A_14 : memref<!tpu.dma_semaphore, #tpu.memory_space<semaphore_mem>>) src(%dma_wait3A_22 : memref<640x16xf32, #tpu.memory_space<vmem_shared>>) dst(%dma_wait3A_20 : memref<640x16xf32, #tpu.memory_space<hbm>>)
        tpu.yield
      }) : () -> ()
    } else {
    }
    %eq3A_9 = arith.constant 1 : i32
    %eq3A_10 = arith.cmpi eq, %arg0, %eq3A_9 : i32
    %convert_element_type3A_11 = arith.extui %eq3A_10 : i1 to i32
    %cond3A_12 = arith.constant 0 : i32
    %cond3A_13 = arith.cmpi ne, %convert_element_type3A_11, %cond3A_12 : i32
    scf.if %cond3A_13 {
      %run_scoped3A = arith.constant 1 : i32
      "tpu.region"() ({
        %run_scoped3A_14 = tpu.sem_alloc : memref<!tpu.dma_semaphore, #tpu.memory_space<semaphore_mem>>
        %dma_start3A = arith.constant 0 : i32
        %dma_start3A_15 = tpu.memref_slice %arg5[%run_scoped3A, %mul3A_0, %dma_start3A] : memref<2x10240x16xf32, #tpu.memory_space<hbm>> -> memref<1x640x16xf32, #tpu.memory_space<hbm>>
        %dma_start3A_16 = tpu.memref_squeeze %dma_start3A_15 : memref<1x640x16xf32, #tpu.memory_space<hbm>> -> memref<640x16xf32, #tpu.memory_space<hbm>>
        %dma_start3A_17 = arith.constant 0 : i32
        %dma_start3A_18 = tpu.memref_slice %arg8[%mul3A_0, %dma_start3A_17] : memref<10240x16xf32, #tpu.memory_space<vmem_shared>> -> memref<640x16xf32, #tpu.memory_space<vmem_shared>>
        tpu.enqueue_dma source(%dma_start3A_18 : memref<640x16xf32, #tpu.memory_space<vmem_shared>>) target(%dma_start3A_16 : memref<640x16xf32, #tpu.memory_space<hbm>>) target_semaphore(%run_scoped3A_14 : memref<!tpu.dma_semaphore, #tpu.memory_space<semaphore_mem>>)
        %dma_wait3A = arith.constant 0 : i32
        %dma_wait3A_19 = tpu.memref_slice %arg5[%run_scoped3A, %mul3A_0, %dma_wait3A] : memref<2x10240x16xf32, #tpu.memory_space<hbm>> -> memref<1x640x16xf32, #tpu.memory_space<hbm>>
        %dma_wait3A_20 = tpu.memref_squeeze %dma_wait3A_19 : memref<1x640x16xf32, #tpu.memory_space<hbm>> -> memref<640x16xf32, #tpu.memory_space<hbm>>
        %dma_wait3A_21 = arith.constant 0 : i32
        %dma_wait3A_22 = tpu.memref_slice %arg8[%mul3A_0, %dma_wait3A_21] : memref<10240x16xf32, #tpu.memory_space<vmem_shared>> -> memref<640x16xf32, #tpu.memory_space<vmem_shared>>
        tpu.wait_dma2 semaphore(%run_scoped3A_14 : memref<!tpu.dma_semaphore, #tpu.memory_space<semaphore_mem>>) src(%dma_wait3A_22 : memref<640x16xf32, #tpu.memory_space<vmem_shared>>) dst(%dma_wait3A_20 : memref<640x16xf32, #tpu.memory_space<hbm>>)
        tpu.yield
      }) : () -> ()
    } else {
    }
    return
  }
}

module attributes {stable_mosaic.version = 14 : i64} {
  func.func @_tc1_body(%arg0: i32, %arg1: memref<1024x128xf32, #tpu.memory_space<vmem>>, %arg2: memref<1024x16xf32, #tpu.memory_space<vmem>>, %arg3: memref<128x128xf32, #tpu.memory_space<vmem>>, %arg4: memref<1x128xf32, #tpu.memory_space<vmem>>, %arg5: memref<128x128xf32, #tpu.memory_space<vmem>>, %arg6: memref<1x128xf32, #tpu.memory_space<vmem>>, %arg7: memref<128x128xf32, #tpu.memory_space<vmem>>, %arg8: memref<1024x128xf32, #tpu.memory_space<vmem>>, %arg9: memref<1024x1xf32, #tpu.memory_space<vmem>>) attributes {dimension_semantics = [#tpu.dimension_semantics<arbitrary>], iteration_bounds = array<i64: 20>, scalar_prefetch = 0 : i64, scratch_operands = 0 : i64, tpu.core_type = #tpu.core_type<tc>, window_params = [{transform_indices = @transform_0, window_bounds = array<i64: 1024, 128>}, {transform_indices = @transform_1, window_bounds = array<i64: 1024, 16>}, {pipeline_mode = #tpu.pipeline_mode<synchronous>, transform_indices = @transform_2, window_bounds = array<i64: 128, 128>}, {pipeline_mode = #tpu.pipeline_mode<synchronous>, transform_indices = @transform_3, window_bounds = array<i64: 1, 128>}, {pipeline_mode = #tpu.pipeline_mode<synchronous>, transform_indices = @transform_4, window_bounds = array<i64: 128, 128>}, {pipeline_mode = #tpu.pipeline_mode<synchronous>, transform_indices = @transform_5, window_bounds = array<i64: 1, 128>}, {pipeline_mode = #tpu.pipeline_mode<synchronous>, transform_indices = @transform_6, window_bounds = array<i64: 128, 128>}, {transform_indices = @transform_7, window_bounds = array<i64: 1024, 128>}, {transform_indices = @transform_8, window_bounds = array<i64: 1024, 1>}]} {
    %get3A = arith.constant 0 : index
    %get3A_0 = arith.constant 0 : index
    %get3A_1 = vector.load %arg2[%get3A, %get3A_0] : memref<1024x16xf32, #tpu.memory_space<vmem>>, vector<1024x1xf32>
    %add3A = arith.constant 1.000000e+00 : f32
    %add3A_2 = vector.broadcast %add3A : f32 to vector<1024x1xf32>
    %add3A_3 = arith.addf %get3A_1, %add3A_2 : vector<1024x1xf32>
    %mul3A = arith.constant 1024 : i32
    %mul3A_4 = arith.muli %arg0, %mul3A : i32
    %iota3A = tpu.iota {dimensions = array<i32: 0>} : vector<1024x1xi32>
    %add3A_5 = vector.broadcast %mul3A_4 : i32 to vector<1024x1xi32>
    %add3A_6 = arith.addi %add3A_5, %iota3A : vector<1024x1xi32>
    %lt3A = arith.constant 10000 : i32
    %lt3A_7 = vector.broadcast %lt3A : i32 to vector<1024x1xi32>
    %lt3A_8 = arith.cmpi slt, %add3A_6, %lt3A_7 : vector<1024x1xi32>
    %ge3A = arith.constant 10240 : i32
    %ge3A_9 = vector.broadcast %ge3A : i32 to vector<1024x1xi32>
    %ge3A_10 = arith.cmpi sge, %add3A_6, %ge3A_9 : vector<1024x1xi32>
    %lt3A_11 = arith.constant 20240 : i32
    %lt3A_12 = vector.broadcast %lt3A_11 : i32 to vector<1024x1xi32>
    %lt3A_13 = arith.cmpi slt, %add3A_6, %lt3A_12 : vector<1024x1xi32>
    %and3A = arith.andi %ge3A_10, %lt3A_13 : vector<1024x1xi1>
    %or3A = arith.ori %lt3A_8, %and3A : vector<1024x1xi1>
    %rsqrt3A = math.rsqrt %add3A_3 : vector<1024x1xf32>
    %jit3A = arith.constant 0.000000e+00 : f32
    %broadcast_in_dim3A = vector.broadcast %jit3A : f32 to vector<1024x1xf32>
    %select_n3A = arith.select %or3A, %rsqrt3A, %broadcast_in_dim3A : vector<1024x1xi1>, vector<1024x1xf32>
    %get3A_14 = arith.constant 0 : index
    %get3A_15 = arith.constant 0 : index
    %get3A_16 = vector.load %arg1[%get3A_14, %get3A_15] : memref<1024x128xf32, #tpu.memory_space<vmem>>, vector<1024x128xf32>
    %get3A_17 = arith.constant 0 : index
    %get3A_18 = arith.constant 0 : index
    %get3A_19 = vector.load %arg3[%get3A_17, %get3A_18] : memref<128x128xf32, #tpu.memory_space<vmem>>, vector<128x128xf32>
    %dot_general3A = arith.constant dense<0.000000e+00> : vector<1024x128xf32>
    %dot_general3A_20 = tpu.matmul %get3A_16, %get3A_19, %dot_general3A {dimension_numbers = #tpu.dot_dimension_numbers<[1], [0], [0], [1], [0, 0, 1, 1], [], []>, transpose_lhs_hint = false} : vector<1024x128xf32>, vector<128x128xf32>, vector<1024x128xf32> -> vector<1024x128xf32>
    %get3A_21 = arith.constant 0 : index
    %get3A_22 = arith.constant 0 : index
    %get3A_23 = vector.load %arg4[%get3A_21, %get3A_22] : memref<1x128xf32, #tpu.memory_space<vmem>>, vector<1x128xf32>
    %add3A_24 = vector.broadcast %get3A_23 : vector<1x128xf32> to vector<1024x128xf32>
    %add3A_25 = arith.addf %dot_general3A_20, %add3A_24 : vector<1024x128xf32>
    %get3A_26 = arith.constant 0 : index
    %get3A_27 = arith.constant 0 : index
    %get3A_28 = vector.load %arg5[%get3A_26, %get3A_27] : memref<128x128xf32, #tpu.memory_space<vmem>>, vector<128x128xf32>
    %dot_general3A_29 = arith.constant dense<0.000000e+00> : vector<1024x128xf32>
    %dot_general3A_30 = tpu.matmul %get3A_16, %get3A_28, %dot_general3A_29 {dimension_numbers = #tpu.dot_dimension_numbers<[1], [0], [0], [1], [0, 0, 1, 1], [], []>, transpose_lhs_hint = false} : vector<1024x128xf32>, vector<128x128xf32>, vector<1024x128xf32> -> vector<1024x128xf32>
    %get3A_31 = arith.constant 0 : index
    %get3A_32 = arith.constant 0 : index
    %get3A_33 = vector.load %arg6[%get3A_31, %get3A_32] : memref<1x128xf32, #tpu.memory_space<vmem>>, vector<1x128xf32>
    %add3A_34 = vector.broadcast %get3A_33 : vector<1x128xf32> to vector<1024x128xf32>
    %add3A_35 = arith.addf %dot_general3A_30, %add3A_34 : vector<1024x128xf32>
    %lt3A_36 = arith.constant 10240 : i32
    %lt3A_37 = vector.broadcast %lt3A_36 : i32 to vector<1024x1xi32>
    %lt3A_38 = arith.cmpi slt, %add3A_6, %lt3A_37 : vector<1024x1xi32>
    %broadcast_in_dim3A_39 = vector.shape_cast %lt3A_38 : vector<1024x1xi1> to vector<1024x1xi1>
    %broadcast_in_dim3A_40 = vector.broadcast %broadcast_in_dim3A_39 : vector<1024x1xi1> to vector<1024x128xi1>
    %select_n3A_41 = arith.select %broadcast_in_dim3A_40, %add3A_25, %add3A_35 : vector<1024x128xi1>, vector<1024x128xf32>
    %get3A_42 = arith.constant 0 : index
    %get3A_43 = arith.constant 0 : index
    %get3A_44 = vector.load %arg7[%get3A_42, %get3A_43] : memref<128x128xf32, #tpu.memory_space<vmem>>, vector<128x128xf32>
    %dot_general3A_45 = arith.constant dense<0.000000e+00> : vector<1024x128xf32>
    %dot_general3A_46 = tpu.matmul %select_n3A_41, %get3A_44, %dot_general3A_45 {dimension_numbers = #tpu.dot_dimension_numbers<[1], [0], [0], [1], [0, 0, 1, 1], [], []>, transpose_lhs_hint = false} : vector<1024x128xf32>, vector<128x128xf32>, vector<1024x128xf32> -> vector<1024x128xf32>
    %mul3A_47 = vector.broadcast %select_n3A : vector<1024x1xf32> to vector<1024x128xf32>
    %mul3A_48 = arith.mulf %mul3A_47, %dot_general3A_46 : vector<1024x128xf32>
    %swap3A = arith.constant 0 : index
    %swap3A_49 = arith.constant 0 : index
    %swap3A_50 = vector.load %arg8[%swap3A, %swap3A_49] : memref<1024x128xf32, #tpu.memory_space<vmem>>, vector<1024x128xf32>
    tpu.vector_store %arg8[%swap3A, %swap3A_49], %mul3A_48 {strides = array<i32>} : memref<1024x128xf32, #tpu.memory_space<vmem>>, vector<1024x128xf32>,
    %swap3A_51 = arith.constant 0 : index
    %swap3A_52 = arith.constant 0 : index
    %swap3A_53 = vector.load %arg9[%swap3A_51, %swap3A_52] : memref<1024x1xf32, #tpu.memory_space<vmem>>, vector<1024x1xf32>
    tpu.vector_store %arg9[%swap3A_51, %swap3A_52], %select_n3A {strides = array<i32>} : memref<1024x1xf32, #tpu.memory_space<vmem>>, vector<1024x1xf32>,
    return
  }
  func.func @transform_0(%arg0: i32) -> (i32, i32) {
    %c0_i32 = arith.constant 0 : i32
    %c0_i32_0 = arith.constant 0 : i32
    return %arg0, %c0_i32 : i32, i32
  }
  func.func @transform_1(%arg0: i32) -> (i32, i32) {
    %c0_i32 = arith.constant 0 : i32
    %c0_i32_0 = arith.constant 0 : i32
    return %arg0, %c0_i32 : i32, i32
  }
  func.func @transform_2(%arg0: i32) -> (i32, i32) {
    %c0_i32 = arith.constant 0 : i32
    %c0_i32_0 = arith.constant 0 : i32
    %c0_i32_1 = arith.constant 0 : i32
    return %c0_i32, %c0_i32_0 : i32, i32
  }
  func.func @transform_3(%arg0: i32) -> (i32, i32) {
    %c0_i32 = arith.constant 0 : i32
    %c0_i32_0 = arith.constant 0 : i32
    %c0_i32_1 = arith.constant 0 : i32
    return %c0_i32, %c0_i32_0 : i32, i32
  }
  func.func @transform_4(%arg0: i32) -> (i32, i32) {
    %c0_i32 = arith.constant 0 : i32
    %c0_i32_0 = arith.constant 0 : i32
    %c0_i32_1 = arith.constant 0 : i32
    return %c0_i32, %c0_i32_0 : i32, i32
  }
  func.func @transform_5(%arg0: i32) -> (i32, i32) {
    %c0_i32 = arith.constant 0 : i32
    %c0_i32_0 = arith.constant 0 : i32
    %c0_i32_1 = arith.constant 0 : i32
    return %c0_i32, %c0_i32_0 : i32, i32
  }
  func.func @transform_6(%arg0: i32) -> (i32, i32) {
    %c0_i32 = arith.constant 0 : i32
    %c0_i32_0 = arith.constant 0 : i32
    %c0_i32_1 = arith.constant 0 : i32
    return %c0_i32, %c0_i32_0 : i32, i32
  }
  func.func @transform_7(%arg0: i32) -> (i32, i32) {
    %c0_i32 = arith.constant 0 : i32
    %c0_i32_0 = arith.constant 0 : i32
    return %arg0, %c0_i32 : i32, i32
  }
  func.func @transform_8(%arg0: i32) -> (i32, i32) {
    %c0_i32 = arith.constant 0 : i32
    %c0_i32_0 = arith.constant 0 : i32
    return %arg0, %c0_i32 : i32, i32
  }
}

module attributes {stable_mosaic.version = 14 : i64} {
  func.func @_tc2_body(%arg0: i32, %arg1: memref<1024x128xf32, #tpu.memory_space<vmem>>, %arg2: memref<1024x128xf32, #tpu.memory_space<vmem>>, %arg3: memref<1024x1xf32, #tpu.memory_space<vmem>>, %arg4: memref<1x128xf32, #tpu.memory_space<vmem>>, %arg5: memref<128x128xf32, #tpu.memory_space<vmem>>, %arg6: memref<1024x128xf32, #tpu.memory_space<vmem>>) attributes {dimension_semantics = [#tpu.dimension_semantics<arbitrary>], iteration_bounds = array<i64: 20>, scalar_prefetch = 0 : i64, scratch_operands = 0 : i64, tpu.core_type = #tpu.core_type<tc>, window_params = [{transform_indices = @transform_0, window_bounds = array<i64: 1024, 128>}, {transform_indices = @transform_1, window_bounds = array<i64: 1024, 128>}, {transform_indices = @transform_2, window_bounds = array<i64: 1024, 1>}, {pipeline_mode = #tpu.pipeline_mode<synchronous>, transform_indices = @transform_3, window_bounds = array<i64: 1, 128>}, {pipeline_mode = #tpu.pipeline_mode<synchronous>, transform_indices = @transform_4, window_bounds = array<i64: 128, 128>}, {transform_indices = @transform_5, window_bounds = array<i64: 1024, 128>}]} {
    %get3A = arith.constant 0 : index
    %get3A_0 = arith.constant 0 : index
    %get3A_1 = vector.load %arg3[%get3A, %get3A_0] : memref<1024x1xf32, #tpu.memory_space<vmem>>, vector<1024x1xf32>
    %get3A_2 = arith.constant 0 : index
    %get3A_3 = arith.constant 0 : index
    %get3A_4 = vector.load %arg1[%get3A_2, %get3A_3] : memref<1024x128xf32, #tpu.memory_space<vmem>>, vector<1024x128xf32>
    %get3A_5 = arith.constant 0 : index
    %get3A_6 = arith.constant 0 : index
    %get3A_7 = vector.load %arg2[%get3A_5, %get3A_6] : memref<1024x128xf32, #tpu.memory_space<vmem>>, vector<1024x128xf32>
    %add3A = arith.addf %get3A_4, %get3A_7 : vector<1024x128xf32>
    %mul3A = vector.broadcast %get3A_1 : vector<1024x1xf32> to vector<1024x128xf32>
    %mul3A_8 = arith.mulf %mul3A, %add3A : vector<1024x128xf32>
    %get3A_9 = arith.constant 0 : index
    %get3A_10 = arith.constant 0 : index
    %get3A_11 = vector.load %arg4[%get3A_9, %get3A_10] : memref<1x128xf32, #tpu.memory_space<vmem>>, vector<1x128xf32>
    %add3A_12 = vector.broadcast %get3A_11 : vector<1x128xf32> to vector<1024x128xf32>
    %add3A_13 = arith.addf %mul3A_8, %add3A_12 : vector<1024x128xf32>
    %max3A = arith.constant 0.000000e+00 : f32
    %max3A_14 = vector.broadcast %max3A : f32 to vector<1024x128xf32>
    %max3A_15 = arith.maximumf %add3A_13, %max3A_14 : vector<1024x128xf32>
    %get3A_16 = arith.constant 0 : index
    %get3A_17 = arith.constant 0 : index
    %get3A_18 = vector.load %arg5[%get3A_16, %get3A_17] : memref<128x128xf32, #tpu.memory_space<vmem>>, vector<128x128xf32>
    %dot_general3A = arith.constant dense<0.000000e+00> : vector<1024x128xf32>
    %dot_general3A_19 = tpu.matmul %max3A_15, %get3A_18, %dot_general3A {dimension_numbers = #tpu.dot_dimension_numbers<[1], [0], [0], [1], [0, 0, 1, 1], [], []>, transpose_lhs_hint = false} : vector<1024x128xf32>, vector<128x128xf32>, vector<1024x128xf32> -> vector<1024x128xf32>
    %mul3A_20 = vector.broadcast %get3A_1 : vector<1024x1xf32> to vector<1024x128xf32>
    %mul3A_21 = arith.mulf %mul3A_20, %dot_general3A_19 : vector<1024x128xf32>
    %swap3A = arith.constant 0 : index
    %swap3A_22 = arith.constant 0 : index
    %swap3A_23 = vector.load %arg6[%swap3A, %swap3A_22] : memref<1024x128xf32, #tpu.memory_space<vmem>>, vector<1024x128xf32>
    tpu.vector_store %arg6[%swap3A, %swap3A_22], %mul3A_21 {strides = array<i32>} : memref<1024x128xf32, #tpu.memory_space<vmem>>, vector<1024x128xf32>,
    return
  }
  func.func @transform_0(%arg0: i32) -> (i32, i32) {
    %c0_i32 = arith.constant 0 : i32
    %c0_i32_0 = arith.constant 0 : i32
    return %arg0, %c0_i32 : i32, i32
  }
  func.func @transform_1(%arg0: i32) -> (i32, i32) {
    %c0_i32 = arith.constant 0 : i32
    %c0_i32_0 = arith.constant 0 : i32
    return %arg0, %c0_i32 : i32, i32
  }
  func.func @transform_2(%arg0: i32) -> (i32, i32) {
    %c0_i32 = arith.constant 0 : i32
    %c0_i32_0 = arith.constant 0 : i32
    return %arg0, %c0_i32 : i32, i32
  }
  func.func @transform_3(%arg0: i32) -> (i32, i32) {
    %c0_i32 = arith.constant 0 : i32
    %c0_i32_0 = arith.constant 0 : i32
    %c0_i32_1 = arith.constant 0 : i32
    return %c0_i32, %c0_i32_0 : i32, i32
  }
  func.func @transform_4(%arg0: i32) -> (i32, i32) {
    %c0_i32 = arith.constant 0 : i32
    %c0_i32_0 = arith.constant 0 : i32
    %c0_i32_1 = arith.constant 0 : i32
    return %c0_i32, %c0_i32_0 : i32, i32
  }
  func.func @transform_5(%arg0: i32) -> (i32, i32) {
    %c0_i32 = arith.constant 0 : i32
    %c0_i32_0 = arith.constant 0 : i32
    return %arg0, %c0_i32 : i32, i32
  }
}

module attributes {stable_mosaic.version = 14 : i64} {
  func.func @_tc3_body(%arg0: i32, %arg1: memref<1024x128xf32, #tpu.memory_space<vmem>>, %arg2: memref<1024x128xf32, #tpu.memory_space<vmem>>, %arg3: memref<1024x1xf32, #tpu.memory_space<vmem>>, %arg4: memref<1x128xf32, #tpu.memory_space<vmem>>, %arg5: memref<1024x1xi32, #tpu.memory_space<vmem>>, %arg6: memref<256x2xf32, #tpu.memory_space<vmem>>, %arg7: memref<1x2xf32, #tpu.memory_space<vmem>>, %arg8: memref<100x2xf32, #tpu.memory_space<vmem>>, %arg9: memref<256x256xf32, #tpu.memory_space<vmem>>) attributes {dimension_semantics = [#tpu.dimension_semantics<arbitrary>], iteration_bounds = array<i64: 20>, scalar_prefetch = 0 : i64, scratch_operands = 1 : i64, tpu.core_type = #tpu.core_type<tc>, window_params = [{transform_indices = @transform_0, window_bounds = array<i64: 1024, 128>}, {transform_indices = @transform_1, window_bounds = array<i64: 1024, 128>}, {transform_indices = @transform_2, window_bounds = array<i64: 1024, 1>}, {pipeline_mode = #tpu.pipeline_mode<synchronous>, transform_indices = @transform_3, window_bounds = array<i64: 1, 128>}, {transform_indices = @transform_4, window_bounds = array<i64: 1024, 1>}, {pipeline_mode = #tpu.pipeline_mode<synchronous>, transform_indices = @transform_5, window_bounds = array<i64: 256, 2>}, {pipeline_mode = #tpu.pipeline_mode<synchronous>, transform_indices = @transform_6, window_bounds = array<i64: 1, 2>}, {pipeline_mode = #tpu.pipeline_mode<synchronous>, transform_indices = @transform_7, window_bounds = array<i64: 100, 2>}]} {
    %eq3A = arith.constant 0 : i32
    %eq3A_0 = arith.cmpi eq, %arg0, %eq3A : i32
    %convert_element_type3A = arith.extui %eq3A_0 : i1 to i32
    %cond3A = arith.constant 0 : i32
    %cond3A_1 = arith.cmpi ne, %convert_element_type3A, %cond3A : i32
    scf.if %cond3A_1 {
      %broadcast_in_dim3A_36 = arith.constant 0.000000e+00 : f32
      %broadcast_in_dim3A_37 = vector.broadcast %broadcast_in_dim3A_36 : f32 to vector<256x256xf32>
      %swap3A_38 = arith.constant 0 : index
      %swap3A_39 = arith.constant 0 : index
      %swap3A_40 = vector.load %arg9[%swap3A_38, %swap3A_39] : memref<256x256xf32, #tpu.memory_space<vmem>>, vector<256x256xf32>
      tpu.vector_store %arg9[%swap3A_38, %swap3A_39], %broadcast_in_dim3A_37 {strides = array<i32>} : memref<256x256xf32, #tpu.memory_space<vmem>>, vector<256x256xf32>,
    } else {
    }
    %get3A = arith.constant 0 : index
    %get3A_2 = arith.constant 0 : index
    %get3A_3 = vector.load %arg3[%get3A, %get3A_2] : memref<1024x1xf32, #tpu.memory_space<vmem>>, vector<1024x1xf32>
    %get3A_4 = arith.constant 0 : index
    %get3A_5 = arith.constant 0 : index
    %get3A_6 = vector.load %arg1[%get3A_4, %get3A_5] : memref<1024x128xf32, #tpu.memory_space<vmem>>, vector<1024x128xf32>
    %get3A_7 = arith.constant 0 : index
    %get3A_8 = arith.constant 0 : index
    %get3A_9 = vector.load %arg2[%get3A_7, %get3A_8] : memref<1024x128xf32, #tpu.memory_space<vmem>>, vector<1024x128xf32>
    %add3A = arith.addf %get3A_6, %get3A_9 : vector<1024x128xf32>
    %mul3A = vector.broadcast %get3A_3 : vector<1024x1xf32> to vector<1024x128xf32>
    %mul3A_10 = arith.mulf %mul3A, %add3A : vector<1024x128xf32>
    %get3A_11 = arith.constant 0 : index
    %get3A_12 = arith.constant 0 : index
    %get3A_13 = vector.load %arg4[%get3A_11, %get3A_12] : memref<1x128xf32, #tpu.memory_space<vmem>>, vector<1x128xf32>
    %add3A_14 = vector.broadcast %get3A_13 : vector<1x128xf32> to vector<1024x128xf32>
    %add3A_15 = arith.addf %mul3A_10, %add3A_14 : vector<1024x128xf32>
    %get3A_16 = arith.constant 0 : index
    %get3A_17 = arith.constant 0 : index
    %get3A_18 = vector.load %arg5[%get3A_16, %get3A_17] : memref<1024x1xi32, #tpu.memory_space<vmem>>, vector<1024x1xi32>
    %iota3A = tpu.iota {dimensions = array<i32: 1>} : vector<1024x256xi32>
    %eq3A_19 = vector.broadcast %get3A_18 : vector<1024x1xi32> to vector<1024x256xi32>
    %eq3A_20 = arith.cmpi eq, %eq3A_19, %iota3A : vector<1024x256xi32>
    %convert_element_type3A_21 = arith.extui %eq3A_20 : vector<1024x256xi1> to vector<1024x256xi32>
    %convert_element_type3A_22 = arith.sitofp %convert_element_type3A_21 : vector<1024x256xi32> to vector<1024x256xf32>
    %broadcast_in_dim3A = arith.constant 1.000000e+00 : f32
    %broadcast_in_dim3A_23 = vector.broadcast %broadcast_in_dim3A : f32 to vector<1024x128xf32>
    %concatenate3A = tpu.concatenate %add3A_15, %broadcast_in_dim3A_23 in 1 : vector<1024x128xf32>, vector<1024x128xf32> -> vector<1024x256xf32>
    %get3A_24 = arith.constant 0 : index
    %get3A_25 = arith.constant 0 : index
    %get3A_26 = vector.load %arg9[%get3A_24, %get3A_25] : memref<256x256xf32, #tpu.memory_space<vmem>>, vector<256x256xf32>
    %dot_general3A = arith.constant dense<0.000000e+00> : vector<256x256xf32>
    %dot_general3A_27 = tpu.matmul %convert_element_type3A_22, %concatenate3A, %dot_general3A {dimension_numbers = #tpu.dot_dimension_numbers<[0], [0], [1], [1], [0, 1, 1, 1], [], []>, precision = #tpu.contract_precision<fp32>, transpose_lhs_hint = false} : vector<1024x256xf32>, vector<1024x256xf32>, vector<256x256xf32> -> vector<256x256xf32>
    %add3A_28 = arith.addf %get3A_26, %dot_general3A_27 : vector<256x256xf32>
    %swap3A = arith.constant 0 : index
    %swap3A_29 = arith.constant 0 : index
    %swap3A_30 = vector.load %arg9[%swap3A, %swap3A_29] : memref<256x256xf32, #tpu.memory_space<vmem>>, vector<256x256xf32>
    tpu.vector_store %arg9[%swap3A, %swap3A_29], %add3A_28 {strides = array<i32>} : memref<256x256xf32, #tpu.memory_space<vmem>>, vector<256x256xf32>,
    %eq3A_31 = arith.constant 19 : i32
    %eq3A_32 = arith.cmpi eq, %arg0, %eq3A_31 : i32
    %convert_element_type3A_33 = arith.extui %eq3A_32 : i1 to i32
    %cond3A_34 = arith.constant 0 : i32
    %cond3A_35 = arith.cmpi ne, %convert_element_type3A_33, %cond3A_34 : i32
    scf.if %cond3A_35 {
      %get3A_36 = arith.constant 0 : index
      %get3A_37 = arith.constant 0 : index
      %get3A_38 = vector.load %arg9[%get3A_36, %get3A_37] : memref<256x256xf32, #tpu.memory_space<vmem>>, vector<256x256xf32>
      %slice3A = vector.extract_strided_slice %get3A_38 {offsets = [0, 128], sizes = [256, 1], strides = [1, 1]} : vector<256x256xf32> to vector<256x1xf32>
      %max3A = arith.constant 1.000000e+00 : f32
      %max3A_39 = vector.broadcast %max3A : f32 to vector<256x1xf32>
      %max3A_40 = arith.maximumf %slice3A, %max3A_39 : vector<256x1xf32>
      %slice3A_41 = vector.extract_strided_slice %get3A_38 {offsets = [0, 0], sizes = [256, 128], strides = [1, 1]} : vector<256x256xf32> to vector<256x128xf32>
      %div3A = vector.broadcast %max3A_40 : vector<256x1xf32> to vector<256x128xf32>
      %div3A_42 = arith.divf %slice3A_41, %div3A : vector<256x128xf32>
      %slice3A_43 = vector.extract_strided_slice %div3A_42 {offsets = [0, 0], sizes = [100, 128], strides = [1, 1]} : vector<256x128xf32> to vector<100x128xf32>
      %get3A_44 = arith.constant 0 : index
      %get3A_45 = arith.constant 0 : index
      %get3A_46 = vector.load %arg6[%get3A_44, %get3A_45] : memref<256x2xf32, #tpu.memory_space<vmem>>, vector<128x2xf32>
      %dot_general3A_47 = arith.constant dense<0.000000e+00> : vector<100x2xf32>
      %dot_general3A_48 = tpu.matmul %slice3A_43, %get3A_46, %dot_general3A_47 {dimension_numbers = #tpu.dot_dimension_numbers<[1], [0], [0], [1], [0, 0, 1, 1], [], []>, transpose_lhs_hint = false} : vector<100x128xf32>, vector<128x2xf32>, vector<100x2xf32> -> vector<100x2xf32>
      %slice3A_49 = vector.extract_strided_slice %div3A_42 {offsets = [100, 0], sizes = [100, 128], strides = [1, 1]} : vector<256x128xf32> to vector<100x128xf32>
      %get3A_50 = arith.constant 128 : index
      %get3A_51 = arith.constant 0 : index
      %get3A_52 = vector.load %arg6[%get3A_50, %get3A_51] : memref<256x2xf32, #tpu.memory_space<vmem>>, vector<128x2xf32>
      %dot_general3A_53 = arith.constant dense<0.000000e+00> : vector<100x2xf32>
      %dot_general3A_54 = tpu.matmul %slice3A_49, %get3A_52, %dot_general3A_53 {dimension_numbers = #tpu.dot_dimension_numbers<[1], [0], [0], [1], [0, 0, 1, 1], [], []>, transpose_lhs_hint = false} : vector<100x128xf32>, vector<128x2xf32>, vector<100x2xf32> -> vector<100x2xf32>
      %add3A_55 = arith.addf %dot_general3A_48, %dot_general3A_54 : vector<100x2xf32>
      %get3A_56 = arith.constant 0 : index
      %get3A_57 = arith.constant 0 : index
      %get3A_58 = vector.load %arg7[%get3A_56, %get3A_57] : memref<1x2xf32, #tpu.memory_space<vmem>>, vector<1x2xf32>
      %add3A_59 = vector.broadcast %get3A_58 : vector<1x2xf32> to vector<100x2xf32>
      %add3A_60 = arith.addf %add3A_55, %add3A_59 : vector<100x2xf32>
      %swap3A_61 = arith.constant 0 : index
      %swap3A_62 = arith.constant 0 : index
      %swap3A_63 = vector.load %arg8[%swap3A_61, %swap3A_62] : memref<100x2xf32, #tpu.memory_space<vmem>>, vector<100x2xf32>
      tpu.vector_store %arg8[%swap3A_61, %swap3A_62], %add3A_60 {strides = array<i32>} : memref<100x2xf32, #tpu.memory_space<vmem>>, vector<100x2xf32>,
    } else {
    }
    return
  }
  func.func @transform_0(%arg0: i32) -> (i32, i32) {
    %c0_i32 = arith.constant 0 : i32
    %c0_i32_0 = arith.constant 0 : i32
    return %arg0, %c0_i32 : i32, i32
  }
  func.func @transform_1(%arg0: i32) -> (i32, i32) {
    %c0_i32 = arith.constant 0 : i32
    %c0_i32_0 = arith.constant 0 : i32
    return %arg0, %c0_i32 : i32, i32
  }
  func.func @transform_2(%arg0: i32) -> (i32, i32) {
    %c0_i32 = arith.constant 0 : i32
    %c0_i32_0 = arith.constant 0 : i32
    return %arg0, %c0_i32 : i32, i32
  }
  func.func @transform_3(%arg0: i32) -> (i32, i32) {
    %c0_i32 = arith.constant 0 : i32
    %c0_i32_0 = arith.constant 0 : i32
    %c0_i32_1 = arith.constant 0 : i32
    return %c0_i32, %c0_i32_0 : i32, i32
  }
  func.func @transform_4(%arg0: i32) -> (i32, i32) {
    %c0_i32 = arith.constant 0 : i32
    %c0_i32_0 = arith.constant 0 : i32
    return %arg0, %c0_i32 : i32, i32
  }
  func.func @transform_5(%arg0: i32) -> (i32, i32) {
    %c0_i32 = arith.constant 0 : i32
    %c0_i32_0 = arith.constant 0 : i32
    %c0_i32_1 = arith.constant 0 : i32
    return %c0_i32, %c0_i32_0 : i32, i32
  }
  func.func @transform_6(%arg0: i32) -> (i32, i32) {
    %c0_i32 = arith.constant 0 : i32
    %c0_i32_0 = arith.constant 0 : i32
    %c0_i32_1 = arith.constant 0 : i32
    return %c0_i32, %c0_i32_0 : i32, i32
  }
  func.func @transform_7(%arg0: i32) -> (i32, i32) {
    %c0_i32 = arith.constant 0 : i32
    %c0_i32_0 = arith.constant 0 : i32
    %c0_i32_1 = arith.constant 0 : i32
    return %c0_i32, %c0_i32_0 : i32, i32
  }
}

</mosaic_0001>

<sc_bundles>
// kernel: kernel.11.cloned.1.call-start
scs
__scs_entry_jumppad:
0x0: {  	(pc) =	sbr.rel $0x88, $3  }
0x1: {  	(tag) =	ssettag $0x0;
	lr =	simm.s32 $0x1  }
0x2: {  	[smem:$0x3F91] =	sst lr;
	_ =	strace $0xD0000000  }
0x3: {  	_ = 	snop  }
0x4: {  	_ = 	snop  }
0x5: {  	_ = 	snop  }
0x6: {  	_ = 	snop  }
0x7: {  	_ = 	snop  }
__scs_overlays_trampoline_lowered:
0x8: {  	[smem:$0x3FA0] =	sst s0  }
0x9: {  	[smem:$0x3FA1] =	sst s1  }
0xa: {  	[smem:$0x3FA2] =	sst s2  }
0xb: {  	[smem:$0x3FA3] =	sst s3  }
0xc: {  	[smem:$0x3FA4] =	sst s4  }
0xd: {  	[smem:$0x3FA5] =	sst s5  }
0xe: {  	[smem:$0x3FA6] =	sst s6  }
0xf: {  	[smem:$0x3FA7] =	sst s7  }
0x10: {  	[smem:$0x3FA8] =	sst s8  }
0x11: {  	[smem:$0x3FA9] =	sst s9;
	s0 =	simm.s32 @!p0 $0x0  }
0x12: {  	s1 =	sld [smem:$0x3F8F];
	s0 =	simm.s32 @p0 $0x1  }
0x13: {  	[smem:$0x3FAA] =	sst s0;
	s0 =	simm.s32 @!p1 $0x0  }
0x14: {  	s2 =	sld [smem:$0x3F8E];
	s0 =	simm.s32 @p1 $0x1  }
0x15: {  	[smem:$0x3FAB] =	sst s0;
	s0 =	simm.s32 @!p2 $0x0  }
0x16: {  	s3 =	sld [smem:$0x3FDB];
	s0 =	simm.s32 @p2 $0x1  }
0x17: {  	s4 =	simm.s32 $0x1BF5;
	[smem:$0x3FAD] =	sst s0  }
0x18: {  	s0 =	sld [smem:$0x3F90];
	_ =	swait.ge [sflag:s4], $0x0  }
0x19: {  	s7 =	sld [smem:$0x3F91]  }
0x1a: {  	s8 =	sadd.s32 $0xFFFFE003, lr  }
0x1b: {  	s9 =	sadd.s32 $0xFFFFFEF7, lr;
	s5 =	simm.s32 $0xFFFFFFFF;
	p2 =	slt.u32 s8, $0xFFFFF086  }
0x1c: {  	p1 =	slt.u32 s9, $0xF7A;
	s5 =	simm.s32 @!p2 $0x0  }
0x1d: {  	s5 =	simm.s32 @p1 $0x1;
	p0 =	seq.s32 s7, s2  }
0x1e: {  	s7 =	smul.u32 @!p0 $0xF7A, s2;
	p2 =	seq.s32 @!p0 s5, $0x0  }
0x1f: {  	s9 =	smul.u32 $0xF7A, s1;
	s8 =	simm.s32 @!p0 $0x1BF5;
	p2 =	por !p2, p0  }
0x20: {  	[sflag:s8] =	ssyncset.s32 @!p0 $0xFFFFF086;
	s6 =	sadd.s32 @!p0 s3, s7;
	s7 =	simm.s32 @!p0 $0x108  }
0x21: {  	s3 =	sadd.s32 s3, s9;
	s6 =	sadd.s32 @!p0 $0x88, s6;
	s7 =	simm.s32 @p2 $0x1082  }
0x22: {  	[simem:s7], [sflag:s8] =	dma.local @!p0 [hbm:s6], $0xF7A  }
0x23: {  	s9 =	sor.u32 $0xD0000000, s2;
	s6 =	simm.s32 $0x108;
	_ =	swait.ge @!p0 [sflag:s8], $0x0  }
0x24: {  	s3 =	sadd.s32 $0x88, s3;
	s6 =	simm.s32 @!p1 $0x1082;
	[sflag:s4] =	ssyncset.s32 $0xFFFFF086  }
0x25: {  	[simem:s6], [sflag:s4] =	dma.local [hbm:s3], $0xF7A  }
0x26: {  	[smem:$0x3F91] =	sst s1;
	(tag) =	ssettag s2;
	_ =	strace s9  }
0x27: {  	s1 =	sld [smem:$0x3FA1]  }
0x28: {  	s2 =	sld [smem:$0x3FA2]  }
0x29: {  	s4 =	sld [smem:$0x3FA4]  }
0x2a: {  	p0 =	seq.s32 s5, $0x0;
	s5 =	sld [smem:$0x3FA5]  }
0x2b: {  	s6 =	sld [smem:$0x3FA6]  }
0x2c: {  	s7 =	sld [smem:$0x3FA7]  }
0x2d: {  	s3 =	simm.s32 $0x108;
	s8 =	sld [smem:$0x3FA8]  }
0x2e: {  	s3 =	simm.s32 @!p0 $0x1082;
	s9 =	sld [smem:$0x3FA9]  }
0x2f: {  	lr =	sadd.s32 s0, s3;
	s0 =	sld [smem:$0x3FA0]  }
0x30: {  	s3 =	sld [smem:$0x3FA3]  }
0x31: {  	[smem:$0x3FAC] =	sst s10  }
0x32: {  	s10 =	sld [smem:$0x3FAA];
	_ =	sdelay $0x3  }
0x33: {  	p0 =	seq.s32 s10, $0x1;
	s10 =	sld [smem:$0x3FAC];
	_ =	sdelay $0x3  }
0x34: {  	[smem:$0x3FAC] =	sst s10  }
0x35: {  	s10 =	sld [smem:$0x3FAB];
	_ =	sdelay $0x3  }
0x36: {  	p1 =	seq.s32 s10, $0x1;
	s10 =	sld [smem:$0x3FAC];
	_ =	sdelay $0x3  }
0x37: {  	[smem:$0x3FAC] =	sst s10  }
0x38: {  	s10 =	sld [smem:$0x3FAD]  }
0x39: {  	_ = 	snop;
	(pc) =	sbr.ind lr, $3  }
0x3a: {  	_ = 	snop  }
0x3b: {  	_ = 	snop  }
0x3c: {  	p2 =	seq.s32 s10, $0x1;
	s10 =	sld [smem:$0x3FAC]  }
0x3d: {  	_ =	shalt  }
0x3e: {  	_ =	shalt  }
0x3f: {  	_ =	shalt  }
0x40: {  	_ =	shalt  }
0x41: {  	_ =	shalt  }
0x42: {  	_ =	shalt  }
0x43: {  	_ =	shalt  }
0x44: {  	_ =	shalt  }
0x45: {  	_ =	shalt  }
0x46: {  	_ =	shalt  }
0x47: {  	_ =	shalt  }
0x48: {  	_ =	shalt  }
0x49: {  	_ =	shalt  }
0x4a: {  	_ =	shalt  }
0x4b: {  	_ =	shalt  }
0x4c: {  	_ =	shalt  }
0x4d: {  	_ =	shalt  }
0x4e: {  	_ =	shalt  }
0x4f: {  	_ =	shalt  }
0x50: {  	_ =	shalt  }
0x51: {  	_ =	shalt  }
0x52: {  	_ =	shalt  }
0x53: {  	_ =	shalt  }
0x54: {  	_ =	shalt  }
0x55: {  	_ =	shalt  }
0x56: {  	_ =	shalt  }
0x57: {  	_ =	shalt  }
0x58: {  	_ =	shalt  }
0x59: {  	_ =	shalt  }
0x5a: {  	_ =	shalt  }
0x5b: {  	_ =	shalt  }
0x5c: {  	_ =	shalt  }
0x5d: {  	_ =	shalt  }
0x5e: {  	_ =	shalt  }
0x5f: {  	_ =	shalt  }
0x60: {  	_ =	shalt  }
0x61: {  	_ =	shalt  }
0x62: {  	_ =	shalt  }
0x63: {  	_ =	shalt  }
0x64: {  	_ =	shalt  }
0x65: {  	_ =	shalt  }
0x66: {  	_ =	shalt  }
0x67: {  	_ =	shalt  }
0x68: {  	_ =	shalt  }
0x69: {  	_ =	shalt  }
0x6a: {  	_ =	shalt  }
0x6b: {  	_ =	shalt  }
0x6c: {  	_ =	shalt  }
0x6d: {  	_ =	shalt  }
0x6e: {  	_ =	shalt  }
0x6f: {  	_ =	shalt  }
0x70: {  	_ =	shalt  }
0x71: {  	_ =	shalt  }
0x72: {  	_ =	shalt  }
0x73: {  	_ =	shalt  }
0x74: {  	_ =	shalt  }
0x75: {  	_ =	shalt  }
0x76: {  	_ =	shalt  }
0x77: {  	_ =	shalt  }
0x78: {  	_ =	shalt  }
0x79: {  	_ =	shalt  }
0x7a: {  	_ =	shalt  }
0x7b: {  	_ =	shalt  }
0x7c: {  	_ =	shalt  }
0x7d: {  	_ =	shalt  }
0x7e: {  	_ =	shalt  }
0x7f: {  	_ =	shalt  }
0x80: {  	_ =	shalt  }
0x81: {  	_ =	shalt  }
0x82: {  	_ =	shalt  }
0x83: {  	_ =	shalt  }
0x84: {  	_ =	shalt  }
0x85: {  	_ =	shalt  }
0x86: {  	_ =	shalt  }
0x87: {  	_ =	shalt  }
.Lfunc_end0:
.L_simem_size_0:
called_computation.1_lowered:
.L_overlay_start_0:
0x88: {  	s2 =	sld [smem:$0x3FD9]  }
0x89: {  	s3 =	sld [smem:$0x3FFE];
	_ =	sdelay $0x1  }
0x8a: {  	s1 =	srdreg.scid  }
0x8b: {  	s0 =	sand.u32 $0x1, s1  }
0x8c: {  	s16 =	sshll.u32 s0, $0xA;
	s2 =	sadd.s32 s3, s2  }
0x8d: {  	s2 =	sadd.s32 s2, s16  }
0x8e: {  	[smem:$0x3FB8] =	sst s2  }
0x8f: {  	_ = 	snop  }
0x90: {  	(tm) =	ssettm $0x1  }
0x91: {  	s17 =	sld [smem:$0x3FFB];
	_ =	sdelay $0x3  }
0x92: {  	_ =	strace s17  }
0x93: {  	s2 =	sld [smem:$0x3FFC];
	_ =	sdelay $0x3  }
0x94: {  	_ =	strace s2  }
0x95: {  	s2 =	sld [smem:$0x3FFD];
	_ =	sdelay $0x3  }
0x96: {  	_ =	strace s2  }
0x97: {  	_ =	strace $0x8FFFFFFF  }
0x98: {  	s18 =	sld [smem:$0x3FDB];
	_ =	sdelay $0x1  }
0x99: {  	s19 =	simm.s32 $_scs_section_size  }
0x9a: {  	s4 =	simm.s32 $_size__tile_overlayer_lowered;
	s5 =	simm.s32 $_tile_overlayer_lowered  }
0x9b: {  	s22 =	simm.s32 $0x1BFF;
	s21 =	sshll.u32 s5, $0x1;
	s2 =	sadd.s32 s19, s18  }
0x9c: {  	s6 =	simm.s32 $0x0;
	s20 =	sshll.u32 s4, $0x1;
	s4 =	sadd.s32 s21, s2  }
0x9d: {  	[timem:s6], [sflag:s22] =	dma.local [hbm:s4], s20  }
0x9e: {  	_ =	swait.ge [sflag:s22], s20  }
0x9f: {  	s3 =	ssub.s32 $0x0, s20;
	[sflag:s22] =	ssyncset.done $0x0  }
0xa0: {  	[sflag:s22] =	ssyncadd.s32 s3;
	_ =	sdelay $0x1  }
0xa1: {  	s23 =	simm.s32 $0x1B8B  }
0xa2: {  	_ =	swait.ge [sflag:s23], $0x1  }
0xa3: {  	[sflag:s23] =	ssyncset.done $0x0  }
0xa4: {  	s25 =	simm.s32 $0x1B8E;
	s24 =	sld [smem:$0x3FFE];
	[sflag:s23] =	ssyncadd.s32 $0xFFFFFFFF  }
0xa5: {  	s26 =	simm.s32 $execute0_lowered;
	[smem:$0x3FD2] =	sst s25  }
0xa6: {  	s4 =	sshll.u32 s26, $0x1;
	_ =	strace $0x80000049;
	[dreg:$0x1] =	wrdreg $0xFFFFFFFF  }
0xa7: {  	s28 =	simm.s32 $_size_execute0_lowered;
	s2 =	sadd.s32 s2, s4;
	[dreg:$0x0] =	wrdreg $0x0  }
0xa8: {  	s4 =	sshll.u32 s28, $0x1;
	[dreg:$0x2] =	wrdreg s2  }
0xa9: {  	[dreg:$0x3] =	wrdreg s4  }
0xaa: {  	[dreg:$0x4] =	wrdreg $0xC0  }
0xab: {  	_ =	task [dreg:s6], $0x5FFFF  }
0xac: {  	[dreg:$0x1] =	wrdreg $0xFFFFFFFF  }
0xad: {  	[dreg:$0x0] =	wrdreg $0x60  }
0xae: {  	[dreg:$0x2] =	wrdreg s24  }
0xaf: {  	[dreg:$0x3] =	wrdreg $0xA8000  }
0xb0: {  	[dreg:$0x4] =	wrdreg $0x148000  }
0xb1: {  	[dreg:$0x5] =	wrdreg $0x9  }
0xb2: {  	_ =	task.clear_ibuf [dreg:s6], $0x6FFFF;
	_ =	strace $0x90000049  }
0xb3: {  	s29 =	simm.s32 $0x9;
	_ =	strace $0x8000004B  }
0xb4: {  	_ =	swait.ge [sflag:s29], $0x1  }
0xb5: {  	[sflag:s29] =	ssyncadd.s32 $0xFFFFFFFF  }
0xb6: {  	_ =	strace $0x9000004B  }
0xb7: {  	_ =	sfence  }
0xb8: {  	s30 =	sld [smem:$0x0];
	_ =	sdelay $0x2  }
0xb9: {  	s31 =	sshll.u32 s1, $0xD;
	s1 =	sshrl.u32 s1, $0x2  }
0xba: {  	s3 =	sand.u32 $0x4000, s31;
	s1 =	sadd.s32 s1, s30  }
0xbb: {  	s0 =	sor.u32 s3, s0;
	s1 =	sshll.u32 s1, $0x11  }
0xbc: {  	s0 =	sor.u32 s1, s0  }
0xbd: {  	s0 =	sadd.s32 $0x8F2B, s0  }
0xbe: {  	[sflag:s0] =	ssyncadd.remote.s32 $0x1  }
0xbf: {  	_ =	sfence.sel $0xFFFF  }
0xc0: {  	[dreg:$0x0] =	wrdreg $0xFFFFFFFF;
	(pc) =	sbr.abs _section_cstart, $3  }
0xc1: {  	[dreg:$0x1] =	wrdreg $0xFFFFFFFF  }
0xc2: {  	_ =	task.clear_ibuf [dreg:s6], $0x2FFFF;
	_ =	strace $0x9FFFFFFF  }
0xc3: {  	(tm) =	ssettm $0x7FFFFFFF  }
tec
execute0_lowered:
.L_overlay_start_1:
0x0: {  	(tag) =	ssettag $0x1  }
0x1: {  	s1 =	rddreg [dreg:$0x0]  }
0x2: {  	s0 =	srdreg.scid;
	s2 =	rddreg [dreg:$0x1]  }
0x3: {  	s13 =	stileid.u32;
	s3 =	rddreg [dreg:$0x2]  }
0x4: {  	s18 =	simm.s32 $0x0;
	s16 =	simm.s32 $0x5;
	s28 =	simm.s32 $0x2  }
0x5: {  	s29 =	simm.s32 $0x3;
	s30 =	simm.s32 $0x4;
	s15 =	simm.s32 $0x2700  }
0x6: {  	s0 =	sand.u32 $0x1, s0;
	s4 =	smul.u32 $0xA000, s13;
	[smem:$0x7FF] =	sst s18  }
0x7: {  	s6 =	sadd.s32 $0x2A00, s1;
	s12 =	sshll.u32 s13, $0x6;
	s20 =	smul.u32 $0x5000, s13  }
0x8: {  	s13 =	simm.s32 $0x2580;
	s5 =	smul.u32 $0xA0000, s0;
	_ =	strace $0x8000004A  }
0x9: {  	s9 =	ssub.s32 $0x2, s0;
	s22 =	sor.u32 $0x1C05, s12;
	s19 =	smul.u32 $0x50000, s0  }
0xa: {  	p0 =	seq.s32 s0, $0x0;
	s0 =	simm.s32 $0x140000;
	s8 =	sshrl.u32 s4, $0x3  }
0xb: {  	s11 =	sshrl.u32 s9, $0x1;
	s17 =	sadd.s32 s4, s2;
	s21 =	sadd.s32 s4, s3  }
0xc: {  	s0 =	simm.s32 @!p0 $0x1E0000;
	[dreg:$0x6] =	wrdreg s22;
	s5 =	sadd.s32 s4, s5  }
0xd: {  	s10 =	sadd.s32 s8, s1;
	s9 =	ssub.s32 s9, s11;
	s12 =	sadd.s32 $0x14000, s8  }
0xe: {  	s0 =	sadd.s32 s0, s4;
	s26 =	sshrl.u32 s21, $0x3;
	s21 =	simm.s32 $0x4800  }
0xf: {  	s11 =	simm.s32 $0x2500;
	s5 =	sshrl.u32 s5, $0x3;
	s31 =	sadd.s32 $0x129A00, s10  }
0x10: {  	s10 =	sadd.s32 s20, s19;
	s12 =	smov.u32 @p0 s8;
	s0 =	sshrl.u32 s0, $0x3  }
0x11: {  	s24 =	smax.u32 s9, $0x1;
	[dreg:$0xd] =	wrdreg s26;
	s19 =	simm.s32 $0x80  }
0x12: {  	s20 =	simm.s32 $0x2800;
	s26 =	simm.s32 $0x1;
	s9 =	simm.s32 $0x1280  }
0x13: {  	s8 =	simm.s32 $0x2780;
	s7 =	sadd.s32 s5, s1;
	[dreg:$0x9] =	wrdreg s24  }
0x14: {  	s5 =	sadd.s32 $0x25A00, s1;
	s24 =	sshrl.u32 s17, $0x3;
	[dreg:$0x5] =	wrdreg s31  }
0x15: {  	s1 =	sadd.s32 $0x13DA00, s1;
	s14 =	sadd.s32 $0xD9A00, s7;
	[dreg:$0xc] =	wrdreg s24  }
0x16: {  	s17 =	simm.s32 $0x2680;
	s23 =	sadd.s32 $0x101A00, s7;
	[dreg:$0x7] =	wrdreg s14  }
0x17: {  	s25 =	sadd.s32 s1, s12;
	s0 =	sadd.s32 s1, s0;
	[dreg:$0x8] =	wrdreg s23  }
0x18: {  	s1 =	simm.s32 $0x1200;
	s12 =	simm.s32 $0x1300;
	[dreg:$0xa] =	wrdreg s25  }
0x19: {  	s7 =	simm.s32 $0x2600;
	[dreg:$0xb] =	wrdreg s0;
	s23 =	simm.s32 $0x6800  }
0x1a: {  	s25 =	simm.s32 $0x8800;
	s0 =	simm.s32 $0x2480;
	s14 =	simm.s32 $0x1380  }
.LBB2_1:
0x1b: {  	[dreg:$0x4] =	wrdreg s18  }
0x1c: {  	[spmem:s24], [sflag:s22] =	dma.local [hbm:s31], $0x1400  }
0x1d: {  	_ =	swait.ge [sflag:s16], $0x1400  }
0x1e: {  	[sflag:s16] =	ssyncset.done $0x0;
	s4 =	rddreg [dreg:$0x7]  }
0x1f: {  	s24 =	rddreg [dreg:$0xd];
	[sflag:s16] =	ssyncadd.s32 $0xFFFFEC00  }
0x20: {  	[spmem:s24], [sflag:s22] =	dma.local [hbm:s4], $0x1400  }
0x21: {  	_ =	swait.ge [sflag:s16], $0x1400  }
0x22: {  	[sflag:s16] =	ssyncset.done $0x0  }
0x23: {  	[sflag:s16] =	ssyncadd.s32 $0xFFFFEC00  }
0x24: {  	s4 =	simm.s32 $0x0;
	[bflag:$0x0] =	sbarrier.arrive $0xFFFF  }
.LBB2_2:
0x25: {  	s18 =	smul.u32 $0x1400, s4;
	_ =	sdelay $0x1  }
0x26: {  	s18 =	sadd.s32 s18, s10  }
0x27: {  	s18 =	sshrl.u32 s18, $0x3  }
0x28: {  	s24 =	simm.s32 $0x0;
	s22 =	sadd.s32 s5, s18  }
0x29: {  	[tilespmem:s24], [sflag:$0x5] =	stream.linear.gather [hbm4b:s22+s24], $0x1400, $0x38;
	[tilespmem:$0x1E800] =	vst v63  }
0x2a: {  	_ =	swait.ge [sflag:s16], $0x1400  }
0x2b: {  	[sflag:s16] =	ssyncset.done $0x0  }
0x2c: {  	s18 =	sadd.s32 s6, s18;
	s22 =	simm.s32 $0x1400;
	[sflag:s16] =	ssyncadd.s32 $0xFFFFEC00  }
0x2d: {  	[tilespmem:s22], [sflag:$0x5] =	stream.linear.gather [hbm4b:s18+s24], $0x1400, $0x38;
	[tilespmem:$0x1E800] =	vst v63  }
0x2e: {  	_ =	swait.ge [sflag:s16], $0x1400  }
0x2f: {  	[sflag:s16] =	ssyncset.done $0x0  }
0x30: {  	[sflag:s16] =	ssyncadd.s32 $0xFFFFEC00  }
0x31: {  	[tilespmem:s20], [sflag:$0x1] =	stream.indirect.gather [spmem:s3], $0x40, s24, s19, $0xb8;
	[tilespmem:$0x1E800] =	vst v63  }
0x32: {  	_ = 	snop  }
0x33: {  	[tilespmem:s21], [sflag:$0x2] =	stream.indirect.gather [spmem:s3], $0x40, s19, s19, $0xb8;
	[tilespmem:$0x1E800] =	vst v63  }
0x34: {  	s24 =	simm.s32 $0x100  }
0x35: {  	[tilespmem:s23], [sflag:$0x3] =	stream.indirect.gather [spmem:s3], $0x40, s24, s19, $0xb8;
	[tilespmem:$0x1E800] =	vst v63  }
0x36: {  	s22 =	simm.s32 $0x180  }
0x37: {  	[tilespmem:s25], [sflag:$0x4] =	stream.indirect.gather [spmem:s3], $0x40, s22, s19, $0xb8;
	[tilespmem:$0x1E800] =	vst v63  }
0x38: {  	_ =	swait.ge [sflag:s26], $0x2000  }
0x39: {  	[sflag:s26] =	ssyncset.done $0x0  }
0x3a: {  	s24 =	simm.s32 $0x1400;
	[sflag:s26] =	ssyncadd.s32 $0xFFFFE000  }
0x3b: {  	[spmem:s2] =	stream.indirect.scatter.add.f32 [tilespmem:s20], [sflag:$0x5], $0x40, s24, s19, $0xb8;
	[tilespmem:$0x1E800] =	vst v63  }
0x3c: {  	_ =	swait.ge [sflag:s16], $0x2000  }
0x3d: {  	[sflag:s16] =	ssyncset.done $0x0  }
0x3e: {  	s22 =	simm.s32 $0x200;
	[sflag:s16] =	ssyncadd.s32 $0xFFFFE000  }
0x3f: {  	[tilespmem:s20], [sflag:$0x1] =	stream.indirect.gather [spmem:s3], $0x40, s22, s19, $0xb8;
	[tilespmem:$0x1E800] =	vst v63  }
0x40: {  	_ =	swait.ge [sflag:s28], $0x2000  }
0x41: {  	[sflag:s28] =	ssyncset.done $0x0  }
0x42: {  	s24 =	simm.s32 $0x1480;
	[sflag:s28] =	ssyncadd.s32 $0xFFFFE000  }
0x43: {  	[spmem:s2] =	stream.indirect.scatter.add.f32 [tilespmem:s21], [sflag:$0x5], $0x40, s24, s19, $0xb8;
	[tilespmem:$0x1E800] =	vst v63  }
0x44: {  	_ =	swait.ge [sflag:s16], $0x2000  }
0x45: {  	[sflag:s16] =	ssyncset.done $0x0  }
0x46: {  	s22 =	simm.s32 $0x280;
	[sflag:s16] =	ssyncadd.s32 $0xFFFFE000  }
0x47: {  	[tilespmem:s21], [sflag:$0x2] =	stream.indirect.gather [spmem:s3], $0x40, s22, s19, $0xb8;
	[tilespmem:$0x1E800] =	vst v63  }
0x48: {  	_ =	swait.ge [sflag:s29], $0x2000  }
0x49: {  	[sflag:s29] =	ssyncset.done $0x0  }
0x4a: {  	s24 =	simm.s32 $0x1500;
	[sflag:s29] =	ssyncadd.s32 $0xFFFFE000  }
0x4b: {  	[spmem:s2] =	stream.indirect.scatter.add.f32 [tilespmem:s23], [sflag:$0x5], $0x40, s24, s19, $0xb8;
	[tilespmem:$0x1E800] =	vst v63  }
0x4c: {  	_ =	swait.ge [sflag:s16], $0x2000  }
0x4d: {  	[sflag:s16] =	ssyncset.done $0x0  }
0x4e: {  	s22 =	simm.s32 $0x300;
	[sflag:s16] =	ssyncadd.s32 $0xFFFFE000  }
0x4f: {  	[tilespmem:s23], [sflag:$0x3] =	stream.indirect.gather [spmem:s3], $0x40, s22, s19, $0xb8;
	[tilespmem:$0x1E800] =	vst v63  }
0x50: {  	_ =	swait.ge [sflag:s30], $0x2000  }
0x51: {  	[sflag:s30] =	ssyncset.done $0x0  }
0x52: {  	s24 =	simm.s32 $0x1580;
	[sflag:s30] =	ssyncadd.s32 $0xFFFFE000  }
0x53: {  	[spmem:s2] =	stream.indirect.scatter.add.f32 [tilespmem:s25], [sflag:$0x5], $0x40, s24, s19, $0xb8;
	[tilespmem:$0x1E800] =	vst v63  }
0x54: {  	_ =	swait.ge [sflag:s16], $0x2000  }
0x55: {  	[sflag:s16] =	ssyncset.done $0x0  }
0x56: {  	s18 =	simm.s32 $0x800;
	s22 =	simm.s32 $0x380;
	[sflag:s16] =	ssyncadd.s32 $0xFFFFE000  }
.LBB2_3:
0x57: {  	[tilespmem:s25], [sflag:$0x4] =	stream.indirect.gather [spmem:s3], $0x40, s22, s19, $0xb8;
	[tilespmem:$0x1E800] =	vst v63  }
0x58: {  	s22 =	smov.u32 s18  }
0x59: {  	p0 =	sne.s32 s18, $0x3800;
	s18 =	sadd.s32 $0x800, s18;
	_ =	swait.ge [sflag:s26], $0x2000  }
0x5a: {  	s22 =	sshra.s32 s22, $0x2;
	[sflag:s26] =	ssyncset.done $0x0  }
0x5b: {  	s24 =	sadd.s32 $0x1400, s22;
	[sflag:s26] =	ssyncadd.s32 $0xFFFFE000  }
0x5c: {  	[spmem:s2] =	stream.indirect.scatter.add.f32 [tilespmem:s20], [sflag:$0x5], $0x40, s24, s19, $0xb8;
	[tilespmem:$0x1E800] =	vst v63  }
0x5d: {  	_ =	swait.ge [sflag:s16], $0x2000  }
0x5e: {  	[sflag:s16] =	ssyncset.done $0x0  }
0x5f: {  	s24 =	sadd.s32 $0x200, s22;
	[sflag:s16] =	ssyncadd.s32 $0xFFFFE000  }
0x60: {  	[tilespmem:s20], [sflag:$0x1] =	stream.indirect.gather [spmem:s3], $0x40, s24, s19, $0xb8;
	[tilespmem:$0x1E800] =	vst v63  }
0x61: {  	_ =	swait.ge [sflag:s28], $0x2000  }
0x62: {  	[sflag:s28] =	ssyncset.done $0x0  }
0x63: {  	s24 =	sadd.s32 $0x1480, s22;
	[sflag:s28] =	ssyncadd.s32 $0xFFFFE000  }
0x64: {  	[spmem:s2] =	stream.indirect.scatter.add.f32 [tilespmem:s21], [sflag:$0x5], $0x40, s24, s19, $0xb8;
	[tilespmem:$0x1E800] =	vst v63  }
0x65: {  	_ =	swait.ge [sflag:s16], $0x2000  }
0x66: {  	[sflag:s16] =	ssyncset.done $0x0  }
0x67: {  	s24 =	sadd.s32 $0x280, s22;
	[sflag:s16] =	ssyncadd.s32 $0xFFFFE000  }
0x68: {  	[tilespmem:s21], [sflag:$0x2] =	stream.indirect.gather [spmem:s3], $0x40, s24, s19, $0xb8;
	[tilespmem:$0x1E800] =	vst v63  }
0x69: {  	_ =	swait.ge [sflag:s29], $0x2000  }
0x6a: {  	[sflag:s29] =	ssyncset.done $0x0  }
0x6b: {  	s24 =	sadd.s32 $0x1500, s22;
	[sflag:s29] =	ssyncadd.s32 $0xFFFFE000  }
0x6c: {  	[spmem:s2] =	stream.indirect.scatter.add.f32 [tilespmem:s23], [sflag:$0x5], $0x40, s24, s19, $0xb8;
	[tilespmem:$0x1E800] =	vst v63  }
0x6d: {  	_ =	swait.ge [sflag:s16], $0x2000  }
0x6e: {  	[sflag:s16] =	ssyncset.done $0x0  }
0x6f: {  	s24 =	sadd.s32 $0x300, s22;
	[sflag:s16] =	ssyncadd.s32 $0xFFFFE000  }
0x70: {  	[tilespmem:s23], [sflag:$0x3] =	stream.indirect.gather [spmem:s3], $0x40, s24, s19, $0xb8;
	[tilespmem:$0x1E800] =	vst v63  }
0x71: {  	_ =	swait.ge [sflag:s30], $0x2000  }
0x72: {  	[sflag:s30] =	ssyncset.done $0x0  }
.Ltmp0:
0x73: {  	s24 =	sadd.s32 $0x1580, s22;
	[sflag:s30] =	ssyncadd.s32 $0xFFFFE000;
	(pc) =	sbr.rel @p0 .LBB2_3-.Ltmp0, $4  }
0x74: {  	[spmem:s2] =	stream.indirect.scatter.add.f32 [tilespmem:s25], [sflag:$0x5], $0x40, s24, s19, $0xb8;
	[tilespmem:$0x1E800] =	vst v63  }
0x75: {  	_ =	swait.ge [sflag:s16], $0x2000  }
0x76: {  	[sflag:s16] =	ssyncset.done $0x0  }
0x77: {  	s22 =	sadd.s32 $0x380, s22;
	[sflag:s16] =	ssyncadd.s32 $0xFFFFE000  }
0x78: {  	[tilespmem:s25], [sflag:$0x4] =	stream.indirect.gather [spmem:s3], $0x40, s22, s19, $0xb8;
	[tilespmem:$0x1E800] =	vst v63  }
0x79: {  	_ =	swait.ge [sflag:s26], $0x2000  }
0x7a: {  	[sflag:s26] =	ssyncset.done $0x0  }
0x7b: {  	s18 =	simm.s32 $0x2400;
	[sflag:s26] =	ssyncadd.s32 $0xFFFFE000  }
0x7c: {  	[spmem:s2] =	stream.indirect.scatter.add.f32 [tilespmem:s20], [sflag:$0x5], $0x40, s18, s19, $0xb8;
	[tilespmem:$0x1E800] =	vst v63  }
0x7d: {  	_ =	swait.ge [sflag:s16], $0x2000  }
0x7e: {  	[sflag:s16] =	ssyncset.done $0x0  }
0x7f: {  	[sflag:s16] =	ssyncadd.s32 $0xFFFFE000  }
0x80: {  	[tilespmem:s20], [sflag:$0x1] =	stream.indirect.gather [spmem:s3], $0x40, s1, s19, $0xb8;
	[tilespmem:$0x1E800] =	vst v63  }
0x81: {  	_ =	swait.ge [sflag:s28], $0x2000  }
0x82: {  	[sflag:s28] =	ssyncset.done $0x0  }
0x83: {  	[sflag:s28] =	ssyncadd.s32 $0xFFFFE000  }
0x84: {  	[spmem:s2] =	stream.indirect.scatter.add.f32 [tilespmem:s21], [sflag:$0x5], $0x40, s0, s19, $0xb8;
	[tilespmem:$0x1E800] =	vst v63  }
0x85: {  	_ =	swait.ge [sflag:s16], $0x2000  }
0x86: {  	[sflag:s16] =	ssyncset.done $0x0  }
0x87: {  	[sflag:s16] =	ssyncadd.s32 $0xFFFFE000  }
0x88: {  	[tilespmem:s21], [sflag:$0x2] =	stream.indirect.gather [spmem:s3], $0x40, s9, s19, $0xb8;
	[tilespmem:$0x1E800] =	vst v63  }
0x89: {  	_ =	swait.ge [sflag:s29], $0x2000  }
0x8a: {  	[sflag:s29] =	ssyncset.done $0x0  }
0x8b: {  	[sflag:s29] =	ssyncadd.s32 $0xFFFFE000  }
0x8c: {  	[spmem:s2] =	stream.indirect.scatter.add.f32 [tilespmem:s23], [sflag:$0x5], $0x40, s11, s19, $0xb8;
	[tilespmem:$0x1E800] =	vst v63  }
0x8d: {  	_ =	swait.ge [sflag:s16], $0x2000  }
0x8e: {  	[sflag:s16] =	ssyncset.done $0x0  }
0x8f: {  	[sflag:s16] =	ssyncadd.s32 $0xFFFFE000  }
0x90: {  	[tilespmem:s23], [sflag:$0x3] =	stream.indirect.gather [spmem:s3], $0x40, s12, s19, $0xb8;
	[tilespmem:$0x1E800] =	vst v63  }
0x91: {  	_ =	swait.ge [sflag:s30], $0x2000  }
0x92: {  	[sflag:s30] =	ssyncset.done $0x0  }
0x93: {  	[sflag:s30] =	ssyncadd.s32 $0xFFFFE000  }
0x94: {  	[spmem:s2] =	stream.indirect.scatter.add.f32 [tilespmem:s25], [sflag:$0x5], $0x40, s13, s19, $0xb8;
	[tilespmem:$0x1E800] =	vst v63  }
0x95: {  	_ =	swait.ge [sflag:s16], $0x2000  }
0x96: {  	[sflag:s16] =	ssyncset.done $0x0  }
0x97: {  	[sflag:s16] =	ssyncadd.s32 $0xFFFFE000  }
0x98: {  	[tilespmem:s25], [sflag:$0x4] =	stream.indirect.gather [spmem:s3], $0x40, s14, s19, $0xb8;
	[tilespmem:$0x1E800] =	vst v63  }
0x99: {  	_ =	swait.ge [sflag:s26], $0x2000  }
0x9a: {  	[sflag:s26] =	ssyncset.done $0x0  }
0x9b: {  	[sflag:s26] =	ssyncadd.s32 $0xFFFFE000  }
0x9c: {  	[spmem:s2] =	stream.indirect.scatter.add.f32 [tilespmem:s20], [sflag:$0x5], $0x40, s7, s19, $0xb8;
	[tilespmem:$0x1E800] =	vst v63  }
0x9d: {  	_ =	swait.ge [sflag:s16], $0x2000  }
0x9e: {  	[sflag:s16] =	ssyncset.done $0x0  }
0x9f: {  	[sflag:s16] =	ssyncadd.s32 $0xFFFFE000  }
0xa0: {  	[tilespmem:s20], [sflag:$0x1] =	stream.indirect.gather [spmem:s3], $0x40, s14, s19, $0xb8;
	[tilespmem:$0x1E800] =	vst v63  }
0xa1: {  	_ =	swait.ge [sflag:s28], $0x2000  }
0xa2: {  	[sflag:s28] =	ssyncset.done $0x0  }
0xa3: {  	[sflag:s28] =	ssyncadd.s32 $0xFFFFE000  }
0xa4: {  	[spmem:s2] =	stream.indirect.scatter.add.f32 [tilespmem:s21], [sflag:$0x5], $0x40, s17, s19, $0xb8;
	[tilespmem:$0x1E800] =	vst v63  }
0xa5: {  	_ =	swait.ge [sflag:s16], $0x2000  }
0xa6: {  	[sflag:s16] =	ssyncset.done $0x0  }
0xa7: {  	[sflag:s16] =	ssyncadd.s32 $0xFFFFE000  }
0xa8: {  	[tilespmem:s21], [sflag:$0x2] =	stream.indirect.gather [spmem:s3], $0x40, s14, s19, $0xb8;
	[tilespmem:$0x1E800] =	vst v63  }
0xa9: {  	_ =	swait.ge [sflag:s29], $0x2000  }
0xaa: {  	[sflag:s29] =	ssyncset.done $0x0  }
0xab: {  	[sflag:s29] =	ssyncadd.s32 $0xFFFFE000  }
0xac: {  	[spmem:s2] =	stream.indirect.scatter.add.f32 [tilespmem:s23], [sflag:$0x5], $0x40, s15, s19, $0xb8;
	[tilespmem:$0x1E800] =	vst v63  }
0xad: {  	_ =	swait.ge [sflag:s16], $0x2000  }
0xae: {  	[sflag:s16] =	ssyncset.done $0x0  }
0xaf: {  	[sflag:s16] =	ssyncadd.s32 $0xFFFFE000  }
0xb0: {  	[tilespmem:s23], [sflag:$0x3] =	stream.indirect.gather [spmem:s3], $0x40, s14, s19, $0xb8;
	[tilespmem:$0x1E800] =	vst v63  }
0xb1: {  	_ =	swait.ge [sflag:s30], $0x2000  }
0xb2: {  	[sflag:s30] =	ssyncset.done $0x0  }
0xb3: {  	[sflag:s30] =	ssyncadd.s32 $0xFFFFE000  }
0xb4: {  	[spmem:s2] =	stream.indirect.scatter.add.f32 [tilespmem:s25], [sflag:$0x5], $0x40, s8, s19, $0xb8;
	[tilespmem:$0x1E800] =	vst v63  }
0xb5: {  	_ =	swait.ge [sflag:s16], $0x2000  }
0xb6: {  	[sflag:s16] =	ssyncset.done $0x0  }
0xb7: {  	[sflag:s16] =	ssyncadd.s32 $0xFFFFE000  }
0xb8: {  	[tilespmem:s25], [sflag:$0x4] =	stream.indirect.gather [spmem:s3], $0x40, s14, s19, $0xb8;
	[tilespmem:$0x1E800] =	vst v63  }
0xb9: {  	_ =	swait.ge [sflag:s26], $0x2000  }
0xba: {  	[sflag:s26] =	ssyncset.done $0x0  }
0xbb: {  	[sflag:s26] =	ssyncadd.s32 $0xFFFFE000  }
0xbc: {  	_ =	swait.ge [sflag:s28], $0x2000  }
0xbd: {  	[sflag:s28] =	ssyncset.done $0x0  }
0xbe: {  	s4 =	sadd.s32 $0x1, s4;
	[sflag:s28] =	ssyncadd.s32 $0xFFFFE000  }
0xbf: {  	p0 =	sne.s32 s4, $0x4;
	_ =	swait.ge [sflag:s29], $0x2000  }
.Ltmp1:
0xc0: {  	[sflag:s29] =	ssyncset.done $0x0;
	(pc) =	sbr.rel @p0 .LBB2_2-.Ltmp1, $4  }
0xc1: {  	[sflag:s29] =	ssyncadd.s32 $0xFFFFE000  }
0xc2: {  	_ =	swait.ge [sflag:s30], $0x2000  }
0xc3: {  	[sflag:s30] =	ssyncset.done $0x0  }
0xc4: {  	[sflag:s30] =	ssyncadd.s32 $0xFFFFE000  }
0xc5: {  	[bflag:$0x0] =	sbarrier.arrive $0xFFFF  }
0xc6: {  	s4 =	rddreg [dreg:$0x6]  }
0xc7: {  	s18 =	rddreg [dreg:$0xa]  }
0xc8: {  	s22 =	rddreg [dreg:$0xc]  }
0xc9: {  	[hbm:s18], [sflag:s4] =	dma.local [spmem:s22], $0x1400  }
0xca: {  	_ =	swait.ge [sflag:s16], $0x1400  }
0xcb: {  	[sflag:s16] =	ssyncset.done $0x0  }
0xcc: {  	[sflag:s16] =	ssyncadd.s32 $0xFFFFEC00  }
0xcd: {  	[spmem:s22], [sflag:s4] =	dma.local [hbm:s31], $0x1400  }
0xce: {  	_ =	swait.ge [sflag:s16], $0x1400  }
0xcf: {  	[sflag:s16] =	ssyncset.done $0x0;
	s24 =	rddreg [dreg:$0x8]  }
0xd0: {  	s31 =	rddreg [dreg:$0xd];
	[sflag:s16] =	ssyncadd.s32 $0xFFFFEC00  }
0xd1: {  	[spmem:s31], [sflag:s4] =	dma.local [hbm:s24], $0x1400  }
0xd2: {  	_ =	swait.ge [sflag:s16], $0x1400  }
0xd3: {  	[sflag:s16] =	ssyncset.done $0x0  }
0xd4: {  	[sflag:s16] =	ssyncadd.s32 $0xFFFFEC00  }
0xd5: {  	s18 =	simm.s32 $0x0;
	s4 =	simm.s32 $0x0;
	[bflag:$0x0] =	sbarrier.arrive $0xFFFF  }
.LBB2_6:
0xd6: {  	s22 =	smul.u32 $0x1400, s18;
	_ =	sdelay $0x1  }
0xd7: {  	s22 =	sadd.s32 s22, s10  }
0xd8: {  	s22 =	sshrl.u32 s22, $0x3  }
0xd9: {  	s24 =	sadd.s32 s5, s22  }
0xda: {  	[tilespmem:s4], [sflag:$0x5] =	stream.linear.gather [hbm4b:s24+s4], $0x1400, $0x38;
	[tilespmem:$0x1E800] =	vst v63  }
0xdb: {  	_ =	swait.ge [sflag:s16], $0x1400  }
0xdc: {  	[sflag:s16] =	ssyncset.done $0x0  }
0xdd: {  	s31 =	simm.s32 $0x1400;
	s22 =	sadd.s32 s6, s22;
	[sflag:s16] =	ssyncadd.s32 $0xFFFFEC00  }
0xde: {  	[tilespmem:s31], [sflag:$0x5] =	stream.linear.gather [hbm4b:s22+s4], $0x1400, $0x38;
	[tilespmem:$0x1E800] =	vst v63  }
0xdf: {  	_ =	swait.ge [sflag:s16], $0x1400  }
0xe0: {  	[sflag:s16] =	ssyncset.done $0x0  }
0xe1: {  	[sflag:s16] =	ssyncadd.s32 $0xFFFFEC00  }
0xe2: {  	[tilespmem:s20], [sflag:$0x1] =	stream.indirect.gather [spmem:s3], $0x40, s4, s19, $0xb8;
	[tilespmem:$0x1E800] =	vst v63  }
0xe3: {  	_ = 	snop  }
0xe4: {  	[tilespmem:s21], [sflag:$0x2] =	stream.indirect.gather [spmem:s3], $0x40, s19, s19, $0xb8;
	[tilespmem:$0x1E800] =	vst v63  }
0xe5: {  	s31 =	simm.s32 $0x100  }
0xe6: {  	[tilespmem:s23], [sflag:$0x3] =	stream.indirect.gather [spmem:s3], $0x40, s31, s19, $0xb8;
	[tilespmem:$0x1E800] =	vst v63  }
0xe7: {  	s24 =	simm.s32 $0x180  }
0xe8: {  	[tilespmem:s25], [sflag:$0x4] =	stream.indirect.gather [spmem:s3], $0x40, s24, s19, $0xb8;
	[tilespmem:$0x1E800] =	vst v63  }
0xe9: {  	_ =	swait.ge [sflag:s26], $0x2000  }
0xea: {  	[sflag:s26] =	ssyncset.done $0x0  }
0xeb: {  	s31 =	simm.s32 $0x1400;
	[sflag:s26] =	ssyncadd.s32 $0xFFFFE000  }
0xec: {  	[spmem:s2] =	stream.indirect.scatter.add.f32 [tilespmem:s20], [sflag:$0x5], $0x40, s31, s19, $0xb8;
	[tilespmem:$0x1E800] =	vst v63  }
0xed: {  	_ =	swait.ge [sflag:s16], $0x2000  }
0xee: {  	[sflag:s16] =	ssyncset.done $0x0  }
0xef: {  	s24 =	simm.s32 $0x200;
	[sflag:s16] =	ssyncadd.s32 $0xFFFFE000  }
0xf0: {  	[tilespmem:s20], [sflag:$0x1] =	stream.indirect.gather [spmem:s3], $0x40, s24, s19, $0xb8;
	[tilespmem:$0x1E800] =	vst v63  }
0xf1: {  	_ =	swait.ge [sflag:s28], $0x2000  }
0xf2: {  	[sflag:s28] =	ssyncset.done $0x0  }
0xf3: {  	s31 =	simm.s32 $0x1480;
	[sflag:s28] =	ssyncadd.s32 $0xFFFFE000  }
0xf4: {  	[spmem:s2] =	stream.indirect.scatter.add.f32 [tilespmem:s21], [sflag:$0x5], $0x40, s31, s19, $0xb8;
	[tilespmem:$0x1E800] =	vst v63  }
0xf5: {  	_ =	swait.ge [sflag:s16], $0x2000  }
0xf6: {  	[sflag:s16] =	ssyncset.done $0x0  }
0xf7: {  	s24 =	simm.s32 $0x280;
	[sflag:s16] =	ssyncadd.s32 $0xFFFFE000  }
0xf8: {  	[tilespmem:s21], [sflag:$0x2] =	stream.indirect.gather [spmem:s3], $0x40, s24, s19, $0xb8;
	[tilespmem:$0x1E800] =	vst v63  }
0xf9: {  	_ =	swait.ge [sflag:s29], $0x2000  }
0xfa: {  	[sflag:s29] =	ssyncset.done $0x0  }
0xfb: {  	s31 =	simm.s32 $0x1500;
	[sflag:s29] =	ssyncadd.s32 $0xFFFFE000  }
0xfc: {  	[spmem:s2] =	stream.indirect.scatter.add.f32 [tilespmem:s23], [sflag:$0x5], $0x40, s31, s19, $0xb8;
	[tilespmem:$0x1E800] =	vst v63  }
0xfd: {  	_ =	swait.ge [sflag:s16], $0x2000  }
0xfe: {  	[sflag:s16] =	ssyncset.done $0x0  }
0xff: {  	s24 =	simm.s32 $0x300;
	[sflag:s16] =	ssyncadd.s32 $0xFFFFE000  }
0x100: {  	[tilespmem:s23], [sflag:$0x3] =	stream.indirect.gather [spmem:s3], $0x40, s24, s19, $0xb8;
	[tilespmem:$0x1E800] =	vst v63  }
0x101: {  	_ =	swait.ge [sflag:s30], $0x2000  }
0x102: {  	[sflag:s30] =	ssyncset.done $0x0  }
0x103: {  	s31 =	simm.s32 $0x1580;
	[sflag:s30] =	ssyncadd.s32 $0xFFFFE000  }
0x104: {  	[spmem:s2] =	stream.indirect.scatter.add.f32 [tilespmem:s25], [sflag:$0x5], $0x40, s31, s19, $0xb8;
	[tilespmem:$0x1E800] =	vst v63  }
0x105: {  	_ =	swait.ge [sflag:s16], $0x2000  }
0x106: {  	[sflag:s16] =	ssyncset.done $0x0  }
0x107: {  	s22 =	simm.s32 $0x800;
	s24 =	simm.s32 $0x380;
	[sflag:s16] =	ssyncadd.s32 $0xFFFFE000  }
.LBB2_7:
0x108: {  	[tilespmem:s25], [sflag:$0x4] =	stream.indirect.gather [spmem:s3], $0x40, s24, s19, $0xb8;
	[tilespmem:$0x1E800] =	vst v63  }
0x109: {  	s24 =	smov.u32 s22  }
0x10a: {  	p0 =	sne.s32 s22, $0x3800;
	s22 =	sadd.s32 $0x800, s22;
	_ =	swait.ge [sflag:s26], $0x2000  }
0x10b: {  	s24 =	sshra.s32 s24, $0x2;
	[sflag:s26] =	ssyncset.done $0x0  }
0x10c: {  	s31 =	sadd.s32 $0x1400, s24;
	[sflag:s26] =	ssyncadd.s32 $0xFFFFE000  }
0x10d: {  	[spmem:s2] =	stream.indirect.scatter.add.f32 [tilespmem:s20], [sflag:$0x5], $0x40, s31, s19, $0xb8;
	[tilespmem:$0x1E800] =	vst v63  }
0x10e: {  	_ =	swait.ge [sflag:s16], $0x2000  }
0x10f: {  	[sflag:s16] =	ssyncset.done $0x0  }
0x110: {  	s31 =	sadd.s32 $0x200, s24;
	[sflag:s16] =	ssyncadd.s32 $0xFFFFE000  }
0x111: {  	[tilespmem:s20], [sflag:$0x1] =	stream.indirect.gather [spmem:s3], $0x40, s31, s19, $0xb8;
	[tilespmem:$0x1E800] =	vst v63  }
0x112: {  	_ =	swait.ge [sflag:s28], $0x2000  }
0x113: {  	[sflag:s28] =	ssyncset.done $0x0  }
0x114: {  	s31 =	sadd.s32 $0x1480, s24;
	[sflag:s28] =	ssyncadd.s32 $0xFFFFE000  }
0x115: {  	[spmem:s2] =	stream.indirect.scatter.add.f32 [tilespmem:s21], [sflag:$0x5], $0x40, s31, s19, $0xb8;
	[tilespmem:$0x1E800] =	vst v63  }
0x116: {  	_ =	swait.ge [sflag:s16], $0x2000  }
0x117: {  	[sflag:s16] =	ssyncset.done $0x0  }
0x118: {  	s31 =	sadd.s32 $0x280, s24;
	[sflag:s16] =	ssyncadd.s32 $0xFFFFE000  }
0x119: {  	[tilespmem:s21], [sflag:$0x2] =	stream.indirect.gather [spmem:s3], $0x40, s31, s19, $0xb8;
	[tilespmem:$0x1E800] =	vst v63  }
0x11a: {  	_ =	swait.ge [sflag:s29], $0x2000  }
0x11b: {  	[sflag:s29] =	ssyncset.done $0x0  }
0x11c: {  	s31 =	sadd.s32 $0x1500, s24;
	[sflag:s29] =	ssyncadd.s32 $0xFFFFE000  }
0x11d: {  	[spmem:s2] =	stream.indirect.scatter.add.f32 [tilespmem:s23], [sflag:$0x5], $0x40, s31, s19, $0xb8;
	[tilespmem:$0x1E800] =	vst v63  }
0x11e: {  	_ =	swait.ge [sflag:s16], $0x2000  }
0x11f: {  	[sflag:s16] =	ssyncset.done $0x0  }
0x120: {  	s31 =	sadd.s32 $0x300, s24;
	[sflag:s16] =	ssyncadd.s32 $0xFFFFE000  }
0x121: {  	[tilespmem:s23], [sflag:$0x3] =	stream.indirect.gather [spmem:s3], $0x40, s31, s19, $0xb8;
	[tilespmem:$0x1E800] =	vst v63  }
0x122: {  	_ =	swait.ge [sflag:s30], $0x2000  }
0x123: {  	[sflag:s30] =	ssyncset.done $0x0  }
.Ltmp2:
0x124: {  	s31 =	sadd.s32 $0x1580, s24;
	[sflag:s30] =	ssyncadd.s32 $0xFFFFE000;
	(pc) =	sbr.rel @p0 .LBB2_7-.Ltmp2, $4  }
0x125: {  	[spmem:s2] =	stream.indirect.scatter.add.f32 [tilespmem:s25], [sflag:$0x5], $0x40, s31, s19, $0xb8;
	[tilespmem:$0x1E800] =	vst v63  }
0x126: {  	_ =	swait.ge [sflag:s16], $0x2000  }
0x127: {  	[sflag:s16] =	ssyncset.done $0x0  }
0x128: {  	s24 =	sadd.s32 $0x380, s24;
	[sflag:s16] =	ssyncadd.s32 $0xFFFFE000  }
0x129: {  	[tilespmem:s25], [sflag:$0x4] =	stream.indirect.gather [spmem:s3], $0x40, s24, s19, $0xb8;
	[tilespmem:$0x1E800] =	vst v63  }
0x12a: {  	_ =	swait.ge [sflag:s26], $0x2000  }
0x12b: {  	[sflag:s26] =	ssyncset.done $0x0  }
0x12c: {  	s22 =	simm.s32 $0x2400;
	[sflag:s26] =	ssyncadd.s32 $0xFFFFE000  }
0x12d: {  	[spmem:s2] =	stream.indirect.scatter.add.f32 [tilespmem:s20], [sflag:$0x5], $0x40, s22, s19, $0xb8;
	[tilespmem:$0x1E800] =	vst v63  }
0x12e: {  	_ =	swait.ge [sflag:s16], $0x2000  }
0x12f: {  	[sflag:s16] =	ssyncset.done $0x0  }
0x130: {  	[sflag:s16] =	ssyncadd.s32 $0xFFFFE000  }
0x131: {  	[tilespmem:s20], [sflag:$0x1] =	stream.indirect.gather [spmem:s3], $0x40, s1, s19, $0xb8;
	[tilespmem:$0x1E800] =	vst v63  }
0x132: {  	_ =	swait.ge [sflag:s28], $0x2000  }
0x133: {  	[sflag:s28] =	ssyncset.done $0x0  }
0x134: {  	[sflag:s28] =	ssyncadd.s32 $0xFFFFE000  }
0x135: {  	[spmem:s2] =	stream.indirect.scatter.add.f32 [tilespmem:s21], [sflag:$0x5], $0x40, s0, s19, $0xb8;
	[tilespmem:$0x1E800] =	vst v63  }
0x136: {  	_ =	swait.ge [sflag:s16], $0x2000  }
0x137: {  	[sflag:s16] =	ssyncset.done $0x0  }
0x138: {  	[sflag:s16] =	ssyncadd.s32 $0xFFFFE000  }
0x139: {  	[tilespmem:s21], [sflag:$0x2] =	stream.indirect.gather [spmem:s3], $0x40, s9, s19, $0xb8;
	[tilespmem:$0x1E800] =	vst v63  }
0x13a: {  	_ =	swait.ge [sflag:s29], $0x2000  }
0x13b: {  	[sflag:s29] =	ssyncset.done $0x0  }
0x13c: {  	[sflag:s29] =	ssyncadd.s32 $0xFFFFE000  }
0x13d: {  	[spmem:s2] =	stream.indirect.scatter.add.f32 [tilespmem:s23], [sflag:$0x5], $0x40, s11, s19, $0xb8;
	[tilespmem:$0x1E800] =	vst v63  }
0x13e: {  	_ =	swait.ge [sflag:s16], $0x2000  }
0x13f: {  	[sflag:s16] =	ssyncset.done $0x0  }
0x140: {  	[sflag:s16] =	ssyncadd.s32 $0xFFFFE000  }
0x141: {  	[tilespmem:s23], [sflag:$0x3] =	stream.indirect.gather [spmem:s3], $0x40, s12, s19, $0xb8;
	[tilespmem:$0x1E800] =	vst v63  }
0x142: {  	_ =	swait.ge [sflag:s30], $0x2000  }
0x143: {  	[sflag:s30] =	ssyncset.done $0x0  }
0x144: {  	[sflag:s30] =	ssyncadd.s32 $0xFFFFE000  }
0x145: {  	[spmem:s2] =	stream.indirect.scatter.add.f32 [tilespmem:s25], [sflag:$0x5], $0x40, s13, s19, $0xb8;
	[tilespmem:$0x1E800] =	vst v63  }
0x146: {  	_ =	swait.ge [sflag:s16], $0x2000  }
0x147: {  	[sflag:s16] =	ssyncset.done $0x0  }
0x148: {  	[sflag:s16] =	ssyncadd.s32 $0xFFFFE000  }
0x149: {  	[tilespmem:s25], [sflag:$0x4] =	stream.indirect.gather [spmem:s3], $0x40, s14, s19, $0xb8;
	[tilespmem:$0x1E800] =	vst v63  }
0x14a: {  	_ =	swait.ge [sflag:s26], $0x2000  }
0x14b: {  	[sflag:s26] =	ssyncset.done $0x0  }
0x14c: {  	[sflag:s26] =	ssyncadd.s32 $0xFFFFE000  }
0x14d: {  	[spmem:s2] =	stream.indirect.scatter.add.f32 [tilespmem:s20], [sflag:$0x5], $0x40, s7, s19, $0xb8;
	[tilespmem:$0x1E800] =	vst v63  }
0x14e: {  	_ =	swait.ge [sflag:s16], $0x2000  }
0x14f: {  	[sflag:s16] =	ssyncset.done $0x0  }
0x150: {  	[sflag:s16] =	ssyncadd.s32 $0xFFFFE000  }
0x151: {  	[tilespmem:s20], [sflag:$0x1] =	stream.indirect.gather [spmem:s3], $0x40, s14, s19, $0xb8;
	[tilespmem:$0x1E800] =	vst v63  }
0x152: {  	_ =	swait.ge [sflag:s28], $0x2000  }
0x153: {  	[sflag:s28] =	ssyncset.done $0x0  }
0x154: {  	[sflag:s28] =	ssyncadd.s32 $0xFFFFE000  }
0x155: {  	[spmem:s2] =	stream.indirect.scatter.add.f32 [tilespmem:s21], [sflag:$0x5], $0x40, s17, s19, $0xb8;
	[tilespmem:$0x1E800] =	vst v63  }
0x156: {  	_ =	swait.ge [sflag:s16], $0x2000  }
0x157: {  	[sflag:s16] =	ssyncset.done $0x0  }
0x158: {  	[sflag:s16] =	ssyncadd.s32 $0xFFFFE000  }
0x159: {  	[tilespmem:s21], [sflag:$0x2] =	stream.indirect.gather [spmem:s3], $0x40, s14, s19, $0xb8;
	[tilespmem:$0x1E800] =	vst v63  }
0x15a: {  	_ =	swait.ge [sflag:s29], $0x2000  }
0x15b: {  	[sflag:s29] =	ssyncset.done $0x0  }
0x15c: {  	[sflag:s29] =	ssyncadd.s32 $0xFFFFE000  }
0x15d: {  	[spmem:s2] =	stream.indirect.scatter.add.f32 [tilespmem:s23], [sflag:$0x5], $0x40, s15, s19, $0xb8;
	[tilespmem:$0x1E800] =	vst v63  }
0x15e: {  	_ =	swait.ge [sflag:s16], $0x2000  }
0x15f: {  	[sflag:s16] =	ssyncset.done $0x0  }
0x160: {  	[sflag:s16] =	ssyncadd.s32 $0xFFFFE000  }
0x161: {  	[tilespmem:s23], [sflag:$0x3] =	stream.indirect.gather [spmem:s3], $0x40, s14, s19, $0xb8;
	[tilespmem:$0x1E800] =	vst v63  }
0x162: {  	_ =	swait.ge [sflag:s30], $0x2000  }
0x163: {  	[sflag:s30] =	ssyncset.done $0x0  }
0x164: {  	[sflag:s30] =	ssyncadd.s32 $0xFFFFE000  }
0x165: {  	[spmem:s2] =	stream.indirect.scatter.add.f32 [tilespmem:s25], [sflag:$0x5], $0x40, s8, s19, $0xb8;
	[tilespmem:$0x1E800] =	vst v63  }
0x166: {  	_ =	swait.ge [sflag:s16], $0x2000  }
0x167: {  	[sflag:s16] =	ssyncset.done $0x0  }
0x168: {  	[sflag:s16] =	ssyncadd.s32 $0xFFFFE000  }
0x169: {  	[tilespmem:s25], [sflag:$0x4] =	stream.indirect.gather [spmem:s3], $0x40, s14, s19, $0xb8;
	[tilespmem:$0x1E800] =	vst v63  }
0x16a: {  	_ =	swait.ge [sflag:s26], $0x2000  }
0x16b: {  	[sflag:s26] =	ssyncset.done $0x0  }
0x16c: {  	[sflag:s26] =	ssyncadd.s32 $0xFFFFE000  }
0x16d: {  	_ =	swait.ge [sflag:s28], $0x2000  }
0x16e: {  	[sflag:s28] =	ssyncset.done $0x0  }
0x16f: {  	s18 =	sadd.s32 $0x1, s18;
	[sflag:s28] =	ssyncadd.s32 $0xFFFFE000  }
0x170: {  	p0 =	sne.s32 s18, $0x4;
	_ =	swait.ge [sflag:s29], $0x2000  }
.Ltmp3:
0x171: {  	[sflag:s29] =	ssyncset.done $0x0;
	(pc) =	sbr.rel @p0 .LBB2_6-.Ltmp3, $4  }
0x172: {  	[sflag:s29] =	ssyncadd.s32 $0xFFFFE000  }
0x173: {  	_ =	swait.ge [sflag:s30], $0x2000  }
0x174: {  	[sflag:s30] =	ssyncset.done $0x0  }
0x175: {  	[sflag:s30] =	ssyncadd.s32 $0xFFFFE000  }
0x176: {  	[bflag:$0x0] =	sbarrier.arrive $0xFFFF  }
0x177: {  	s22 =	rddreg [dreg:$0x6]  }
0x178: {  	s4 =	rddreg [dreg:$0xb]  }
0x179: {  	s24 =	rddreg [dreg:$0xc]  }
0x17a: {  	[hbm:s4], [sflag:s22] =	dma.local [spmem:s24], $0x1400  }
0x17b: {  	_ =	swait.ge [sflag:s16], $0x1400  }
0x17c: {  	s18 =	rddreg [dreg:$0x4]  }
0x17d: {  	s4 =	rddreg [dreg:$0x9];
	s18 =	sadd.s32 $0x1, s18  }
0x17e: {  	p0 =	sne.s32 s18, s4  }
.Ltmp4:
0x17f: {  	_ = 	snop;
	(pc) =	sbr.rel @p0 .LBB2_1-.Ltmp4, $3  }
0x180: {  	_ =	sdelay $0x1  }
0x181: {  	[sflag:s16] =	ssyncset.done $0x0  }
0x182: {  	s31 =	rddreg [dreg:$0x5];
	[sflag:s16] =	ssyncadd.s32 $0xFFFFEC00  }
0x183: {  	_ =	sfence.sel $0x180000  }
0x184: {  	[bflag:$0x0] =	sbarrier.arrive $0xFFFF  }
0x185: {  	_ =	strace $0x9000004A  }
0x186: {  	s0 =	stileid.u32;
	[bflag:$0x2] =	sbarrier.arrive $0xFFFF  }
0x187: {  	p0 =	sne.s32 s0, $0x0;
	s0 =	rddreg [dreg:$0x3]  }
0x188: {  	s0 =	sadd.s32 @!p0 $0x100000, s0  }
0x189: {  	[sflag:s0] =	ssyncadd.tile.s32 @!p0 $0x1;
	_ =	shalt  }
.Lfunc_end2:
_tile_overlayer_lowered:
.L_overlay_start_2:
0x18a: {  	(tag) =	ssettag $0x2  }
0x18b: {  	s0 =	rddreg [dreg:$0x0];
	s2 =	stileid.u32  }
0x18c: {  	s1 =	rddreg [dreg:$0x1];
	p0 =	sne.s32 s2, $0x0  }
0x18d: {  	s3 =	rddreg [dreg:$0x2];
	[bflag:$0x3] =	sbarrier.arrive $0xFFFF;
	s2 =	simm.s32 @!p0 $0x1C05  }
0x18e: {  	[timem:s3], [sflag:s2] =	dma.local @!p0 [hbm:s0], s1  }
0x18f: {  	s0 =	simm.s32 @!p0 $0x5  }
0x190: {  	_ =	swait.ge @!p0 [sflag:s0], s1  }
0x191: {  	s1 =	ssub.s32 @!p0 $0x0, s1;
	[sflag:s0] =	ssyncset.done @!p0 $0x0  }
0x192: {  	[sflag:s0] =	ssyncadd.s32 @!p0 s1  }
0x193: {  	[bflag:$0x3] =	sbarrier.arrive $0xFFFF  }
0x194: {  	_ =	shalt  }

// kernel: kernel.14.cloned.1.call-start
scs
__scs_entry_jumppad:
0x0: {  	(pc) =	sbr.rel $0x88, $3  }
0x1: {  	(tag) =	ssettag $0x0;
	lr =	simm.s32 $0x1  }
0x2: {  	[smem:$0x3F91] =	sst lr;
	_ =	strace $0xD0000000  }
0x3: {  	_ = 	snop  }
0x4: {  	_ = 	snop  }
0x5: {  	_ = 	snop  }
0x6: {  	_ = 	snop  }
0x7: {  	_ = 	snop  }
__scs_overlays_trampoline_lowered:
0x8: {  	[smem:$0x3FA0] =	sst s0  }
0x9: {  	[smem:$0x3FA1] =	sst s1  }
0xa: {  	[smem:$0x3FA2] =	sst s2  }
0xb: {  	[smem:$0x3FA3] =	sst s3  }
0xc: {  	[smem:$0x3FA4] =	sst s4  }
0xd: {  	[smem:$0x3FA5] =	sst s5  }
0xe: {  	[smem:$0x3FA6] =	sst s6  }
0xf: {  	[smem:$0x3FA7] =	sst s7  }
0x10: {  	[smem:$0x3FA8] =	sst s8  }
0x11: {  	[smem:$0x3FA9] =	sst s9;
	s0 =	simm.s32 @!p0 $0x0  }
0x12: {  	s1 =	sld [smem:$0x3F8F];
	s0 =	simm.s32 @p0 $0x1  }
0x13: {  	[smem:$0x3FAA] =	sst s0;
	s0 =	simm.s32 @!p1 $0x0  }
0x14: {  	s2 =	sld [smem:$0x3F8E];
	s0 =	simm.s32 @p1 $0x1  }
0x15: {  	[smem:$0x3FAB] =	sst s0;
	s0 =	simm.s32 @!p2 $0x0  }
0x16: {  	s3 =	sld [smem:$0x3FDB];
	s0 =	simm.s32 @p2 $0x1  }
0x17: {  	s4 =	simm.s32 $0x1BF5;
	[smem:$0x3FAD] =	sst s0  }
0x18: {  	s0 =	sld [smem:$0x3F90];
	_ =	swait.ge [sflag:s4], $0x0  }
0x19: {  	s7 =	sld [smem:$0x3F91]  }
0x1a: {  	s8 =	sadd.s32 $0xFFFFE003, lr  }
0x1b: {  	s9 =	sadd.s32 $0xFFFFFEF7, lr;
	s5 =	simm.s32 $0xFFFFFFFF;
	p2 =	slt.u32 s8, $0xFFFFF086  }
0x1c: {  	p1 =	slt.u32 s9, $0xF7A;
	s5 =	simm.s32 @!p2 $0x0  }
0x1d: {  	s5 =	simm.s32 @p1 $0x1;
	p0 =	seq.s32 s7, s2  }
0x1e: {  	s7 =	smul.u32 @!p0 $0xF7A, s2;
	p2 =	seq.s32 @!p0 s5, $0x0  }
0x1f: {  	s9 =	smul.u32 $0xF7A, s1;
	s8 =	simm.s32 @!p0 $0x1BF5;
	p2 =	por !p2, p0  }
0x20: {  	[sflag:s8] =	ssyncset.s32 @!p0 $0xFFFFF086;
	s6 =	sadd.s32 @!p0 s3, s7;
	s7 =	simm.s32 @!p0 $0x108  }
0x21: {  	s3 =	sadd.s32 s3, s9;
	s6 =	sadd.s32 @!p0 $0x88, s6;
	s7 =	simm.s32 @p2 $0x1082  }
0x22: {  	[simem:s7], [sflag:s8] =	dma.local @!p0 [hbm:s6], $0xF7A  }
0x23: {  	s9 =	sor.u32 $0xD0000000, s2;
	s6 =	simm.s32 $0x108;
	_ =	swait.ge @!p0 [sflag:s8], $0x0  }
0x24: {  	s3 =	sadd.s32 $0x88, s3;
	s6 =	simm.s32 @!p1 $0x1082;
	[sflag:s4] =	ssyncset.s32 $0xFFFFF086  }
0x25: {  	[simem:s6], [sflag:s4] =	dma.local [hbm:s3], $0xF7A  }
0x26: {  	[smem:$0x3F91] =	sst s1;
	(tag) =	ssettag s2;
	_ =	strace s9  }
0x27: {  	s1 =	sld [smem:$0x3FA1]  }
0x28: {  	s2 =	sld [smem:$0x3FA2]  }
0x29: {  	s4 =	sld [smem:$0x3FA4]  }
0x2a: {  	p0 =	seq.s32 s5, $0x0;
	s5 =	sld [smem:$0x3FA5]  }
0x2b: {  	s6 =	sld [smem:$0x3FA6]  }
0x2c: {  	s7 =	sld [smem:$0x3FA7]  }
0x2d: {  	s3 =	simm.s32 $0x108;
	s8 =	sld [smem:$0x3FA8]  }
0x2e: {  	s3 =	simm.s32 @!p0 $0x1082;
	s9 =	sld [smem:$0x3FA9]  }
0x2f: {  	lr =	sadd.s32 s0, s3;
	s0 =	sld [smem:$0x3FA0]  }
0x30: {  	s3 =	sld [smem:$0x3FA3]  }
0x31: {  	[smem:$0x3FAC] =	sst s10  }
0x32: {  	s10 =	sld [smem:$0x3FAA];
	_ =	sdelay $0x3  }
0x33: {  	p0 =	seq.s32 s10, $0x1;
	s10 =	sld [smem:$0x3FAC];
	_ =	sdelay $0x3  }
0x34: {  	[smem:$0x3FAC] =	sst s10  }
0x35: {  	s10 =	sld [smem:$0x3FAB];
	_ =	sdelay $0x3  }
0x36: {  	p1 =	seq.s32 s10, $0x1;
	s10 =	sld [smem:$0x3FAC];
	_ =	sdelay $0x3  }
0x37: {  	[smem:$0x3FAC] =	sst s10  }
0x38: {  	s10 =	sld [smem:$0x3FAD]  }
0x39: {  	_ = 	snop;
	(pc) =	sbr.ind lr, $3  }
0x3a: {  	_ = 	snop  }
0x3b: {  	_ = 	snop  }
0x3c: {  	p2 =	seq.s32 s10, $0x1;
	s10 =	sld [smem:$0x3FAC]  }
0x3d: {  	_ =	shalt  }
0x3e: {  	_ =	shalt  }
0x3f: {  	_ =	shalt  }
0x40: {  	_ =	shalt  }
0x41: {  	_ =	shalt  }
0x42: {  	_ =	shalt  }
0x43: {  	_ =	shalt  }
0x44: {  	_ =	shalt  }
0x45: {  	_ =	shalt  }
0x46: {  	_ =	shalt  }
0x47: {  	_ =	shalt  }
0x48: {  	_ =	shalt  }
0x49: {  	_ =	shalt  }
0x4a: {  	_ =	shalt  }
0x4b: {  	_ =	shalt  }
0x4c: {  	_ =	shalt  }
0x4d: {  	_ =	shalt  }
0x4e: {  	_ =	shalt  }
0x4f: {  	_ =	shalt  }
0x50: {  	_ =	shalt  }
0x51: {  	_ =	shalt  }
0x52: {  	_ =	shalt  }
0x53: {  	_ =	shalt  }
0x54: {  	_ =	shalt  }
0x55: {  	_ =	shalt  }
0x56: {  	_ =	shalt  }
0x57: {  	_ =	shalt  }
0x58: {  	_ =	shalt  }
0x59: {  	_ =	shalt  }
0x5a: {  	_ =	shalt  }
0x5b: {  	_ =	shalt  }
0x5c: {  	_ =	shalt  }
0x5d: {  	_ =	shalt  }
0x5e: {  	_ =	shalt  }
0x5f: {  	_ =	shalt  }
0x60: {  	_ =	shalt  }
0x61: {  	_ =	shalt  }
0x62: {  	_ =	shalt  }
0x63: {  	_ =	shalt  }
0x64: {  	_ =	shalt  }
0x65: {  	_ =	shalt  }
0x66: {  	_ =	shalt  }
0x67: {  	_ =	shalt  }
0x68: {  	_ =	shalt  }
0x69: {  	_ =	shalt  }
0x6a: {  	_ =	shalt  }
0x6b: {  	_ =	shalt  }
0x6c: {  	_ =	shalt  }
0x6d: {  	_ =	shalt  }
0x6e: {  	_ =	shalt  }
0x6f: {  	_ =	shalt  }
0x70: {  	_ =	shalt  }
0x71: {  	_ =	shalt  }
0x72: {  	_ =	shalt  }
0x73: {  	_ =	shalt  }
0x74: {  	_ =	shalt  }
0x75: {  	_ =	shalt  }
0x76: {  	_ =	shalt  }
0x77: {  	_ =	shalt  }
0x78: {  	_ =	shalt  }
0x79: {  	_ =	shalt  }
0x7a: {  	_ =	shalt  }
0x7b: {  	_ =	shalt  }
0x7c: {  	_ =	shalt  }
0x7d: {  	_ =	shalt  }
0x7e: {  	_ =	shalt  }
0x7f: {  	_ =	shalt  }
0x80: {  	_ =	shalt  }
0x81: {  	_ =	shalt  }
0x82: {  	_ =	shalt  }
0x83: {  	_ =	shalt  }
0x84: {  	_ =	shalt  }
0x85: {  	_ =	shalt  }
0x86: {  	_ =	shalt  }
0x87: {  	_ =	shalt  }
.Lfunc_end0:
.L_simem_size_0:
called_computation.2_lowered:
.L_overlay_start_0:
0x88: {  	s2 =	sld [smem:$0x3FD9]  }
0x89: {  	s3 =	sld [smem:$0x3FFE];
	_ =	sdelay $0x1  }
0x8a: {  	s1 =	srdreg.scid  }
0x8b: {  	s0 =	sand.u32 $0x1, s1  }
0x8c: {  	s16 =	sshll.u32 s0, $0xA;
	s2 =	sadd.s32 s3, s2  }
0x8d: {  	s2 =	sadd.s32 s2, s16  }
0x8e: {  	[smem:$0x3FB8] =	sst s2  }
0x8f: {  	_ = 	snop  }
0x90: {  	(tm) =	ssettm $0x1  }
0x91: {  	s17 =	sld [smem:$0x3FFB];
	_ =	sdelay $0x3  }
0x92: {  	_ =	strace s17  }
0x93: {  	s2 =	sld [smem:$0x3FFC];
	_ =	sdelay $0x3  }
0x94: {  	_ =	strace s2  }
0x95: {  	s2 =	sld [smem:$0x3FFD];
	_ =	sdelay $0x3  }
0x96: {  	_ =	strace s2  }
0x97: {  	_ =	strace $0x8FFFFFFF  }
0x98: {  	s18 =	sld [smem:$0x3FDB];
	_ =	sdelay $0x1  }
0x99: {  	s19 =	simm.s32 $_scs_section_size  }
0x9a: {  	s4 =	simm.s32 $_size__tile_overlayer_lowered;
	s5 =	simm.s32 $_tile_overlayer_lowered  }
0x9b: {  	s22 =	simm.s32 $0x1BFF;
	s21 =	sshll.u32 s5, $0x1;
	s2 =	sadd.s32 s19, s18  }
0x9c: {  	s6 =	simm.s32 $0x0;
	s20 =	sshll.u32 s4, $0x1;
	s4 =	sadd.s32 s21, s2  }
0x9d: {  	[timem:s6], [sflag:s22] =	dma.local [hbm:s4], s20  }
0x9e: {  	_ =	swait.ge [sflag:s22], s20  }
0x9f: {  	s3 =	ssub.s32 $0x0, s20;
	[sflag:s22] =	ssyncset.done $0x0  }
0xa0: {  	[sflag:s22] =	ssyncadd.s32 s3;
	_ =	sdelay $0x1  }
0xa1: {  	s23 =	simm.s32 $0x1B8B  }
0xa2: {  	_ =	swait.ge [sflag:s23], $0x1  }
0xa3: {  	[sflag:s23] =	ssyncset.done $0x0  }
0xa4: {  	s25 =	simm.s32 $0x1B8E;
	s24 =	sld [smem:$0x3FFE];
	[sflag:s23] =	ssyncadd.s32 $0xFFFFFFFF  }
0xa5: {  	s26 =	simm.s32 $execute0_lowered;
	[smem:$0x3FD2] =	sst s25  }
0xa6: {  	s4 =	sshll.u32 s26, $0x1;
	_ =	strace $0x8000004C;
	[dreg:$0x1] =	wrdreg $0xFFFFFFFF  }
0xa7: {  	s28 =	simm.s32 $_size_execute0_lowered;
	s2 =	sadd.s32 s2, s4;
	[dreg:$0x0] =	wrdreg $0x0  }
0xa8: {  	s4 =	sshll.u32 s28, $0x1;
	[dreg:$0x2] =	wrdreg s2  }
0xa9: {  	[dreg:$0x3] =	wrdreg s4  }
0xaa: {  	[dreg:$0x4] =	wrdreg $0xC0  }
0xab: {  	_ =	task [dreg:s6], $0x5FFFF  }
0xac: {  	[dreg:$0x1] =	wrdreg $0xFFFFFFFF  }
0xad: {  	[dreg:$0x0] =	wrdreg $0x60  }
0xae: {  	[dreg:$0x2] =	wrdreg s24  }
0xaf: {  	[dreg:$0x3] =	wrdreg $0xA8000  }
0xb0: {  	[dreg:$0x4] =	wrdreg $0x148000  }
0xb1: {  	[dreg:$0x5] =	wrdreg $0x9  }
0xb2: {  	_ =	task.clear_ibuf [dreg:s6], $0x6FFFF;
	_ =	strace $0x9000004C  }
0xb3: {  	s29 =	simm.s32 $0x9;
	_ =	strace $0x8000004E  }
0xb4: {  	_ =	swait.ge [sflag:s29], $0x1  }
0xb5: {  	[sflag:s29] =	ssyncadd.s32 $0xFFFFFFFF  }
0xb6: {  	_ =	strace $0x9000004E  }
0xb7: {  	_ =	sfence  }
0xb8: {  	s30 =	sld [smem:$0x0];
	_ =	sdelay $0x2  }
0xb9: {  	s31 =	sshll.u32 s1, $0xD;
	s1 =	sshrl.u32 s1, $0x2  }
0xba: {  	s3 =	sand.u32 $0x4000, s31;
	s1 =	sadd.s32 s1, s30  }
0xbb: {  	s0 =	sor.u32 s3, s0;
	s1 =	sshll.u32 s1, $0x11  }
0xbc: {  	s0 =	sor.u32 s1, s0  }
0xbd: {  	s0 =	sadd.s32 $0x8F2B, s0  }
0xbe: {  	[sflag:s0] =	ssyncadd.remote.s32 $0x1  }
0xbf: {  	_ =	sfence.sel $0xFFFF  }
0xc0: {  	[dreg:$0x0] =	wrdreg $0xFFFFFFFF;
	(pc) =	sbr.abs _section_cstart, $3  }
0xc1: {  	[dreg:$0x1] =	wrdreg $0xFFFFFFFF  }
0xc2: {  	_ =	task.clear_ibuf [dreg:s6], $0x2FFFF;
	_ =	strace $0x9FFFFFFF  }
0xc3: {  	(tm) =	ssettm $0x7FFFFFFF  }
tec
execute0_lowered:
.L_overlay_start_1:
0x0: {  	(tag) =	ssettag $0x1  }
0x1: {  	s1 =	rddreg [dreg:$0x0]  }
0x2: {  	s0 =	srdreg.scid;
	s2 =	rddreg [dreg:$0x1]  }
0x3: {  	s13 =	stileid.u32;
	s3 =	rddreg [dreg:$0x2]  }
0x4: {  	s18 =	simm.s32 $0x0;
	s16 =	simm.s32 $0x5;
	s28 =	simm.s32 $0x2  }
0x5: {  	s29 =	simm.s32 $0x3;
	s30 =	simm.s32 $0x4;
	s15 =	simm.s32 $0x2700  }
0x6: {  	s0 =	sand.u32 $0x1, s0;
	s4 =	smul.u32 $0xA000, s13;
	[smem:$0x7FF] =	sst s18  }
0x7: {  	s6 =	sadd.s32 $0x2A00, s1;
	s12 =	sshll.u32 s13, $0x6;
	s20 =	smul.u32 $0x5000, s13  }
0x8: {  	s13 =	simm.s32 $0x2580;
	s5 =	smul.u32 $0xA0000, s0;
	_ =	strace $0x8000004D  }
0x9: {  	s9 =	ssub.s32 $0x2, s0;
	s22 =	sor.u32 $0x1C05, s12;
	s19 =	smul.u32 $0x50000, s0  }
0xa: {  	p0 =	seq.s32 s0, $0x0;
	s0 =	simm.s32 $0x140000;
	s8 =	sshrl.u32 s4, $0x3  }
0xb: {  	s11 =	sshrl.u32 s9, $0x1;
	s17 =	sadd.s32 s4, s2;
	s21 =	sadd.s32 s4, s3  }
0xc: {  	s0 =	simm.s32 @!p0 $0x1E0000;
	[dreg:$0x6] =	wrdreg s22;
	s5 =	sadd.s32 s4, s5  }
0xd: {  	s10 =	sadd.s32 s8, s1;
	s9 =	ssub.s32 s9, s11;
	s12 =	sadd.s32 $0x14000, s8  }
0xe: {  	s0 =	sadd.s32 s0, s4;
	s26 =	sshrl.u32 s21, $0x3;
	s21 =	simm.s32 $0x4800  }
0xf: {  	s11 =	simm.s32 $0x2500;
	s5 =	sshrl.u32 s5, $0x3;
	s31 =	sadd.s32 $0x129A00, s10  }
0x10: {  	s10 =	sadd.s32 s20, s19;
	s12 =	smov.u32 @p0 s8;
	s0 =	sshrl.u32 s0, $0x3  }
0x11: {  	s24 =	smax.u32 s9, $0x1;
	[dreg:$0xd] =	wrdreg s26;
	s19 =	simm.s32 $0x80  }
0x12: {  	s20 =	simm.s32 $0x2800;
	s26 =	simm.s32 $0x1;
	s9 =	simm.s32 $0x1280  }
0x13: {  	s8 =	simm.s32 $0x2780;
	s7 =	sadd.s32 s5, s1;
	[dreg:$0x9] =	wrdreg s24  }
0x14: {  	s5 =	sadd.s32 $0x25A00, s1;
	s24 =	sshrl.u32 s17, $0x3;
	[dreg:$0x5] =	wrdreg s31  }
0x15: {  	s1 =	sadd.s32 $0xD9A00, s1;
	s14 =	sadd.s32 $0x89A00, s7;
	[dreg:$0xc] =	wrdreg s24  }
0x16: {  	s17 =	simm.s32 $0x2680;
	s23 =	sadd.s32 $0xB1A00, s7;
	[dreg:$0x7] =	wrdreg s14  }
0x17: {  	s25 =	sadd.s32 s1, s12;
	s0 =	sadd.s32 s1, s0;
	[dreg:$0x8] =	wrdreg s23  }
0x18: {  	s1 =	simm.s32 $0x1200;
	s12 =	simm.s32 $0x1300;
	[dreg:$0xa] =	wrdreg s25  }
0x19: {  	s7 =	simm.s32 $0x2600;
	[dreg:$0xb] =	wrdreg s0;
	s23 =	simm.s32 $0x6800  }
0x1a: {  	s25 =	simm.s32 $0x8800;
	s0 =	simm.s32 $0x2480;
	s14 =	simm.s32 $0x1380  }
.LBB2_1:
0x1b: {  	[dreg:$0x4] =	wrdreg s18  }
0x1c: {  	[spmem:s24], [sflag:s22] =	dma.local [hbm:s31], $0x1400  }
0x1d: {  	_ =	swait.ge [sflag:s16], $0x1400  }
0x1e: {  	[sflag:s16] =	ssyncset.done $0x0;
	s4 =	rddreg [dreg:$0x7]  }
0x1f: {  	s24 =	rddreg [dreg:$0xd];
	[sflag:s16] =	ssyncadd.s32 $0xFFFFEC00  }
0x20: {  	[spmem:s24], [sflag:s22] =	dma.local [hbm:s4], $0x1400  }
0x21: {  	_ =	swait.ge [sflag:s16], $0x1400  }
0x22: {  	[sflag:s16] =	ssyncset.done $0x0  }
0x23: {  	[sflag:s16] =	ssyncadd.s32 $0xFFFFEC00  }
0x24: {  	s4 =	simm.s32 $0x0;
	[bflag:$0x0] =	sbarrier.arrive $0xFFFF  }
.LBB2_2:
0x25: {  	s18 =	smul.u32 $0x1400, s4;
	_ =	sdelay $0x1  }
0x26: {  	s18 =	sadd.s32 s18, s10  }
0x27: {  	s18 =	sshrl.u32 s18, $0x3  }
0x28: {  	s24 =	simm.s32 $0x0;
	s22 =	sadd.s32 s5, s18  }
0x29: {  	[tilespmem:s24], [sflag:$0x5] =	stream.linear.gather [hbm4b:s22+s24], $0x1400, $0x38;
	[tilespmem:$0x1E800] =	vst v63  }
0x2a: {  	_ =	swait.ge [sflag:s16], $0x1400  }
0x2b: {  	[sflag:s16] =	ssyncset.done $0x0  }
0x2c: {  	s18 =	sadd.s32 s6, s18;
	s22 =	simm.s32 $0x1400;
	[sflag:s16] =	ssyncadd.s32 $0xFFFFEC00  }
0x2d: {  	[tilespmem:s22], [sflag:$0x5] =	stream.linear.gather [hbm4b:s18+s24], $0x1400, $0x38;
	[tilespmem:$0x1E800] =	vst v63  }
0x2e: {  	_ =	swait.ge [sflag:s16], $0x1400  }
0x2f: {  	[sflag:s16] =	ssyncset.done $0x0  }
0x30: {  	[sflag:s16] =	ssyncadd.s32 $0xFFFFEC00  }
0x31: {  	[tilespmem:s20], [sflag:$0x1] =	stream.indirect.gather [spmem:s3], $0x40, s24, s19, $0xb8;
	[tilespmem:$0x1E800] =	vst v63  }
0x32: {  	_ = 	snop  }
0x33: {  	[tilespmem:s21], [sflag:$0x2] =	stream.indirect.gather [spmem:s3], $0x40, s19, s19, $0xb8;
	[tilespmem:$0x1E800] =	vst v63  }
0x34: {  	s24 =	simm.s32 $0x100  }
0x35: {  	[tilespmem:s23], [sflag:$0x3] =	stream.indirect.gather [spmem:s3], $0x40, s24, s19, $0xb8;
	[tilespmem:$0x1E800] =	vst v63  }
0x36: {  	s22 =	simm.s32 $0x180  }
0x37: {  	[tilespmem:s25], [sflag:$0x4] =	stream.indirect.gather [spmem:s3], $0x40, s22, s19, $0xb8;
	[tilespmem:$0x1E800] =	vst v63  }
0x38: {  	_ =	swait.ge [sflag:s26], $0x2000  }
0x39: {  	[sflag:s26] =	ssyncset.done $0x0  }
0x3a: {  	s24 =	simm.s32 $0x1400;
	[sflag:s26] =	ssyncadd.s32 $0xFFFFE000  }
0x3b: {  	[spmem:s2] =	stream.indirect.scatter.add.f32 [tilespmem:s20], [sflag:$0x5], $0x40, s24, s19, $0xb8;
	[tilespmem:$0x1E800] =	vst v63  }
0x3c: {  	_ =	swait.ge [sflag:s16], $0x2000  }
0x3d: {  	[sflag:s16] =	ssyncset.done $0x0  }
0x3e: {  	s22 =	simm.s32 $0x200;
	[sflag:s16] =	ssyncadd.s32 $0xFFFFE000  }
0x3f: {  	[tilespmem:s20], [sflag:$0x1] =	stream.indirect.gather [spmem:s3], $0x40, s22, s19, $0xb8;
	[tilespmem:$0x1E800] =	vst v63  }
0x40: {  	_ =	swait.ge [sflag:s28], $0x2000  }
0x41: {  	[sflag:s28] =	ssyncset.done $0x0  }
0x42: {  	s24 =	simm.s32 $0x1480;
	[sflag:s28] =	ssyncadd.s32 $0xFFFFE000  }
0x43: {  	[spmem:s2] =	stream.indirect.scatter.add.f32 [tilespmem:s21], [sflag:$0x5], $0x40, s24, s19, $0xb8;
	[tilespmem:$0x1E800] =	vst v63  }
0x44: {  	_ =	swait.ge [sflag:s16], $0x2000  }
0x45: {  	[sflag:s16] =	ssyncset.done $0x0  }
0x46: {  	s22 =	simm.s32 $0x280;
	[sflag:s16] =	ssyncadd.s32 $0xFFFFE000  }
0x47: {  	[tilespmem:s21], [sflag:$0x2] =	stream.indirect.gather [spmem:s3], $0x40, s22, s19, $0xb8;
	[tilespmem:$0x1E800] =	vst v63  }
0x48: {  	_ =	swait.ge [sflag:s29], $0x2000  }
0x49: {  	[sflag:s29] =	ssyncset.done $0x0  }
0x4a: {  	s24 =	simm.s32 $0x1500;
	[sflag:s29] =	ssyncadd.s32 $0xFFFFE000  }
0x4b: {  	[spmem:s2] =	stream.indirect.scatter.add.f32 [tilespmem:s23], [sflag:$0x5], $0x40, s24, s19, $0xb8;
	[tilespmem:$0x1E800] =	vst v63  }
0x4c: {  	_ =	swait.ge [sflag:s16], $0x2000  }
0x4d: {  	[sflag:s16] =	ssyncset.done $0x0  }
0x4e: {  	s22 =	simm.s32 $0x300;
	[sflag:s16] =	ssyncadd.s32 $0xFFFFE000  }
0x4f: {  	[tilespmem:s23], [sflag:$0x3] =	stream.indirect.gather [spmem:s3], $0x40, s22, s19, $0xb8;
	[tilespmem:$0x1E800] =	vst v63  }
0x50: {  	_ =	swait.ge [sflag:s30], $0x2000  }
0x51: {  	[sflag:s30] =	ssyncset.done $0x0  }
0x52: {  	s24 =	simm.s32 $0x1580;
	[sflag:s30] =	ssyncadd.s32 $0xFFFFE000  }
0x53: {  	[spmem:s2] =	stream.indirect.scatter.add.f32 [tilespmem:s25], [sflag:$0x5], $0x40, s24, s19, $0xb8;
	[tilespmem:$0x1E800] =	vst v63  }
0x54: {  	_ =	swait.ge [sflag:s16], $0x2000  }
0x55: {  	[sflag:s16] =	ssyncset.done $0x0  }
0x56: {  	s18 =	simm.s32 $0x800;
	s22 =	simm.s32 $0x380;
	[sflag:s16] =	ssyncadd.s32 $0xFFFFE000  }
.LBB2_3:
0x57: {  	[tilespmem:s25], [sflag:$0x4] =	stream.indirect.gather [spmem:s3], $0x40, s22, s19, $0xb8;
	[tilespmem:$0x1E800] =	vst v63  }
0x58: {  	s22 =	smov.u32 s18  }
0x59: {  	p0 =	sne.s32 s18, $0x3800;
	s18 =	sadd.s32 $0x800, s18;
	_ =	swait.ge [sflag:s26], $0x2000  }
0x5a: {  	s22 =	sshra.s32 s22, $0x2;
	[sflag:s26] =	ssyncset.done $0x0  }
0x5b: {  	s24 =	sadd.s32 $0x1400, s22;
	[sflag:s26] =	ssyncadd.s32 $0xFFFFE000  }
0x5c: {  	[spmem:s2] =	stream.indirect.scatter.add.f32 [tilespmem:s20], [sflag:$0x5], $0x40, s24, s19, $0xb8;
	[tilespmem:$0x1E800] =	vst v63  }
0x5d: {  	_ =	swait.ge [sflag:s16], $0x2000  }
0x5e: {  	[sflag:s16] =	ssyncset.done $0x0  }
0x5f: {  	s24 =	sadd.s32 $0x200, s22;
	[sflag:s16] =	ssyncadd.s32 $0xFFFFE000  }
0x60: {  	[tilespmem:s20], [sflag:$0x1] =	stream.indirect.gather [spmem:s3], $0x40, s24, s19, $0xb8;
	[tilespmem:$0x1E800] =	vst v63  }
0x61: {  	_ =	swait.ge [sflag:s28], $0x2000  }
0x62: {  	[sflag:s28] =	ssyncset.done $0x0  }
0x63: {  	s24 =	sadd.s32 $0x1480, s22;
	[sflag:s28] =	ssyncadd.s32 $0xFFFFE000  }
0x64: {  	[spmem:s2] =	stream.indirect.scatter.add.f32 [tilespmem:s21], [sflag:$0x5], $0x40, s24, s19, $0xb8;
	[tilespmem:$0x1E800] =	vst v63  }
0x65: {  	_ =	swait.ge [sflag:s16], $0x2000  }
0x66: {  	[sflag:s16] =	ssyncset.done $0x0  }
0x67: {  	s24 =	sadd.s32 $0x280, s22;
	[sflag:s16] =	ssyncadd.s32 $0xFFFFE000  }
0x68: {  	[tilespmem:s21], [sflag:$0x2] =	stream.indirect.gather [spmem:s3], $0x40, s24, s19, $0xb8;
	[tilespmem:$0x1E800] =	vst v63  }
0x69: {  	_ =	swait.ge [sflag:s29], $0x2000  }
0x6a: {  	[sflag:s29] =	ssyncset.done $0x0  }
0x6b: {  	s24 =	sadd.s32 $0x1500, s22;
	[sflag:s29] =	ssyncadd.s32 $0xFFFFE000  }
0x6c: {  	[spmem:s2] =	stream.indirect.scatter.add.f32 [tilespmem:s23], [sflag:$0x5], $0x40, s24, s19, $0xb8;
	[tilespmem:$0x1E800] =	vst v63  }
0x6d: {  	_ =	swait.ge [sflag:s16], $0x2000  }
0x6e: {  	[sflag:s16] =	ssyncset.done $0x0  }
0x6f: {  	s24 =	sadd.s32 $0x300, s22;
	[sflag:s16] =	ssyncadd.s32 $0xFFFFE000  }
0x70: {  	[tilespmem:s23], [sflag:$0x3] =	stream.indirect.gather [spmem:s3], $0x40, s24, s19, $0xb8;
	[tilespmem:$0x1E800] =	vst v63  }
0x71: {  	_ =	swait.ge [sflag:s30], $0x2000  }
0x72: {  	[sflag:s30] =	ssyncset.done $0x0  }
.Ltmp0:
0x73: {  	s24 =	sadd.s32 $0x1580, s22;
	[sflag:s30] =	ssyncadd.s32 $0xFFFFE000;
	(pc) =	sbr.rel @p0 .LBB2_3-.Ltmp0, $4  }
0x74: {  	[spmem:s2] =	stream.indirect.scatter.add.f32 [tilespmem:s25], [sflag:$0x5], $0x40, s24, s19, $0xb8;
	[tilespmem:$0x1E800] =	vst v63  }
0x75: {  	_ =	swait.ge [sflag:s16], $0x2000  }
0x76: {  	[sflag:s16] =	ssyncset.done $0x0  }
0x77: {  	s22 =	sadd.s32 $0x380, s22;
	[sflag:s16] =	ssyncadd.s32 $0xFFFFE000  }
0x78: {  	[tilespmem:s25], [sflag:$0x4] =	stream.indirect.gather [spmem:s3], $0x40, s22, s19, $0xb8;
	[tilespmem:$0x1E800] =	vst v63  }
0x79: {  	_ =	swait.ge [sflag:s26], $0x2000  }
0x7a: {  	[sflag:s26] =	ssyncset.done $0x0  }
0x7b: {  	s18 =	simm.s32 $0x2400;
	[sflag:s26] =	ssyncadd.s32 $0xFFFFE000  }
0x7c: {  	[spmem:s2] =	stream.indirect.scatter.add.f32 [tilespmem:s20], [sflag:$0x5], $0x40, s18, s19, $0xb8;
	[tilespmem:$0x1E800] =	vst v63  }
0x7d: {  	_ =	swait.ge [sflag:s16], $0x2000  }
0x7e: {  	[sflag:s16] =	ssyncset.done $0x0  }
0x7f: {  	[sflag:s16] =	ssyncadd.s32 $0xFFFFE000  }
0x80: {  	[tilespmem:s20], [sflag:$0x1] =	stream.indirect.gather [spmem:s3], $0x40, s1, s19, $0xb8;
	[tilespmem:$0x1E800] =	vst v63  }
0x81: {  	_ =	swait.ge [sflag:s28], $0x2000  }
0x82: {  	[sflag:s28] =	ssyncset.done $0x0  }
0x83: {  	[sflag:s28] =	ssyncadd.s32 $0xFFFFE000  }
0x84: {  	[spmem:s2] =	stream.indirect.scatter.add.f32 [tilespmem:s21], [sflag:$0x5], $0x40, s0, s19, $0xb8;
	[tilespmem:$0x1E800] =	vst v63  }
0x85: {  	_ =	swait.ge [sflag:s16], $0x2000  }
0x86: {  	[sflag:s16] =	ssyncset.done $0x0  }
0x87: {  	[sflag:s16] =	ssyncadd.s32 $0xFFFFE000  }
0x88: {  	[tilespmem:s21], [sflag:$0x2] =	stream.indirect.gather [spmem:s3], $0x40, s9, s19, $0xb8;
	[tilespmem:$0x1E800] =	vst v63  }
0x89: {  	_ =	swait.ge [sflag:s29], $0x2000  }
0x8a: {  	[sflag:s29] =	ssyncset.done $0x0  }
0x8b: {  	[sflag:s29] =	ssyncadd.s32 $0xFFFFE000  }
0x8c: {  	[spmem:s2] =	stream.indirect.scatter.add.f32 [tilespmem:s23], [sflag:$0x5], $0x40, s11, s19, $0xb8;
	[tilespmem:$0x1E800] =	vst v63  }
0x8d: {  	_ =	swait.ge [sflag:s16], $0x2000  }
0x8e: {  	[sflag:s16] =	ssyncset.done $0x0  }
0x8f: {  	[sflag:s16] =	ssyncadd.s32 $0xFFFFE000  }
0x90: {  	[tilespmem:s23], [sflag:$0x3] =	stream.indirect.gather [spmem:s3], $0x40, s12, s19, $0xb8;
	[tilespmem:$0x1E800] =	vst v63  }
0x91: {  	_ =	swait.ge [sflag:s30], $0x2000  }
0x92: {  	[sflag:s30] =	ssyncset.done $0x0  }
0x93: {  	[sflag:s30] =	ssyncadd.s32 $0xFFFFE000  }
0x94: {  	[spmem:s2] =	stream.indirect.scatter.add.f32 [tilespmem:s25], [sflag:$0x5], $0x40, s13, s19, $0xb8;
	[tilespmem:$0x1E800] =	vst v63  }
0x95: {  	_ =	swait.ge [sflag:s16], $0x2000  }
0x96: {  	[sflag:s16] =	ssyncset.done $0x0  }
0x97: {  	[sflag:s16] =	ssyncadd.s32 $0xFFFFE000  }
0x98: {  	[tilespmem:s25], [sflag:$0x4] =	stream.indirect.gather [spmem:s3], $0x40, s14, s19, $0xb8;
	[tilespmem:$0x1E800] =	vst v63  }
0x99: {  	_ =	swait.ge [sflag:s26], $0x2000  }
0x9a: {  	[sflag:s26] =	ssyncset.done $0x0  }
0x9b: {  	[sflag:s26] =	ssyncadd.s32 $0xFFFFE000  }
0x9c: {  	[spmem:s2] =	stream.indirect.scatter.add.f32 [tilespmem:s20], [sflag:$0x5], $0x40, s7, s19, $0xb8;
	[tilespmem:$0x1E800] =	vst v63  }
0x9d: {  	_ =	swait.ge [sflag:s16], $0x2000  }
0x9e: {  	[sflag:s16] =	ssyncset.done $0x0  }
0x9f: {  	[sflag:s16] =	ssyncadd.s32 $0xFFFFE000  }
0xa0: {  	[tilespmem:s20], [sflag:$0x1] =	stream.indirect.gather [spmem:s3], $0x40, s14, s19, $0xb8;
	[tilespmem:$0x1E800] =	vst v63  }
0xa1: {  	_ =	swait.ge [sflag:s28], $0x2000  }
0xa2: {  	[sflag:s28] =	ssyncset.done $0x0  }
0xa3: {  	[sflag:s28] =	ssyncadd.s32 $0xFFFFE000  }
0xa4: {  	[spmem:s2] =	stream.indirect.scatter.add.f32 [tilespmem:s21], [sflag:$0x5], $0x40, s17, s19, $0xb8;
	[tilespmem:$0x1E800] =	vst v63  }
0xa5: {  	_ =	swait.ge [sflag:s16], $0x2000  }
0xa6: {  	[sflag:s16] =	ssyncset.done $0x0  }
0xa7: {  	[sflag:s16] =	ssyncadd.s32 $0xFFFFE000  }
0xa8: {  	[tilespmem:s21], [sflag:$0x2] =	stream.indirect.gather [spmem:s3], $0x40, s14, s19, $0xb8;
	[tilespmem:$0x1E800] =	vst v63  }
0xa9: {  	_ =	swait.ge [sflag:s29], $0x2000  }
0xaa: {  	[sflag:s29] =	ssyncset.done $0x0  }
0xab: {  	[sflag:s29] =	ssyncadd.s32 $0xFFFFE000  }
0xac: {  	[spmem:s2] =	stream.indirect.scatter.add.f32 [tilespmem:s23], [sflag:$0x5], $0x40, s15, s19, $0xb8;
	[tilespmem:$0x1E800] =	vst v63  }
0xad: {  	_ =	swait.ge [sflag:s16], $0x2000  }
0xae: {  	[sflag:s16] =	ssyncset.done $0x0  }
0xaf: {  	[sflag:s16] =	ssyncadd.s32 $0xFFFFE000  }
0xb0: {  	[tilespmem:s23], [sflag:$0x3] =	stream.indirect.gather [spmem:s3], $0x40, s14, s19, $0xb8;
	[tilespmem:$0x1E800] =	vst v63  }
0xb1: {  	_ =	swait.ge [sflag:s30], $0x2000  }
0xb2: {  	[sflag:s30] =	ssyncset.done $0x0  }
0xb3: {  	[sflag:s30] =	ssyncadd.s32 $0xFFFFE000  }
0xb4: {  	[spmem:s2] =	stream.indirect.scatter.add.f32 [tilespmem:s25], [sflag:$0x5], $0x40, s8, s19, $0xb8;
	[tilespmem:$0x1E800] =	vst v63  }
0xb5: {  	_ =	swait.ge [sflag:s16], $0x2000  }
0xb6: {  	[sflag:s16] =	ssyncset.done $0x0  }
0xb7: {  	[sflag:s16] =	ssyncadd.s32 $0xFFFFE000  }
0xb8: {  	[tilespmem:s25], [sflag:$0x4] =	stream.indirect.gather [spmem:s3], $0x40, s14, s19, $0xb8;
	[tilespmem:$0x1E800] =	vst v63  }
0xb9: {  	_ =	swait.ge [sflag:s26], $0x2000  }
0xba: {  	[sflag:s26] =	ssyncset.done $0x0  }
0xbb: {  	[sflag:s26] =	ssyncadd.s32 $0xFFFFE000  }
0xbc: {  	_ =	swait.ge [sflag:s28], $0x2000  }
0xbd: {  	[sflag:s28] =	ssyncset.done $0x0  }
0xbe: {  	s4 =	sadd.s32 $0x1, s4;
	[sflag:s28] =	ssyncadd.s32 $0xFFFFE000  }
0xbf: {  	p0 =	sne.s32 s4, $0x4;
	_ =	swait.ge [sflag:s29], $0x2000  }
.Ltmp1:
0xc0: {  	[sflag:s29] =	ssyncset.done $0x0;
	(pc) =	sbr.rel @p0 .LBB2_2-.Ltmp1, $4  }
0xc1: {  	[sflag:s29] =	ssyncadd.s32 $0xFFFFE000  }
0xc2: {  	_ =	swait.ge [sflag:s30], $0x2000  }
0xc3: {  	[sflag:s30] =	ssyncset.done $0x0  }
0xc4: {  	[sflag:s30] =	ssyncadd.s32 $0xFFFFE000  }
0xc5: {  	[bflag:$0x0] =	sbarrier.arrive $0xFFFF  }
0xc6: {  	s4 =	rddreg [dreg:$0x6]  }
0xc7: {  	s18 =	rddreg [dreg:$0xa]  }
0xc8: {  	s22 =	rddreg [dreg:$0xc]  }
0xc9: {  	[hbm:s18], [sflag:s4] =	dma.local [spmem:s22], $0x1400  }
0xca: {  	_ =	swait.ge [sflag:s16], $0x1400  }
0xcb: {  	[sflag:s16] =	ssyncset.done $0x0  }
0xcc: {  	[sflag:s16] =	ssyncadd.s32 $0xFFFFEC00  }
0xcd: {  	[spmem:s22], [sflag:s4] =	dma.local [hbm:s31], $0x1400  }
0xce: {  	_ =	swait.ge [sflag:s16], $0x1400  }
0xcf: {  	[sflag:s16] =	ssyncset.done $0x0;
	s24 =	rddreg [dreg:$0x8]  }
0xd0: {  	s31 =	rddreg [dreg:$0xd];
	[sflag:s16] =	ssyncadd.s32 $0xFFFFEC00  }
0xd1: {  	[spmem:s31], [sflag:s4] =	dma.local [hbm:s24], $0x1400  }
0xd2: {  	_ =	swait.ge [sflag:s16], $0x1400  }
0xd3: {  	[sflag:s16] =	ssyncset.done $0x0  }
0xd4: {  	[sflag:s16] =	ssyncadd.s32 $0xFFFFEC00  }
0xd5: {  	s18 =	simm.s32 $0x0;
	s4 =	simm.s32 $0x0;
	[bflag:$0x0] =	sbarrier.arrive $0xFFFF  }
.LBB2_6:
0xd6: {  	s22 =	smul.u32 $0x1400, s18;
	_ =	sdelay $0x1  }
0xd7: {  	s22 =	sadd.s32 s22, s10  }
0xd8: {  	s22 =	sshrl.u32 s22, $0x3  }
0xd9: {  	s24 =	sadd.s32 s5, s22  }
0xda: {  	[tilespmem:s4], [sflag:$0x5] =	stream.linear.gather [hbm4b:s24+s4], $0x1400, $0x38;
	[tilespmem:$0x1E800] =	vst v63  }
0xdb: {  	_ =	swait.ge [sflag:s16], $0x1400  }
0xdc: {  	[sflag:s16] =	ssyncset.done $0x0  }
0xdd: {  	s31 =	simm.s32 $0x1400;
	s22 =	sadd.s32 s6, s22;
	[sflag:s16] =	ssyncadd.s32 $0xFFFFEC00  }
0xde: {  	[tilespmem:s31], [sflag:$0x5] =	stream.linear.gather [hbm4b:s22+s4], $0x1400, $0x38;
	[tilespmem:$0x1E800] =	vst v63  }
0xdf: {  	_ =	swait.ge [sflag:s16], $0x1400  }
0xe0: {  	[sflag:s16] =	ssyncset.done $0x0  }
0xe1: {  	[sflag:s16] =	ssyncadd.s32 $0xFFFFEC00  }
0xe2: {  	[tilespmem:s20], [sflag:$0x1] =	stream.indirect.gather [spmem:s3], $0x40, s4, s19, $0xb8;
	[tilespmem:$0x1E800] =	vst v63  }
0xe3: {  	_ = 	snop  }
0xe4: {  	[tilespmem:s21], [sflag:$0x2] =	stream.indirect.gather [spmem:s3], $0x40, s19, s19, $0xb8;
	[tilespmem:$0x1E800] =	vst v63  }
0xe5: {  	s31 =	simm.s32 $0x100  }
0xe6: {  	[tilespmem:s23], [sflag:$0x3] =	stream.indirect.gather [spmem:s3], $0x40, s31, s19, $0xb8;
	[tilespmem:$0x1E800] =	vst v63  }
0xe7: {  	s24 =	simm.s32 $0x180  }
0xe8: {  	[tilespmem:s25], [sflag:$0x4] =	stream.indirect.gather [spmem:s3], $0x40, s24, s19, $0xb8;
	[tilespmem:$0x1E800] =	vst v63  }
0xe9: {  	_ =	swait.ge [sflag:s26], $0x2000  }
0xea: {  	[sflag:s26] =	ssyncset.done $0x0  }
0xeb: {  	s31 =	simm.s32 $0x1400;
	[sflag:s26] =	ssyncadd.s32 $0xFFFFE000  }
0xec: {  	[spmem:s2] =	stream.indirect.scatter.add.f32 [tilespmem:s20], [sflag:$0x5], $0x40, s31, s19, $0xb8;
	[tilespmem:$0x1E800] =	vst v63  }
0xed: {  	_ =	swait.ge [sflag:s16], $0x2000  }
0xee: {  	[sflag:s16] =	ssyncset.done $0x0  }
0xef: {  	s24 =	simm.s32 $0x200;
	[sflag:s16] =	ssyncadd.s32 $0xFFFFE000  }
0xf0: {  	[tilespmem:s20], [sflag:$0x1] =	stream.indirect.gather [spmem:s3], $0x40, s24, s19, $0xb8;
	[tilespmem:$0x1E800] =	vst v63  }
0xf1: {  	_ =	swait.ge [sflag:s28], $0x2000  }
0xf2: {  	[sflag:s28] =	ssyncset.done $0x0  }
0xf3: {  	s31 =	simm.s32 $0x1480;
	[sflag:s28] =	ssyncadd.s32 $0xFFFFE000  }
0xf4: {  	[spmem:s2] =	stream.indirect.scatter.add.f32 [tilespmem:s21], [sflag:$0x5], $0x40, s31, s19, $0xb8;
	[tilespmem:$0x1E800] =	vst v63  }
0xf5: {  	_ =	swait.ge [sflag:s16], $0x2000  }
0xf6: {  	[sflag:s16] =	ssyncset.done $0x0  }
0xf7: {  	s24 =	simm.s32 $0x280;
	[sflag:s16] =	ssyncadd.s32 $0xFFFFE000  }
0xf8: {  	[tilespmem:s21], [sflag:$0x2] =	stream.indirect.gather [spmem:s3], $0x40, s24, s19, $0xb8;
	[tilespmem:$0x1E800] =	vst v63  }
0xf9: {  	_ =	swait.ge [sflag:s29], $0x2000  }
0xfa: {  	[sflag:s29] =	ssyncset.done $0x0  }
0xfb: {  	s31 =	simm.s32 $0x1500;
	[sflag:s29] =	ssyncadd.s32 $0xFFFFE000  }
0xfc: {  	[spmem:s2] =	stream.indirect.scatter.add.f32 [tilespmem:s23], [sflag:$0x5], $0x40, s31, s19, $0xb8;
	[tilespmem:$0x1E800] =	vst v63  }
0xfd: {  	_ =	swait.ge [sflag:s16], $0x2000  }
0xfe: {  	[sflag:s16] =	ssyncset.done $0x0  }
0xff: {  	s24 =	simm.s32 $0x300;
	[sflag:s16] =	ssyncadd.s32 $0xFFFFE000  }
0x100: {  	[tilespmem:s23], [sflag:$0x3] =	stream.indirect.gather [spmem:s3], $0x40, s24, s19, $0xb8;
	[tilespmem:$0x1E800] =	vst v63  }
0x101: {  	_ =	swait.ge [sflag:s30], $0x2000  }
0x102: {  	[sflag:s30] =	ssyncset.done $0x0  }
0x103: {  	s31 =	simm.s32 $0x1580;
	[sflag:s30] =	ssyncadd.s32 $0xFFFFE000  }
0x104: {  	[spmem:s2] =	stream.indirect.scatter.add.f32 [tilespmem:s25], [sflag:$0x5], $0x40, s31, s19, $0xb8;
	[tilespmem:$0x1E800] =	vst v63  }
0x105: {  	_ =	swait.ge [sflag:s16], $0x2000  }
0x106: {  	[sflag:s16] =	ssyncset.done $0x0  }
0x107: {  	s22 =	simm.s32 $0x800;
	s24 =	simm.s32 $0x380;
	[sflag:s16] =	ssyncadd.s32 $0xFFFFE000  }
.LBB2_7:
0x108: {  	[tilespmem:s25], [sflag:$0x4] =	stream.indirect.gather [spmem:s3], $0x40, s24, s19, $0xb8;
	[tilespmem:$0x1E800] =	vst v63  }
0x109: {  	s24 =	smov.u32 s22  }
0x10a: {  	p0 =	sne.s32 s22, $0x3800;
	s22 =	sadd.s32 $0x800, s22;
	_ =	swait.ge [sflag:s26], $0x2000  }
0x10b: {  	s24 =	sshra.s32 s24, $0x2;
	[sflag:s26] =	ssyncset.done $0x0  }
0x10c: {  	s31 =	sadd.s32 $0x1400, s24;
	[sflag:s26] =	ssyncadd.s32 $0xFFFFE000  }
0x10d: {  	[spmem:s2] =	stream.indirect.scatter.add.f32 [tilespmem:s20], [sflag:$0x5], $0x40, s31, s19, $0xb8;
	[tilespmem:$0x1E800] =	vst v63  }
0x10e: {  	_ =	swait.ge [sflag:s16], $0x2000  }
0x10f: {  	[sflag:s16] =	ssyncset.done $0x0  }
0x110: {  	s31 =	sadd.s32 $0x200, s24;
	[sflag:s16] =	ssyncadd.s32 $0xFFFFE000  }
0x111: {  	[tilespmem:s20], [sflag:$0x1] =	stream.indirect.gather [spmem:s3], $0x40, s31, s19, $0xb8;
	[tilespmem:$0x1E800] =	vst v63  }
0x112: {  	_ =	swait.ge [sflag:s28], $0x2000  }
0x113: {  	[sflag:s28] =	ssyncset.done $0x0  }
0x114: {  	s31 =	sadd.s32 $0x1480, s24;
	[sflag:s28] =	ssyncadd.s32 $0xFFFFE000  }
0x115: {  	[spmem:s2] =	stream.indirect.scatter.add.f32 [tilespmem:s21], [sflag:$0x5], $0x40, s31, s19, $0xb8;
	[tilespmem:$0x1E800] =	vst v63  }
0x116: {  	_ =	swait.ge [sflag:s16], $0x2000  }
0x117: {  	[sflag:s16] =	ssyncset.done $0x0  }
0x118: {  	s31 =	sadd.s32 $0x280, s24;
	[sflag:s16] =	ssyncadd.s32 $0xFFFFE000  }
0x119: {  	[tilespmem:s21], [sflag:$0x2] =	stream.indirect.gather [spmem:s3], $0x40, s31, s19, $0xb8;
	[tilespmem:$0x1E800] =	vst v63  }
0x11a: {  	_ =	swait.ge [sflag:s29], $0x2000  }
0x11b: {  	[sflag:s29] =	ssyncset.done $0x0  }
0x11c: {  	s31 =	sadd.s32 $0x1500, s24;
	[sflag:s29] =	ssyncadd.s32 $0xFFFFE000  }
0x11d: {  	[spmem:s2] =	stream.indirect.scatter.add.f32 [tilespmem:s23], [sflag:$0x5], $0x40, s31, s19, $0xb8;
	[tilespmem:$0x1E800] =	vst v63  }
0x11e: {  	_ =	swait.ge [sflag:s16], $0x2000  }
0x11f: {  	[sflag:s16] =	ssyncset.done $0x0  }
0x120: {  	s31 =	sadd.s32 $0x300, s24;
	[sflag:s16] =	ssyncadd.s32 $0xFFFFE000  }
0x121: {  	[tilespmem:s23], [sflag:$0x3] =	stream.indirect.gather [spmem:s3], $0x40, s31, s19, $0xb8;
	[tilespmem:$0x1E800] =	vst v63  }
0x122: {  	_ =	swait.ge [sflag:s30], $0x2000  }
0x123: {  	[sflag:s30] =	ssyncset.done $0x0  }
.Ltmp2:
0x124: {  	s31 =	sadd.s32 $0x1580, s24;
	[sflag:s30] =	ssyncadd.s32 $0xFFFFE000;
	(pc) =	sbr.rel @p0 .LBB2_7-.Ltmp2, $4  }
0x125: {  	[spmem:s2] =	stream.indirect.scatter.add.f32 [tilespmem:s25], [sflag:$0x5], $0x40, s31, s19, $0xb8;
	[tilespmem:$0x1E800] =	vst v63  }
0x126: {  	_ =	swait.ge [sflag:s16], $0x2000  }
0x127: {  	[sflag:s16] =	ssyncset.done $0x0  }
0x128: {  	s24 =	sadd.s32 $0x380, s24;
	[sflag:s16] =	ssyncadd.s32 $0xFFFFE000  }
0x129: {  	[tilespmem:s25], [sflag:$0x4] =	stream.indirect.gather [spmem:s3], $0x40, s24, s19, $0xb8;
	[tilespmem:$0x1E800] =	vst v63  }
0x12a: {  	_ =	swait.ge [sflag:s26], $0x2000  }
0x12b: {  	[sflag:s26] =	ssyncset.done $0x0  }
0x12c: {  	s22 =	simm.s32 $0x2400;
	[sflag:s26] =	ssyncadd.s32 $0xFFFFE000  }
0x12d: {  	[spmem:s2] =	stream.indirect.scatter.add.f32 [tilespmem:s20], [sflag:$0x5], $0x40, s22, s19, $0xb8;
	[tilespmem:$0x1E800] =	vst v63  }
0x12e: {  	_ =	swait.ge [sflag:s16], $0x2000  }
0x12f: {  	[sflag:s16] =	ssyncset.done $0x0  }
0x130: {  	[sflag:s16] =	ssyncadd.s32 $0xFFFFE000  }
0x131: {  	[tilespmem:s20], [sflag:$0x1] =	stream.indirect.gather [spmem:s3], $0x40, s1, s19, $0xb8;
	[tilespmem:$0x1E800] =	vst v63  }
0x132: {  	_ =	swait.ge [sflag:s28], $0x2000  }
0x133: {  	[sflag:s28] =	ssyncset.done $0x0  }
0x134: {  	[sflag:s28] =	ssyncadd.s32 $0xFFFFE000  }
0x135: {  	[spmem:s2] =	stream.indirect.scatter.add.f32 [tilespmem:s21], [sflag:$0x5], $0x40, s0, s19, $0xb8;
	[tilespmem:$0x1E800] =	vst v63  }
0x136: {  	_ =	swait.ge [sflag:s16], $0x2000  }
0x137: {  	[sflag:s16] =	ssyncset.done $0x0  }
0x138: {  	[sflag:s16] =	ssyncadd.s32 $0xFFFFE000  }
0x139: {  	[tilespmem:s21], [sflag:$0x2] =	stream.indirect.gather [spmem:s3], $0x40, s9, s19, $0xb8;
	[tilespmem:$0x1E800] =	vst v63  }
0x13a: {  	_ =	swait.ge [sflag:s29], $0x2000  }
0x13b: {  	[sflag:s29] =	ssyncset.done $0x0  }
0x13c: {  	[sflag:s29] =	ssyncadd.s32 $0xFFFFE000  }
0x13d: {  	[spmem:s2] =	stream.indirect.scatter.add.f32 [tilespmem:s23], [sflag:$0x5], $0x40, s11, s19, $0xb8;
	[tilespmem:$0x1E800] =	vst v63  }
0x13e: {  	_ =	swait.ge [sflag:s16], $0x2000  }
0x13f: {  	[sflag:s16] =	ssyncset.done $0x0  }
0x140: {  	[sflag:s16] =	ssyncadd.s32 $0xFFFFE000  }
0x141: {  	[tilespmem:s23], [sflag:$0x3] =	stream.indirect.gather [spmem:s3], $0x40, s12, s19, $0xb8;
	[tilespmem:$0x1E800] =	vst v63  }
0x142: {  	_ =	swait.ge [sflag:s30], $0x2000  }
0x143: {  	[sflag:s30] =	ssyncset.done $0x0  }
0x144: {  	[sflag:s30] =	ssyncadd.s32 $0xFFFFE000  }
0x145: {  	[spmem:s2] =	stream.indirect.scatter.add.f32 [tilespmem:s25], [sflag:$0x5], $0x40, s13, s19, $0xb8;
	[tilespmem:$0x1E800] =	vst v63  }
0x146: {  	_ =	swait.ge [sflag:s16], $0x2000  }
0x147: {  	[sflag:s16] =	ssyncset.done $0x0  }
0x148: {  	[sflag:s16] =	ssyncadd.s32 $0xFFFFE000  }
0x149: {  	[tilespmem:s25], [sflag:$0x4] =	stream.indirect.gather [spmem:s3], $0x40, s14, s19, $0xb8;
	[tilespmem:$0x1E800] =	vst v63  }
0x14a: {  	_ =	swait.ge [sflag:s26], $0x2000  }
0x14b: {  	[sflag:s26] =	ssyncset.done $0x0  }
0x14c: {  	[sflag:s26] =	ssyncadd.s32 $0xFFFFE000  }
0x14d: {  	[spmem:s2] =	stream.indirect.scatter.add.f32 [tilespmem:s20], [sflag:$0x5], $0x40, s7, s19, $0xb8;
	[tilespmem:$0x1E800] =	vst v63  }
0x14e: {  	_ =	swait.ge [sflag:s16], $0x2000  }
0x14f: {  	[sflag:s16] =	ssyncset.done $0x0  }
0x150: {  	[sflag:s16] =	ssyncadd.s32 $0xFFFFE000  }
0x151: {  	[tilespmem:s20], [sflag:$0x1] =	stream.indirect.gather [spmem:s3], $0x40, s14, s19, $0xb8;
	[tilespmem:$0x1E800] =	vst v63  }
0x152: {  	_ =	swait.ge [sflag:s28], $0x2000  }
0x153: {  	[sflag:s28] =	ssyncset.done $0x0  }
0x154: {  	[sflag:s28] =	ssyncadd.s32 $0xFFFFE000  }
0x155: {  	[spmem:s2] =	stream.indirect.scatter.add.f32 [tilespmem:s21], [sflag:$0x5], $0x40, s17, s19, $0xb8;
	[tilespmem:$0x1E800] =	vst v63  }
0x156: {  	_ =	swait.ge [sflag:s16], $0x2000  }
0x157: {  	[sflag:s16] =	ssyncset.done $0x0  }
0x158: {  	[sflag:s16] =	ssyncadd.s32 $0xFFFFE000  }
0x159: {  	[tilespmem:s21], [sflag:$0x2] =	stream.indirect.gather [spmem:s3], $0x40, s14, s19, $0xb8;
	[tilespmem:$0x1E800] =	vst v63  }
0x15a: {  	_ =	swait.ge [sflag:s29], $0x2000  }
0x15b: {  	[sflag:s29] =	ssyncset.done $0x0  }
0x15c: {  	[sflag:s29] =	ssyncadd.s32 $0xFFFFE000  }
0x15d: {  	[spmem:s2] =	stream.indirect.scatter.add.f32 [tilespmem:s23], [sflag:$0x5], $0x40, s15, s19, $0xb8;
	[tilespmem:$0x1E800] =	vst v63  }
0x15e: {  	_ =	swait.ge [sflag:s16], $0x2000  }
0x15f: {  	[sflag:s16] =	ssyncset.done $0x0  }
0x160: {  	[sflag:s16] =	ssyncadd.s32 $0xFFFFE000  }
0x161: {  	[tilespmem:s23], [sflag:$0x3] =	stream.indirect.gather [spmem:s3], $0x40, s14, s19, $0xb8;
	[tilespmem:$0x1E800] =	vst v63  }
0x162: {  	_ =	swait.ge [sflag:s30], $0x2000  }
0x163: {  	[sflag:s30] =	ssyncset.done $0x0  }
0x164: {  	[sflag:s30] =	ssyncadd.s32 $0xFFFFE000  }
0x165: {  	[spmem:s2] =	stream.indirect.scatter.add.f32 [tilespmem:s25], [sflag:$0x5], $0x40, s8, s19, $0xb8;
	[tilespmem:$0x1E800] =	vst v63  }
0x166: {  	_ =	swait.ge [sflag:s16], $0x2000  }
0x167: {  	[sflag:s16] =	ssyncset.done $0x0  }
0x168: {  	[sflag:s16] =	ssyncadd.s32 $0xFFFFE000  }
0x169: {  	[tilespmem:s25], [sflag:$0x4] =	stream.indirect.gather [spmem:s3], $0x40, s14, s19, $0xb8;
	[tilespmem:$0x1E800] =	vst v63  }
0x16a: {  	_ =	swait.ge [sflag:s26], $0x2000  }
0x16b: {  	[sflag:s26] =	ssyncset.done $0x0  }
0x16c: {  	[sflag:s26] =	ssyncadd.s32 $0xFFFFE000  }
0x16d: {  	_ =	swait.ge [sflag:s28], $0x2000  }
0x16e: {  	[sflag:s28] =	ssyncset.done $0x0  }
0x16f: {  	s18 =	sadd.s32 $0x1, s18;
	[sflag:s28] =	ssyncadd.s32 $0xFFFFE000  }
0x170: {  	p0 =	sne.s32 s18, $0x4;
	_ =	swait.ge [sflag:s29], $0x2000  }
.Ltmp3:
0x171: {  	[sflag:s29] =	ssyncset.done $0x0;
	(pc) =	sbr.rel @p0 .LBB2_6-.Ltmp3, $4  }
0x172: {  	[sflag:s29] =	ssyncadd.s32 $0xFFFFE000  }
0x173: {  	_ =	swait.ge [sflag:s30], $0x2000  }
0x174: {  	[sflag:s30] =	ssyncset.done $0x0  }
0x175: {  	[sflag:s30] =	ssyncadd.s32 $0xFFFFE000  }
0x176: {  	[bflag:$0x0] =	sbarrier.arrive $0xFFFF  }
0x177: {  	s22 =	rddreg [dreg:$0x6]  }
0x178: {  	s4 =	rddreg [dreg:$0xb]  }
0x179: {  	s24 =	rddreg [dreg:$0xc]  }
0x17a: {  	[hbm:s4], [sflag:s22] =	dma.local [spmem:s24], $0x1400  }
0x17b: {  	_ =	swait.ge [sflag:s16], $0x1400  }
0x17c: {  	s18 =	rddreg [dreg:$0x4]  }
0x17d: {  	s4 =	rddreg [dreg:$0x9];
	s18 =	sadd.s32 $0x1, s18  }
0x17e: {  	p0 =	sne.s32 s18, s4  }
.Ltmp4:
0x17f: {  	_ = 	snop;
	(pc) =	sbr.rel @p0 .LBB2_1-.Ltmp4, $3  }
0x180: {  	_ =	sdelay $0x1  }
0x181: {  	[sflag:s16] =	ssyncset.done $0x0  }
0x182: {  	s31 =	rddreg [dreg:$0x5];
	[sflag:s16] =	ssyncadd.s32 $0xFFFFEC00  }
0x183: {  	_ =	sfence.sel $0x180000  }
0x184: {  	[bflag:$0x0] =	sbarrier.arrive $0xFFFF  }
0x185: {  	_ =	strace $0x9000004D  }
0x186: {  	s0 =	stileid.u32;
	[bflag:$0x2] =	sbarrier.arrive $0xFFFF  }
0x187: {  	p0 =	sne.s32 s0, $0x0;
	s0 =	rddreg [dreg:$0x3]  }
0x188: {  	s0 =	sadd.s32 @!p0 $0x100000, s0  }
0x189: {  	[sflag:s0] =	ssyncadd.tile.s32 @!p0 $0x1;
	_ =	shalt  }
.Lfunc_end2:
_tile_overlayer_lowered:
.L_overlay_start_2:
0x18a: {  	(tag) =	ssettag $0x2  }
0x18b: {  	s0 =	rddreg [dreg:$0x0];
	s2 =	stileid.u32  }
0x18c: {  	s1 =	rddreg [dreg:$0x1];
	p0 =	sne.s32 s2, $0x0  }
0x18d: {  	s3 =	rddreg [dreg:$0x2];
	[bflag:$0x3] =	sbarrier.arrive $0xFFFF;
	s2 =	simm.s32 @!p0 $0x1C05  }
0x18e: {  	[timem:s3], [sflag:s2] =	dma.local @!p0 [hbm:s0], s1  }
0x18f: {  	s0 =	simm.s32 @!p0 $0x5  }
0x190: {  	_ =	swait.ge @!p0 [sflag:s0], s1  }
0x191: {  	s1 =	ssub.s32 @!p0 $0x0, s1;
	[sflag:s0] =	ssyncset.done @!p0 $0x0  }
0x192: {  	[sflag:s0] =	ssyncadd.s32 @!p0 s1  }
0x193: {  	[bflag:$0x3] =	sbarrier.arrive $0xFFFF  }
0x194: {  	_ =	shalt  }

// kernel: kernel.8.cloned.1.call-start
scs
__scs_entry_jumppad:
0x0: {  	(pc) =	sbr.rel $0x88, $3  }
0x1: {  	(tag) =	ssettag $0x0;
	lr =	simm.s32 $0x1  }
0x2: {  	[smem:$0x3F91] =	sst lr;
	_ =	strace $0xD0000000  }
0x3: {  	_ = 	snop  }
0x4: {  	_ = 	snop  }
0x5: {  	_ = 	snop  }
0x6: {  	_ = 	snop  }
0x7: {  	_ = 	snop  }
__scs_overlays_trampoline_lowered:
0x8: {  	[smem:$0x3FA0] =	sst s0  }
0x9: {  	[smem:$0x3FA1] =	sst s1  }
0xa: {  	[smem:$0x3FA2] =	sst s2  }
0xb: {  	[smem:$0x3FA3] =	sst s3  }
0xc: {  	[smem:$0x3FA4] =	sst s4  }
0xd: {  	[smem:$0x3FA5] =	sst s5  }
0xe: {  	[smem:$0x3FA6] =	sst s6  }
0xf: {  	[smem:$0x3FA7] =	sst s7  }
0x10: {  	[smem:$0x3FA8] =	sst s8  }
0x11: {  	[smem:$0x3FA9] =	sst s9;
	s0 =	simm.s32 @!p0 $0x0  }
0x12: {  	s1 =	sld [smem:$0x3F8F];
	s0 =	simm.s32 @p0 $0x1  }
0x13: {  	[smem:$0x3FAA] =	sst s0;
	s0 =	simm.s32 @!p1 $0x0  }
0x14: {  	s2 =	sld [smem:$0x3F8E];
	s0 =	simm.s32 @p1 $0x1  }
0x15: {  	[smem:$0x3FAB] =	sst s0;
	s0 =	simm.s32 @!p2 $0x0  }
0x16: {  	s3 =	sld [smem:$0x3FDB];
	s0 =	simm.s32 @p2 $0x1  }
0x17: {  	s4 =	simm.s32 $0x1BF5;
	[smem:$0x3FAD] =	sst s0  }
0x18: {  	s0 =	sld [smem:$0x3F90];
	_ =	swait.ge [sflag:s4], $0x0  }
0x19: {  	s7 =	sld [smem:$0x3F91]  }
0x1a: {  	s8 =	sadd.s32 $0xFFFFE003, lr  }
0x1b: {  	s9 =	sadd.s32 $0xFFFFFEF7, lr;
	s5 =	simm.s32 $0xFFFFFFFF;
	p2 =	slt.u32 s8, $0xFFFFF086  }
0x1c: {  	p1 =	slt.u32 s9, $0xF7A;
	s5 =	simm.s32 @!p2 $0x0  }
0x1d: {  	s5 =	simm.s32 @p1 $0x1;
	p0 =	seq.s32 s7, s2  }
0x1e: {  	s7 =	smul.u32 @!p0 $0xF7A, s2;
	p2 =	seq.s32 @!p0 s5, $0x0  }
0x1f: {  	s9 =	smul.u32 $0xF7A, s1;
	s8 =	simm.s32 @!p0 $0x1BF5;
	p2 =	por !p2, p0  }
0x20: {  	[sflag:s8] =	ssyncset.s32 @!p0 $0xFFFFF086;
	s6 =	sadd.s32 @!p0 s3, s7;
	s7 =	simm.s32 @!p0 $0x108  }
0x21: {  	s3 =	sadd.s32 s3, s9;
	s6 =	sadd.s32 @!p0 $0x88, s6;
	s7 =	simm.s32 @p2 $0x1082  }
0x22: {  	[simem:s7], [sflag:s8] =	dma.local @!p0 [hbm:s6], $0xF7A  }
0x23: {  	s9 =	sor.u32 $0xD0000000, s2;
	s6 =	simm.s32 $0x108;
	_ =	swait.ge @!p0 [sflag:s8], $0x0  }
0x24: {  	s3 =	sadd.s32 $0x88, s3;
	s6 =	simm.s32 @!p1 $0x1082;
	[sflag:s4] =	ssyncset.s32 $0xFFFFF086  }
0x25: {  	[simem:s6], [sflag:s4] =	dma.local [hbm:s3], $0xF7A  }
0x26: {  	[smem:$0x3F91] =	sst s1;
	(tag) =	ssettag s2;
	_ =	strace s9  }
0x27: {  	s1 =	sld [smem:$0x3FA1]  }
0x28: {  	s2 =	sld [smem:$0x3FA2]  }
0x29: {  	s4 =	sld [smem:$0x3FA4]  }
0x2a: {  	p0 =	seq.s32 s5, $0x0;
	s5 =	sld [smem:$0x3FA5]  }
0x2b: {  	s6 =	sld [smem:$0x3FA6]  }
0x2c: {  	s7 =	sld [smem:$0x3FA7]  }
0x2d: {  	s3 =	simm.s32 $0x108;
	s8 =	sld [smem:$0x3FA8]  }
0x2e: {  	s3 =	simm.s32 @!p0 $0x1082;
	s9 =	sld [smem:$0x3FA9]  }
0x2f: {  	lr =	sadd.s32 s0, s3;
	s0 =	sld [smem:$0x3FA0]  }
0x30: {  	s3 =	sld [smem:$0x3FA3]  }
0x31: {  	[smem:$0x3FAC] =	sst s10  }
0x32: {  	s10 =	sld [smem:$0x3FAA];
	_ =	sdelay $0x3  }
0x33: {  	p0 =	seq.s32 s10, $0x1;
	s10 =	sld [smem:$0x3FAC];
	_ =	sdelay $0x3  }
0x34: {  	[smem:$0x3FAC] =	sst s10  }
0x35: {  	s10 =	sld [smem:$0x3FAB];
	_ =	sdelay $0x3  }
0x36: {  	p1 =	seq.s32 s10, $0x1;
	s10 =	sld [smem:$0x3FAC];
	_ =	sdelay $0x3  }
0x37: {  	[smem:$0x3FAC] =	sst s10  }
0x38: {  	s10 =	sld [smem:$0x3FAD]  }
0x39: {  	_ = 	snop;
	(pc) =	sbr.ind lr, $3  }
0x3a: {  	_ = 	snop  }
0x3b: {  	_ = 	snop  }
0x3c: {  	p2 =	seq.s32 s10, $0x1;
	s10 =	sld [smem:$0x3FAC]  }
0x3d: {  	_ =	shalt  }
0x3e: {  	_ =	shalt  }
0x3f: {  	_ =	shalt  }
0x40: {  	_ =	shalt  }
0x41: {  	_ =	shalt  }
0x42: {  	_ =	shalt  }
0x43: {  	_ =	shalt  }
0x44: {  	_ =	shalt  }
0x45: {  	_ =	shalt  }
0x46: {  	_ =	shalt  }
0x47: {  	_ =	shalt  }
0x48: {  	_ =	shalt  }
0x49: {  	_ =	shalt  }
0x4a: {  	_ =	shalt  }
0x4b: {  	_ =	shalt  }
0x4c: {  	_ =	shalt  }
0x4d: {  	_ =	shalt  }
0x4e: {  	_ =	shalt  }
0x4f: {  	_ =	shalt  }
0x50: {  	_ =	shalt  }
0x51: {  	_ =	shalt  }
0x52: {  	_ =	shalt  }
0x53: {  	_ =	shalt  }
0x54: {  	_ =	shalt  }
0x55: {  	_ =	shalt  }
0x56: {  	_ =	shalt  }
0x57: {  	_ =	shalt  }
0x58: {  	_ =	shalt  }
0x59: {  	_ =	shalt  }
0x5a: {  	_ =	shalt  }
0x5b: {  	_ =	shalt  }
0x5c: {  	_ =	shalt  }
0x5d: {  	_ =	shalt  }
0x5e: {  	_ =	shalt  }
0x5f: {  	_ =	shalt  }
0x60: {  	_ =	shalt  }
0x61: {  	_ =	shalt  }
0x62: {  	_ =	shalt  }
0x63: {  	_ =	shalt  }
0x64: {  	_ =	shalt  }
0x65: {  	_ =	shalt  }
0x66: {  	_ =	shalt  }
0x67: {  	_ =	shalt  }
0x68: {  	_ =	shalt  }
0x69: {  	_ =	shalt  }
0x6a: {  	_ =	shalt  }
0x6b: {  	_ =	shalt  }
0x6c: {  	_ =	shalt  }
0x6d: {  	_ =	shalt  }
0x6e: {  	_ =	shalt  }
0x6f: {  	_ =	shalt  }
0x70: {  	_ =	shalt  }
0x71: {  	_ =	shalt  }
0x72: {  	_ =	shalt  }
0x73: {  	_ =	shalt  }
0x74: {  	_ =	shalt  }
0x75: {  	_ =	shalt  }
0x76: {  	_ =	shalt  }
0x77: {  	_ =	shalt  }
0x78: {  	_ =	shalt  }
0x79: {  	_ =	shalt  }
0x7a: {  	_ =	shalt  }
0x7b: {  	_ =	shalt  }
0x7c: {  	_ =	shalt  }
0x7d: {  	_ =	shalt  }
0x7e: {  	_ =	shalt  }
0x7f: {  	_ =	shalt  }
0x80: {  	_ =	shalt  }
0x81: {  	_ =	shalt  }
0x82: {  	_ =	shalt  }
0x83: {  	_ =	shalt  }
0x84: {  	_ =	shalt  }
0x85: {  	_ =	shalt  }
0x86: {  	_ =	shalt  }
0x87: {  	_ =	shalt  }
.Lfunc_end0:
.L_simem_size_0:
called_computation_lowered:
.L_overlay_start_0:
0x88: {  	s2 =	sld [smem:$0x3FD9]  }
0x89: {  	s3 =	sld [smem:$0x3FFE];
	_ =	sdelay $0x1  }
0x8a: {  	s1 =	srdreg.scid  }
0x8b: {  	s0 =	sand.u32 $0x1, s1  }
0x8c: {  	s16 =	sshll.u32 s0, $0xA;
	s2 =	sadd.s32 s3, s2  }
0x8d: {  	s2 =	sadd.s32 s2, s16  }
0x8e: {  	[smem:$0x3FB8] =	sst s2  }
0x8f: {  	_ = 	snop  }
0x90: {  	(tm) =	ssettm $0x1  }
0x91: {  	s17 =	sld [smem:$0x3FFB];
	_ =	sdelay $0x3  }
0x92: {  	_ =	strace s17  }
0x93: {  	s2 =	sld [smem:$0x3FFC];
	_ =	sdelay $0x3  }
0x94: {  	_ =	strace s2  }
0x95: {  	s2 =	sld [smem:$0x3FFD];
	_ =	sdelay $0x3  }
0x96: {  	_ =	strace s2  }
0x97: {  	_ =	strace $0x8FFFFFFF  }
0x98: {  	s18 =	sld [smem:$0x3FDB];
	_ =	sdelay $0x1  }
0x99: {  	s19 =	simm.s32 $_scs_section_size  }
0x9a: {  	s4 =	simm.s32 $_size__tile_overlayer_lowered;
	s5 =	simm.s32 $_tile_overlayer_lowered  }
0x9b: {  	s22 =	simm.s32 $0x1BFF;
	s21 =	sshll.u32 s5, $0x1;
	s2 =	sadd.s32 s19, s18  }
0x9c: {  	s6 =	simm.s32 $0x0;
	s20 =	sshll.u32 s4, $0x1;
	s4 =	sadd.s32 s21, s2  }
0x9d: {  	[timem:s6], [sflag:s22] =	dma.local [hbm:s4], s20  }
0x9e: {  	_ =	swait.ge [sflag:s22], s20  }
0x9f: {  	s3 =	ssub.s32 $0x0, s20;
	[sflag:s22] =	ssyncset.done $0x0  }
0xa0: {  	[sflag:s22] =	ssyncadd.s32 s3;
	_ =	sdelay $0x1  }
0xa1: {  	s23 =	simm.s32 $0x1B8B  }
0xa2: {  	_ =	swait.ge [sflag:s23], $0x1  }
0xa3: {  	[sflag:s23] =	ssyncset.done $0x0  }
0xa4: {  	s25 =	simm.s32 $0x1B8E;
	s24 =	sld [smem:$0x3FFE];
	[sflag:s23] =	ssyncadd.s32 $0xFFFFFFFF  }
0xa5: {  	s26 =	simm.s32 $execute0_lowered;
	[smem:$0x3FD2] =	sst s25  }
0xa6: {  	s4 =	sshll.u32 s26, $0x1;
	_ =	strace $0x80000046;
	[dreg:$0x1] =	wrdreg $0xFFFFFFFF  }
0xa7: {  	s28 =	simm.s32 $_size_execute0_lowered;
	s2 =	sadd.s32 s2, s4;
	[dreg:$0x0] =	wrdreg $0x0  }
0xa8: {  	s4 =	sshll.u32 s28, $0x1;
	[dreg:$0x2] =	wrdreg s2  }
0xa9: {  	[dreg:$0x3] =	wrdreg s4  }
0xaa: {  	[dreg:$0x4] =	wrdreg $0xC0  }
0xab: {  	_ =	task [dreg:s6], $0x5FFFF  }
0xac: {  	[dreg:$0x1] =	wrdreg $0xFFFFFFFF  }
0xad: {  	[dreg:$0x0] =	wrdreg $0x60  }
0xae: {  	[dreg:$0x2] =	wrdreg s24  }
0xaf: {  	[dreg:$0x3] =	wrdreg $0x58000  }
0xb0: {  	[dreg:$0x4] =	wrdreg $0x9  }
0xb1: {  	_ =	task.clear_ibuf [dreg:s6], $0x5FFFF;
	_ =	strace $0x90000046  }
0xb2: {  	s29 =	simm.s32 $0x9;
	_ =	strace $0x80000048  }
0xb3: {  	_ =	swait.ge [sflag:s29], $0x1  }
0xb4: {  	[sflag:s29] =	ssyncadd.s32 $0xFFFFFFFF  }
0xb5: {  	_ =	strace $0x90000048  }
0xb6: {  	_ =	sfence  }
0xb7: {  	s30 =	sld [smem:$0x0];
	_ =	sdelay $0x2  }
0xb8: {  	s31 =	sshll.u32 s1, $0xD;
	s1 =	sshrl.u32 s1, $0x2  }
0xb9: {  	s3 =	sand.u32 $0x4000, s31;
	s1 =	sadd.s32 s1, s30  }
0xba: {  	s0 =	sor.u32 s3, s0;
	s1 =	sshll.u32 s1, $0x11  }
0xbb: {  	s0 =	sor.u32 s1, s0  }
0xbc: {  	s0 =	sadd.s32 $0x8F2B, s0  }
0xbd: {  	[sflag:s0] =	ssyncadd.remote.s32 $0x1  }
0xbe: {  	_ =	sfence.sel $0xFFFF  }
0xbf: {  	[dreg:$0x0] =	wrdreg $0xFFFFFFFF;
	(pc) =	sbr.abs _section_cstart, $3  }
0xc0: {  	[dreg:$0x1] =	wrdreg $0xFFFFFFFF  }
0xc1: {  	_ =	task.clear_ibuf [dreg:s6], $0x2FFFF;
	_ =	strace $0x9FFFFFFF  }
0xc2: {  	(tm) =	ssettm $0x7FFFFFFF  }
0xc3: {  	_ =	shalt  }
tec
execute0_lowered:
.L_overlay_start_1:
0x0: {  	(tag) =	ssettag $0x1  }
0x1: {  	s6 =	rddreg [dreg:$0x0]  }
0x2: {  	s0 =	srdreg.scid;
	s2 =	rddreg [dreg:$0x1]  }
0x3: {  	s1 =	rddreg [dreg:$0x2];
	s4 =	sand.u32 $0x1, s0  }
0x4: {  	s3 =	simm.s32 $0x0;
	s0 =	stileid.u32;
	s5 =	smul.u32 $0x50000, s4  }
0x5: {  	[smem:$0x7FF] =	sst s3;
	s7 =	smul.u32 $0x5000, s0  }
0x6: {  	s14 =	simm.s32 $0x0;
	s8 =	smul.u32 $0x2800, s0;
	_ =	strace $0x80000047  }
0x7: {  	p0 =	seq.s32 s4, $0x1;
	s11 =	ssub.s32 $0x2, s4;
	s4 =	sadd.s32 $0x2800, s6  }
0x8: {  	s31 =	sshll.u32 s0, $0x6;
	s29 =	sshrl.u32 s11, $0x1;
	s5 =	sadd.s32 s7, s5  }
0x9: {  	s7 =	sshrl.u32 s8, $0x3;
	s30 =	ssub.s32 s11, s29;
	s13 =	sadd.s32 s8, s2  }
0xa: {  	s11 =	sor.u32 $0x1C01, s31;
	s5 =	sshrl.u32 s5, $0x3;
	s10 =	sadd.s32 $0x5000, s7  }
0xb: {  	s9 =	sadd.s32 s7, s6;
	s5 =	sadd.s32 s5, s6;
	s7 =	smov.u32 @p0 s10  }
0xc: {  	s10 =	simm.s32 $0x5000;
	s12 =	sadd.s32 s7, s6;
	s5 =	sadd.s32 $0x2A00, s5  }
0xd: {  	s6 =	sadd.s32 $0x16A00, s9;
	s7 =	smax.u32 s30, $0x1;
	s9 =	simm.s32 $0x1  }
0xe: {  	s8 =	sadd.s32 $0x1BA00, s12;
	s12 =	sshrl.u32 s13, $0x3;
	s13 =	simm.s32 $0x80  }
.LBB2_1:
0xf: {  	[tilespmem:s3], [sflag:$0x1] =	stream.linear.gather [hbm4b:s5+s3], $0x5000, $0x38;
	[tilespmem:$0x8000] =	vst v63  }
0x10: {  	_ =	swait.ge [sflag:s9], $0x5000  }
0x11: {  	[sflag:s9] =	ssyncset.done $0x0  }
0x12: {  	[sflag:s9] =	ssyncadd.s32 $0xFFFFB000  }
0x13: {  	[tilespmem:s10], [sflag:$0x1] =	stream.linear.gather [hbm4b:s4+s3], $0x800, $0x38;
	[tilespmem:$0x8000] =	vst v63  }
0x14: {  	_ =	swait.ge [sflag:s9], $0x800  }
0x15: {  	[sflag:s9] =	ssyncset.done $0x0  }
0x16: {  	[sflag:s9] =	ssyncadd.s32 $0xFFFFF800  }
0x17: {  	[spmem:s12], [sflag:s11] =	dma.local [hbm:s6], $0x500  }
0x18: {  	_ =	swait.ge [sflag:s9], $0x500  }
0x19: {  	[sflag:s9] =	ssyncset.done $0x0  }
0x1a: {  	[sflag:s9] =	ssyncadd.s32 $0xFFFFFB00  }
0x1b: {  	s15 =	simm.s32 $0x0;
	[bflag:$0x0] =	sbarrier.arrive $0xFFFF  }
0x1c: {  	[spmem:s2] =	stream.indirect.scatter.add.f32 [tilespmem:s10], [sflag:$0x1], $0x10, s15, s13, $0xb8;
	[tilespmem:$0x8000] =	vst v63  }
0x1d: {  	_ =	swait.ge [sflag:s9], $0x800  }
0x1e: {  	s15 =	simm.s32 $0x200;
	[sflag:s9] =	ssyncset.done $0x0  }
.LBB2_2:
0x1f: {  	s16 =	sshra.s32 s15, $0x2;
	[sflag:s9] =	ssyncadd.s32 $0xFFFFF800;
	p0 =	sne.s32 s15, $0x13E00  }
0x20: {  	[spmem:s2] =	stream.indirect.scatter.add.f32 [tilespmem:s10], [sflag:$0x1], $0x10, s16, s13, $0xb8;
	[tilespmem:$0x8000] =	vst v63  }
.Ltmp0:
0x21: {  	_ = 	snop;
	(pc) =	sbr.rel @p0 .LBB2_2-.Ltmp0, $4  }
0x22: {  	_ = 	snop  }
0x23: {  	s15 =	sadd.s32 $0x200, s15  }
0x24: {  	_ =	swait.ge [sflag:s9], $0x800  }
0x25: {  	[sflag:s9] =	ssyncset.done $0x0  }
0x26: {  	s14 =	sadd.s32 $0x1, s14  }
0x27: {  	[sflag:s9] =	ssyncadd.s32 $0xFFFFF800;
	p0 =	sne.s32 s14, s7  }
.Ltmp1:
0x28: {  	[bflag:$0x0] =	sbarrier.arrive $0xFFFF;
	(pc) =	sbr.rel @p0 .LBB2_1-.Ltmp1, $4  }
0x29: {  	[hbm:s8], [sflag:s11] =	dma.local [spmem:s12], $0x500  }
0x2a: {  	_ =	swait.ge [sflag:s9], $0x500  }
0x2b: {  	[sflag:s9] =	ssyncset.done $0x0  }
0x2c: {  	[sflag:s9] =	ssyncadd.s32 $0xFFFFFB00  }
0x2d: {  	_ =	sfence.sel $0x180000  }
0x2e: {  	[bflag:$0x0] =	sbarrier.arrive $0xFFFF  }
0x2f: {  	p0 =	sne.s32 s0, $0x0;
	_ =	strace $0x90000047  }
0x30: {  	s0 =	sadd.s32 @!p0 $0x100000, s1;
	[bflag:$0x2] =	sbarrier.arrive $0xFFFF  }
0x31: {  	[sflag:s0] =	ssyncadd.tile.s32 @!p0 $0x1;
	_ =	shalt  }
.Lfunc_end2:
_tile_overlayer_lowered:
.L_overlay_start_2:
0x32: {  	(tag) =	ssettag $0x2  }
0x33: {  	s0 =	rddreg [dreg:$0x0];
	s2 =	stileid.u32  }
0x34: {  	s1 =	rddreg [dreg:$0x1];
	p0 =	sne.s32 s2, $0x0  }
0x35: {  	s3 =	rddreg [dreg:$0x2];
	[bflag:$0x3] =	sbarrier.arrive $0xFFFF;
	s2 =	simm.s32 @!p0 $0x1C01  }
0x36: {  	[timem:s3], [sflag:s2] =	dma.local @!p0 [hbm:s0], s1  }
0x37: {  	s0 =	simm.s32 @!p0 $0x1  }
0x38: {  	_ =	swait.ge @!p0 [sflag:s0], s1  }
0x39: {  	s1 =	ssub.s32 @!p0 $0x0, s1;
	[sflag:s0] =	ssyncset.done @!p0 $0x0  }
0x3a: {  	[sflag:s0] =	ssyncadd.s32 @!p0 s1  }
0x3b: {  	[bflag:$0x3] =	sbarrier.arrive $0xFFFF  }
0x3c: {  	_ =	shalt  }

</sc_bundles>
